<compile_context>
chip_gen: v7x
topology: tpu7x:2x2x1
jax: 0.10.2.dev20260603
libtpu: 0.0.44.dev20260713+nightly
codegen_flags: <defaults>
</compile_context>

<pallas_src>
import functools

import jax
import jax.numpy as jnp
from jax import lax
from jax.experimental import pallas as pl
from jax.experimental.pallas import tpu as pltpu
from jax.experimental.pallas import tpu_sc as plsc

_B, _H, _D = 16384, 200, 32
_NC, _NS = 2, 16
_NW = _NC * _NS
_RPW = _B // _NW
_KS = (40, 40, 40, 40, 40)
_KA = 40
_OB = 32
_NBUF = 8
_V = 100000
_VS = _V // _NS
_IBR = 32
_NBLK = _RPW // _IBR
_IBW = _IBR * _H


def _emb_pool_body(x_hbm, emb_hbm, out_hbm, idx_v, acc_v, out_v, emb_sh,
                   sem_g, sem_i):
    wid = lax.axis_index("s") * _NC + lax.axis_index("c")
    sid = lax.axis_index("s")
    row0 = wid * _RPW

    pltpu.sync_copy(emb_hbm.at[pl.ds(sid * _VS, _VS), :],
                    emb_sh.at[pl.ds(sid * _VS, _VS), :])

    zb = jnp.zeros((32,), jnp.bfloat16)
    zf = jnp.zeros((16,), jnp.float32)

    def zero_body(j, carry):
        for p in range(_NBUF):
            acc_v[p, j, :] = zb
        return carry

    lax.fori_loop(0, _KA, zero_body, 0)
    plsc.subcore_barrier()

    def stage_idx(blk, buf):
        return pltpu.async_copy(
            x_hbm.at[pl.ds((row0 + blk * _IBR) * _H, _IBW)],
            idx_v.at[buf], sem_i)

    def fire_at(r):
        blk = r // _IBR
        rl = lax.rem(r, _IBR)
        off = 0
        for k in _KS:
            pltpu.async_copy(
                emb_sh.at[idx_v.at[lax.rem(blk, 3),
                                   pl.ds(rl * _H + off, k)]],
                acc_v.at[lax.rem(r, _NBUF), pl.ds(0, k)], sem_g, add=True)
            off += k

    def drain_at(r):
        blk = r // _IBR
        rl = lax.rem(r, _IBR)
        off = 0
        for k in _KS:
            pltpu.make_async_copy(
                emb_sh.at[idx_v.at[lax.rem(blk, 3),
                                   pl.ds(rl * _H + off, k)]],
                acc_v.at[lax.rem(r, _NBUF), pl.ds(0, k)], sem_g).wait()
            off += k

    stage_idx(0, 0).wait()
    stage_idx(1, 1)

    for rr in range(_NBUF - 1):
        fire_at(rr)

    ii2 = lax.iota(jnp.int32, 16) * 2

    def blk_body(blk, carry):
        @pl.when(blk + 1 < _NBLK)
        def _():
            pltpu.make_async_copy(
                x_hbm.at[pl.ds((row0 + (blk + 1) * _IBR) * _H, _IBW)],
                idx_v.at[lax.rem(blk + 1, 3)], sem_i).wait()

        @pl.when(blk + 2 < _NBLK)
        def _():
            stage_idx(blk + 2, lax.rem(blk + 2, 3))

        def row_body(rl, carry):
            r = blk * _IBR + rl

            @pl.when(r + _NBUF - 1 < _RPW)
            def _():
                fire_at(r + _NBUF - 1)

            drain_at(r)
            p = lax.rem(r, _NBUF)

            a0 = a1 = a2 = a3 = zf
            for jj in range(_KA):
                ev, od = plsc.unpack(
                    acc_v[p, jj, :], format=plsc.PackFormat.INTERLEAVED)
                if jj % 2 == 0:
                    a0 = a0 + ev
                    a2 = a2 + od
                else:
                    a1 = a1 + ev
                    a3 = a3 + od
                acc_v[p, jj, :] = zb
            base = rl * _D + ii2
            plsc.store_scatter(out_v, [base], a0 + a1)
            plsc.store_scatter(out_v, [base + 1], a2 + a3)
            return carry

        lax.fori_loop(0, _IBR, row_body, 0)
        pltpu.sync_copy(
            out_v, out_hbm.at[pl.ds((row0 + blk * _IBR) * _D, _OB * _D)])
        return carry

    lax.fori_loop(0, _NBLK, blk_body, 0)


_emb_pool = functools.partial(
    pl.kernel,
    out_type=jax.ShapeDtypeStruct((_B * _D,), jnp.float32),
    mesh=plsc.VectorSubcoreMesh(core_axis_name="c", subcore_axis_name="s"),
    compiler_params=pltpu.CompilerParams(
        use_tc_tiling_on_sc=False, needs_layout_passes=False),
    scratch_types=[
        pltpu.VMEM((3, _IBW), jnp.int32),
        pltpu.VMEM((_NBUF, _KA, _D), jnp.bfloat16),
        pltpu.VMEM((_OB * _D,), jnp.float32),
        pltpu.VMEM_SHARED((_V, _D), jnp.bfloat16),
        pltpu.SemaphoreType.DMA,
        pltpu.SemaphoreType.DMA,
    ],
)(_emb_pool_body)


@jax.jit
def kernel(x, action_emb):
    out_flat = _emb_pool(x.reshape(-1), action_emb.astype(jnp.bfloat16))
    return out_flat.reshape(_B, _D)

# --- scband reference (transcript-rebuilt; emitter-appended) ---
"""Pipeline reference for scband-action-tokenized-embedding-13159779795577 (READ-ONLY COPY).

The authoritative reference and input builder live on the scoring server;
editing this copy changes nothing except your own understanding.
"""

import jax, jax.numpy as jnp
import numpy as np

TOKEN_SIZE = 100000
EMBED_DIM = 32
BATCH = 16384
HIST = 200

def setup_inputs(seed: int = 0) -> dict:
    key = jax.random.key(seed)
    k1, k2 = jax.random.split(key)
    x = jax.random.randint(k1, (BATCH, HIST), 0, TOKEN_SIZE, dtype=jnp.int64 if jax.config.jax_enable_x64 else jnp.int32)
    action_emb = jax.random.normal(k2, (TOKEN_SIZE, EMBED_DIM), dtype=jnp.float32)
    return {"x": x, "action_emb": action_emb}

def reference(x, action_emb):
    # nn.Embedding lookup: gather rows from the table
    emb = jnp.take(action_emb, x, axis=0)  # [B, HIST, EMBED_DIM]
    # pool_fn = torch.sum over dim=-2 (the history/token dimension)
    out = jnp.sum(emb, axis=-2)  # [B, EMBED_DIM]
    return out

if __name__ == "__main__":
    import jax
    _d = setup_inputs()
    print(jax.jit(kernel)(*tuple(_d.values())))

</pallas_src>

<mosaic_0001>
#map = affine_map<(d0, d1) -> (0)>
#map1 = affine_map<(d0, d1) -> (0, 0)>
module attributes {stable_mosaic.version = 14 : i64} {
  func.func @_emb_pool_body(%arg0: i32, %arg1: i32, %arg2: memref<3276800xi32, #tpu.memory_space<hbm>>, %arg3: memref<100000x32xbf16, #tpu.memory_space<hbm>>, %arg4: memref<524288xf32, #tpu.memory_space<hbm>>, %arg5: memref<3x6400xi32, #tpu.memory_space<vmem>>, %arg6: memref<8x40x32xbf16, #tpu.memory_space<vmem>>, %arg7: memref<1024xf32, #tpu.memory_space<vmem>>, %arg8: memref<100000x32xbf16, #tpu.memory_space<vmem_shared>>, %arg9: memref<!tpu.dma_semaphore, #tpu.memory_space<semaphore_mem>>, %arg10: memref<!tpu.dma_semaphore, #tpu.memory_space<semaphore_mem>>) attributes {dimension_semantics = [#tpu.dimension_semantics<core_parallel>, #tpu.dimension_semantics<subcore_parallel>], iteration_bounds = array<i64: 2, 16>, scalar_prefetch = 0 : i64, scratch_operands = 6 : i64, tpu.core_type = #tpu.core_type<sc_vector_subcore>, window_params = [{transform_indices = #map}, {transform_indices = #map1}, {transform_indices = #map}]} {
    %mul3A = arith.constant 2 : i32
    %mul3A_0 = arith.muli %arg1, %mul3A : i32
    %add3A = arith.addi %mul3A_0, %arg0 : i32
    %mul3A_1 = arith.constant 512 : i32
    %mul3A_2 = arith.muli %add3A, %mul3A_1 : i32
    %mul3A_3 = arith.constant 6250 : i32
    %mul3A_4 = arith.muli %arg1, %mul3A_3 : i32
    %mul3A_5 = arith.constant 6250 : i32
    %mul3A_6 = arith.muli %arg1, %mul3A_5 : i32
    "tpu.region"() ({
      %run_scoped3A = tpu.sem_alloc : memref<!tpu.dma_semaphore, #tpu.memory_space<semaphore_mem>>
      %dma_start3A_742 = arith.constant 0 : i32
      %dma_start3A_743 = tpu.memref_slice %arg8[%mul3A_6, %dma_start3A_742] : memref<100000x32xbf16, #tpu.memory_space<vmem_shared>> -> memref<6250x32xbf16, #tpu.memory_space<vmem_shared>>
      %dma_start3A_744 = arith.constant 0 : i32
      %dma_start3A_745 = tpu.memref_slice %arg3[%mul3A_4, %dma_start3A_744] : memref<100000x32xbf16, #tpu.memory_space<hbm>> -> memref<6250x32xbf16, #tpu.memory_space<hbm>>
      tpu.enqueue_dma source(%dma_start3A_745 : memref<6250x32xbf16, #tpu.memory_space<hbm>>) target(%dma_start3A_743 : memref<6250x32xbf16, #tpu.memory_space<vmem_shared>>) target_semaphore(%run_scoped3A : memref<!tpu.dma_semaphore, #tpu.memory_space<semaphore_mem>>)
      %dma_wait3A_746 = arith.constant 0 : i32
      %dma_wait3A_747 = tpu.memref_slice %arg8[%mul3A_6, %dma_wait3A_746] : memref<100000x32xbf16, #tpu.memory_space<vmem_shared>> -> memref<6250x32xbf16, #tpu.memory_space<vmem_shared>>
      %dma_wait3A_748 = arith.constant 0 : i32
      %dma_wait3A_749 = tpu.memref_slice %arg3[%mul3A_4, %dma_wait3A_748] : memref<100000x32xbf16, #tpu.memory_space<hbm>> -> memref<6250x32xbf16, #tpu.memory_space<hbm>>
      tpu.wait_dma2 semaphore(%run_scoped3A : memref<!tpu.dma_semaphore, #tpu.memory_space<semaphore_mem>>) src(%dma_wait3A_749 : memref<6250x32xbf16, #tpu.memory_space<hbm>>) dst(%dma_wait3A_747 : memref<6250x32xbf16, #tpu.memory_space<vmem_shared>>)
      tpu.yield
    }) : () -> ()
    %broadcast_in_dim3A = arith.constant 0.000000e+00 : bf16
    %broadcast_in_dim3A_7 = vector.broadcast %broadcast_in_dim3A : bf16 to vector<32xbf16>
    %broadcast_in_dim3A_8 = arith.constant 0.000000e+00 : f32
    %broadcast_in_dim3A_9 = vector.broadcast %broadcast_in_dim3A_8 : f32 to vector<16xf32>
    %scan3A = arith.constant 0 : i32
    %scan3A_10 = arith.constant 0 : i32
    %scan3A_11 = arith.constant 40 : i32
    %scan3A_12 = arith.addi %scan3A_10, %scan3A_11 : i32
    %scan3A_13 = arith.constant 1 : i32
    scf.for %scan3A_742 = %scan3A_10 to %scan3A_12 step %scan3A_13  : i32 {
      %swap3A = arith.constant 0 : i32
      %swap3A_743 = arith.index_cast %swap3A : i32 to index
      %swap3A_744 = arith.index_cast %scan3A_742 : i32 to index
      %swap3A_745 = arith.constant 0 : index
      %swap3A_746 = tpu.vector_load %arg6[%swap3A_743, %swap3A_744, %swap3A_745] {strides = array<i32>} : memref<8x40x32xbf16, #tpu.memory_space<vmem>>, vector<32xbf16>,
      tpu.vector_store %arg6[%swap3A_743, %swap3A_744, %swap3A_745], %broadcast_in_dim3A_7 {strides = array<i32>} : memref<8x40x32xbf16, #tpu.memory_space<vmem>>, vector<32xbf16>,
      %swap3A_747 = arith.constant 1 : i32
      %swap3A_748 = arith.index_cast %swap3A_747 : i32 to index
      %swap3A_749 = arith.index_cast %scan3A_742 : i32 to index
      %swap3A_750 = arith.constant 0 : index
      %swap3A_751 = tpu.vector_load %arg6[%swap3A_748, %swap3A_749, %swap3A_750] {strides = array<i32>} : memref<8x40x32xbf16, #tpu.memory_space<vmem>>, vector<32xbf16>,
      tpu.vector_store %arg6[%swap3A_748, %swap3A_749, %swap3A_750], %broadcast_in_dim3A_7 {strides = array<i32>} : memref<8x40x32xbf16, #tpu.memory_space<vmem>>, vector<32xbf16>,
      %swap3A_752 = arith.constant 2 : i32
      %swap3A_753 = arith.index_cast %swap3A_752 : i32 to index
      %swap3A_754 = arith.index_cast %scan3A_742 : i32 to index
      %swap3A_755 = arith.constant 0 : index
      %swap3A_756 = tpu.vector_load %arg6[%swap3A_753, %swap3A_754, %swap3A_755] {strides = array<i32>} : memref<8x40x32xbf16, #tpu.memory_space<vmem>>, vector<32xbf16>,
      tpu.vector_store %arg6[%swap3A_753, %swap3A_754, %swap3A_755], %broadcast_in_dim3A_7 {strides = array<i32>} : memref<8x40x32xbf16, #tpu.memory_space<vmem>>, vector<32xbf16>,
      %swap3A_757 = arith.constant 3 : i32
      %swap3A_758 = arith.index_cast %swap3A_757 : i32 to index
      %swap3A_759 = arith.index_cast %scan3A_742 : i32 to index
      %swap3A_760 = arith.constant 0 : index
      %swap3A_761 = tpu.vector_load %arg6[%swap3A_758, %swap3A_759, %swap3A_760] {strides = array<i32>} : memref<8x40x32xbf16, #tpu.memory_space<vmem>>, vector<32xbf16>,
      tpu.vector_store %arg6[%swap3A_758, %swap3A_759, %swap3A_760], %broadcast_in_dim3A_7 {strides = array<i32>} : memref<8x40x32xbf16, #tpu.memory_space<vmem>>, vector<32xbf16>,
      %swap3A_762 = arith.constant 4 : i32
      %swap3A_763 = arith.index_cast %swap3A_762 : i32 to index
      %swap3A_764 = arith.index_cast %scan3A_742 : i32 to index
      %swap3A_765 = arith.constant 0 : index
      %swap3A_766 = tpu.vector_load %arg6[%swap3A_763, %swap3A_764, %swap3A_765] {strides = array<i32>} : memref<8x40x32xbf16, #tpu.memory_space<vmem>>, vector<32xbf16>,
      tpu.vector_store %arg6[%swap3A_763, %swap3A_764, %swap3A_765], %broadcast_in_dim3A_7 {strides = array<i32>} : memref<8x40x32xbf16, #tpu.memory_space<vmem>>, vector<32xbf16>,
      %swap3A_767 = arith.constant 5 : i32
      %swap3A_768 = arith.index_cast %swap3A_767 : i32 to index
      %swap3A_769 = arith.index_cast %scan3A_742 : i32 to index
      %swap3A_770 = arith.constant 0 : index
      %swap3A_771 = tpu.vector_load %arg6[%swap3A_768, %swap3A_769, %swap3A_770] {strides = array<i32>} : memref<8x40x32xbf16, #tpu.memory_space<vmem>>, vector<32xbf16>,
      tpu.vector_store %arg6[%swap3A_768, %swap3A_769, %swap3A_770], %broadcast_in_dim3A_7 {strides = array<i32>} : memref<8x40x32xbf16, #tpu.memory_space<vmem>>, vector<32xbf16>,
      %swap3A_772 = arith.constant 6 : i32
      %swap3A_773 = arith.index_cast %swap3A_772 : i32 to index
      %swap3A_774 = arith.index_cast %scan3A_742 : i32 to index
      %swap3A_775 = arith.constant 0 : index
      %swap3A_776 = tpu.vector_load %arg6[%swap3A_773, %swap3A_774, %swap3A_775] {strides = array<i32>} : memref<8x40x32xbf16, #tpu.memory_space<vmem>>, vector<32xbf16>,
      tpu.vector_store %arg6[%swap3A_773, %swap3A_774, %swap3A_775], %broadcast_in_dim3A_7 {strides = array<i32>} : memref<8x40x32xbf16, #tpu.memory_space<vmem>>, vector<32xbf16>,
      %swap3A_777 = arith.constant 7 : i32
      %swap3A_778 = arith.index_cast %swap3A_777 : i32 to index
      %swap3A_779 = arith.index_cast %scan3A_742 : i32 to index
      %swap3A_780 = arith.constant 0 : index
      %swap3A_781 = tpu.vector_load %arg6[%swap3A_778, %swap3A_779, %swap3A_780] {strides = array<i32>} : memref<8x40x32xbf16, #tpu.memory_space<vmem>>, vector<32xbf16>,
      tpu.vector_store %arg6[%swap3A_778, %swap3A_779, %swap3A_780], %broadcast_in_dim3A_7 {strides = array<i32>} : memref<8x40x32xbf16, #tpu.memory_space<vmem>>, vector<32xbf16>,
    }
    %scan3A_14 = arith.constant 40 : i32
    %barrier3A = arith.constant 0 : index
    tpu.barrier barrier_id(%barrier3A)
    %add3A_15 = arith.constant 0 : i32
    %add3A_16 = arith.addi %mul3A_2, %add3A_15 : i32
    %mul3A_17 = arith.constant 200 : i32
    %mul3A_18 = arith.muli %add3A_16, %mul3A_17 : i32
    %dma_start3A = arith.constant 0 : i32
    %dma_start3A_19 = arith.constant 0 : i32
    %dma_start3A_20 = tpu.memref_slice %arg5[%dma_start3A, %dma_start3A_19] : memref<3x6400xi32, #tpu.memory_space<vmem>> -> memref<1x6400xi32, #tpu.memory_space<vmem>>
    %dma_start3A_21 = tpu.memref_squeeze %dma_start3A_20 : memref<1x6400xi32, #tpu.memory_space<vmem>> -> memref<6400xi32, #tpu.memory_space<vmem>>
    %dma_start3A_22 = tpu.memref_slice %arg2[%mul3A_18] : memref<3276800xi32, #tpu.memory_space<hbm>> -> memref<6400xi32, #tpu.memory_space<hbm>>
    %dma_start3A_23 = arith.constant 0 : i32
    %dma_start3A_24 = tpu.memref_slice %arg5[%dma_start3A, %dma_start3A_23] : memref<3x6400xi32, #tpu.memory_space<vmem>> -> memref<1x6400xi32, #tpu.memory_space<vmem>>
    %dma_start3A_25 = tpu.memref_squeeze %dma_start3A_24 : memref<1x6400xi32, #tpu.memory_space<vmem>> -> memref<6400xi32, #tpu.memory_space<vmem>>
    %dma_start3A_26 = tpu.memref_slice %arg2[%mul3A_18] : memref<3276800xi32, #tpu.memory_space<hbm>> -> memref<6400xi32, #tpu.memory_space<hbm>>
    tpu.enqueue_dma source(%dma_start3A_26 : memref<6400xi32, #tpu.memory_space<hbm>>) target(%dma_start3A_25 : memref<6400xi32, #tpu.memory_space<vmem>>) target_semaphore(%arg10 : memref<!tpu.dma_semaphore, #tpu.memory_space<semaphore_mem>>)
    %dma_wait3A = arith.constant 0 : i32
    %dma_wait3A_27 = arith.constant 0 : i32
    %dma_wait3A_28 = tpu.memref_slice %arg5[%dma_wait3A, %dma_wait3A_27] : memref<3x6400xi32, #tpu.memory_space<vmem>> -> memref<1x6400xi32, #tpu.memory_space<vmem>>
    %dma_wait3A_29 = tpu.memref_squeeze %dma_wait3A_28 : memref<1x6400xi32, #tpu.memory_space<vmem>> -> memref<6400xi32, #tpu.memory_space<vmem>>
    %dma_wait3A_30 = tpu.memref_slice %arg2[%mul3A_18] : memref<3276800xi32, #tpu.memory_space<hbm>> -> memref<6400xi32, #tpu.memory_space<hbm>>
    %dma_wait3A_31 = arith.constant 0 : i32
    %dma_wait3A_32 = tpu.memref_slice %arg5[%dma_wait3A, %dma_wait3A_31] : memref<3x6400xi32, #tpu.memory_space<vmem>> -> memref<1x6400xi32, #tpu.memory_space<vmem>>
    %dma_wait3A_33 = tpu.memref_squeeze %dma_wait3A_32 : memref<1x6400xi32, #tpu.memory_space<vmem>> -> memref<6400xi32, #tpu.memory_space<vmem>>
    %dma_wait3A_34 = tpu.memref_slice %arg2[%mul3A_18] : memref<3276800xi32, #tpu.memory_space<hbm>> -> memref<6400xi32, #tpu.memory_space<hbm>>
    tpu.wait_dma2 semaphore(%arg10 : memref<!tpu.dma_semaphore, #tpu.memory_space<semaphore_mem>>) src(%dma_wait3A_34 : memref<6400xi32, #tpu.memory_space<hbm>>) dst(%dma_wait3A_33 : memref<6400xi32, #tpu.memory_space<vmem>>)
    %add3A_35 = arith.constant 32 : i32
    %add3A_36 = arith.addi %mul3A_2, %add3A_35 : i32
    %mul3A_37 = arith.constant 200 : i32
    %mul3A_38 = arith.muli %add3A_36, %mul3A_37 : i32
    %dma_start3A_39 = arith.constant 1 : i32
    %dma_start3A_40 = arith.constant 0 : i32
    %dma_start3A_41 = tpu.memref_slice %arg5[%dma_start3A_39, %dma_start3A_40] : memref<3x6400xi32, #tpu.memory_space<vmem>> -> memref<1x6400xi32, #tpu.memory_space<vmem>>
    %dma_start3A_42 = tpu.memref_squeeze %dma_start3A_41 : memref<1x6400xi32, #tpu.memory_space<vmem>> -> memref<6400xi32, #tpu.memory_space<vmem>>
    %dma_start3A_43 = tpu.memref_slice %arg2[%mul3A_38] : memref<3276800xi32, #tpu.memory_space<hbm>> -> memref<6400xi32, #tpu.memory_space<hbm>>
    %dma_start3A_44 = arith.constant 0 : i32
    %dma_start3A_45 = tpu.memref_slice %arg5[%dma_start3A_39, %dma_start3A_44] : memref<3x6400xi32, #tpu.memory_space<vmem>> -> memref<1x6400xi32, #tpu.memory_space<vmem>>
    %dma_start3A_46 = tpu.memref_squeeze %dma_start3A_45 : memref<1x6400xi32, #tpu.memory_space<vmem>> -> memref<6400xi32, #tpu.memory_space<vmem>>
    %dma_start3A_47 = tpu.memref_slice %arg2[%mul3A_38] : memref<3276800xi32, #tpu.memory_space<hbm>> -> memref<6400xi32, #tpu.memory_space<hbm>>
    tpu.enqueue_dma source(%dma_start3A_47 : memref<6400xi32, #tpu.memory_space<hbm>>) target(%dma_start3A_46 : memref<6400xi32, #tpu.memory_space<vmem>>) target_semaphore(%arg10 : memref<!tpu.dma_semaphore, #tpu.memory_space<semaphore_mem>>)
    %rem3A = arith.constant 0 : i32
    %rem3A_48 = arith.constant 32 : i32
    %rem3A_49 = arith.remsi %rem3A, %rem3A_48 : i32
    %rem3A_50 = arith.constant 0 : i32
    %rem3A_51 = arith.constant 3 : i32
    %rem3A_52 = arith.remsi %rem3A_50, %rem3A_51 : i32
    %mul3A_53 = arith.constant 200 : i32
    %mul3A_54 = arith.muli %rem3A_49, %mul3A_53 : i32
    %add3A_55 = arith.constant 0 : i32
    %add3A_56 = arith.addi %mul3A_54, %add3A_55 : i32
    %rem3A_57 = arith.constant 0 : i32
    %rem3A_58 = arith.constant 8 : i32
    %rem3A_59 = arith.remsi %rem3A_57, %rem3A_58 : i32
    %dma_start3A_60 = arith.constant 0 : i32
    %dma_start3A_61 = arith.constant 0 : i32
    %dma_start3A_62 = tpu.memref_slice %arg6[%rem3A_59, %dma_start3A_60, %dma_start3A_61] : memref<8x40x32xbf16, #tpu.memory_space<vmem>> -> memref<1x40x32xbf16, #tpu.memory_space<vmem>>
    %dma_start3A_63 = tpu.memref_squeeze %dma_start3A_62 : memref<1x40x32xbf16, #tpu.memory_space<vmem>> -> memref<40x32xbf16, #tpu.memory_space<vmem>>
    %dma_start3A_64 = tpu.memref_slice %arg5[%rem3A_52, %add3A_56] : memref<3x6400xi32, #tpu.memory_space<vmem>> -> memref<1x40xi32, #tpu.memory_space<vmem>>
    %dma_start3A_65 = tpu.memref_squeeze %dma_start3A_64 : memref<1x40xi32, #tpu.memory_space<vmem>> -> memref<40xi32, #tpu.memory_space<vmem>>
    %dma_start3A_66 = arith.constant 0 : i32
    %dma_start3A_67 = arith.constant 0 : i32
    %dma_start3A_68 = tpu.memref_slice %arg8[%dma_start3A_66, %dma_start3A_67] : memref<100000x32xbf16, #tpu.memory_space<vmem_shared>> -> memref<100000x32xbf16, #tpu.memory_space<vmem_shared>>
    tpu.enqueue_indirect_dma source(%dma_start3A_68 : memref<100000x32xbf16, #tpu.memory_space<vmem_shared>>) target(%dma_start3A_63 : memref<40x32xbf16, #tpu.memory_space<vmem>>) offsets(%dma_start3A_65 : memref<40xi32, #tpu.memory_space<vmem>>) semaphore(%arg9 : memref<!tpu.dma_semaphore, #tpu.memory_space<semaphore_mem>>) {add = true}
    %rem3A_69 = arith.constant 0 : i32
    %rem3A_70 = arith.constant 3 : i32
    %rem3A_71 = arith.remsi %rem3A_69, %rem3A_70 : i32
    %mul3A_72 = arith.constant 200 : i32
    %mul3A_73 = arith.muli %rem3A_49, %mul3A_72 : i32
    %add3A_74 = arith.constant 40 : i32
    %add3A_75 = arith.addi %mul3A_73, %add3A_74 : i32
    %rem3A_76 = arith.constant 0 : i32
    %rem3A_77 = arith.constant 8 : i32
    %rem3A_78 = arith.remsi %rem3A_76, %rem3A_77 : i32
    %dma_start3A_79 = arith.constant 0 : i32
    %dma_start3A_80 = arith.constant 0 : i32
    %dma_start3A_81 = tpu.memref_slice %arg6[%rem3A_78, %dma_start3A_79, %dma_start3A_80] : memref<8x40x32xbf16, #tpu.memory_space<vmem>> -> memref<1x40x32xbf16, #tpu.memory_space<vmem>>
    %dma_start3A_82 = tpu.memref_squeeze %dma_start3A_81 : memref<1x40x32xbf16, #tpu.memory_space<vmem>> -> memref<40x32xbf16, #tpu.memory_space<vmem>>
    %dma_start3A_83 = tpu.memref_slice %arg5[%rem3A_71, %add3A_75] : memref<3x6400xi32, #tpu.memory_space<vmem>> -> memref<1x40xi32, #tpu.memory_space<vmem>>
    %dma_start3A_84 = tpu.memref_squeeze %dma_start3A_83 : memref<1x40xi32, #tpu.memory_space<vmem>> -> memref<40xi32, #tpu.memory_space<vmem>>
    %dma_start3A_85 = arith.constant 0 : i32
    %dma_start3A_86 = arith.constant 0 : i32
    %dma_start3A_87 = tpu.memref_slice %arg8[%dma_start3A_85, %dma_start3A_86] : memref<100000x32xbf16, #tpu.memory_space<vmem_shared>> -> memref<100000x32xbf16, #tpu.memory_space<vmem_shared>>
    tpu.enqueue_indirect_dma source(%dma_start3A_87 : memref<100000x32xbf16, #tpu.memory_space<vmem_shared>>) target(%dma_start3A_82 : memref<40x32xbf16, #tpu.memory_space<vmem>>) offsets(%dma_start3A_84 : memref<40xi32, #tpu.memory_space<vmem>>) semaphore(%arg9 : memref<!tpu.dma_semaphore, #tpu.memory_space<semaphore_mem>>) {add = true}
    %rem3A_88 = arith.constant 0 : i32
    %rem3A_89 = arith.constant 3 : i32
    %rem3A_90 = arith.remsi %rem3A_88, %rem3A_89 : i32
    %mul3A_91 = arith.constant 200 : i32
    %mul3A_92 = arith.muli %rem3A_49, %mul3A_91 : i32
    %add3A_93 = arith.constant 80 : i32
    %add3A_94 = arith.addi %mul3A_92, %add3A_93 : i32
    %rem3A_95 = arith.constant 0 : i32
    %rem3A_96 = arith.constant 8 : i32
    %rem3A_97 = arith.remsi %rem3A_95, %rem3A_96 : i32
    %dma_start3A_98 = arith.constant 0 : i32
    %dma_start3A_99 = arith.constant 0 : i32
    %dma_start3A_100 = tpu.memref_slice %arg6[%rem3A_97, %dma_start3A_98, %dma_start3A_99] : memref<8x40x32xbf16, #tpu.memory_space<vmem>> -> memref<1x40x32xbf16, #tpu.memory_space<vmem>>
    %dma_start3A_101 = tpu.memref_squeeze %dma_start3A_100 : memref<1x40x32xbf16, #tpu.memory_space<vmem>> -> memref<40x32xbf16, #tpu.memory_space<vmem>>
    %dma_start3A_102 = tpu.memref_slice %arg5[%rem3A_90, %add3A_94] : memref<3x6400xi32, #tpu.memory_space<vmem>> -> memref<1x40xi32, #tpu.memory_space<vmem>>
    %dma_start3A_103 = tpu.memref_squeeze %dma_start3A_102 : memref<1x40xi32, #tpu.memory_space<vmem>> -> memref<40xi32, #tpu.memory_space<vmem>>
    %dma_start3A_104 = arith.constant 0 : i32
    %dma_start3A_105 = arith.constant 0 : i32
    %dma_start3A_106 = tpu.memref_slice %arg8[%dma_start3A_104, %dma_start3A_105] : memref<100000x32xbf16, #tpu.memory_space<vmem_shared>> -> memref<100000x32xbf16, #tpu.memory_space<vmem_shared>>
    tpu.enqueue_indirect_dma source(%dma_start3A_106 : memref<100000x32xbf16, #tpu.memory_space<vmem_shared>>) target(%dma_start3A_101 : memref<40x32xbf16, #tpu.memory_space<vmem>>) offsets(%dma_start3A_103 : memref<40xi32, #tpu.memory_space<vmem>>) semaphore(%arg9 : memref<!tpu.dma_semaphore, #tpu.memory_space<semaphore_mem>>) {add = true}
    %rem3A_107 = arith.constant 0 : i32
    %rem3A_108 = arith.constant 3 : i32
    %rem3A_109 = arith.remsi %rem3A_107, %rem3A_108 : i32
    %mul3A_110 = arith.constant 200 : i32
    %mul3A_111 = arith.muli %rem3A_49, %mul3A_110 : i32
    %add3A_112 = arith.constant 120 : i32
    %add3A_113 = arith.addi %mul3A_111, %add3A_112 : i32
    %rem3A_114 = arith.constant 0 : i32
    %rem3A_115 = arith.constant 8 : i32
    %rem3A_116 = arith.remsi %rem3A_114, %rem3A_115 : i32
    %dma_start3A_117 = arith.constant 0 : i32
    %dma_start3A_118 = arith.constant 0 : i32
    %dma_start3A_119 = tpu.memref_slice %arg6[%rem3A_116, %dma_start3A_117, %dma_start3A_118] : memref<8x40x32xbf16, #tpu.memory_space<vmem>> -> memref<1x40x32xbf16, #tpu.memory_space<vmem>>
    %dma_start3A_120 = tpu.memref_squeeze %dma_start3A_119 : memref<1x40x32xbf16, #tpu.memory_space<vmem>> -> memref<40x32xbf16, #tpu.memory_space<vmem>>
    %dma_start3A_121 = tpu.memref_slice %arg5[%rem3A_109, %add3A_113] : memref<3x6400xi32, #tpu.memory_space<vmem>> -> memref<1x40xi32, #tpu.memory_space<vmem>>
    %dma_start3A_122 = tpu.memref_squeeze %dma_start3A_121 : memref<1x40xi32, #tpu.memory_space<vmem>> -> memref<40xi32, #tpu.memory_space<vmem>>
    %dma_start3A_123 = arith.constant 0 : i32
    %dma_start3A_124 = arith.constant 0 : i32
    %dma_start3A_125 = tpu.memref_slice %arg8[%dma_start3A_123, %dma_start3A_124] : memref<100000x32xbf16, #tpu.memory_space<vmem_shared>> -> memref<100000x32xbf16, #tpu.memory_space<vmem_shared>>
    tpu.enqueue_indirect_dma source(%dma_start3A_125 : memref<100000x32xbf16, #tpu.memory_space<vmem_shared>>) target(%dma_start3A_120 : memref<40x32xbf16, #tpu.memory_space<vmem>>) offsets(%dma_start3A_122 : memref<40xi32, #tpu.memory_space<vmem>>) semaphore(%arg9 : memref<!tpu.dma_semaphore, #tpu.memory_space<semaphore_mem>>) {add = true}
    %rem3A_126 = arith.constant 0 : i32
    %rem3A_127 = arith.constant 3 : i32
    %rem3A_128 = arith.remsi %rem3A_126, %rem3A_127 : i32
    %mul3A_129 = arith.constant 200 : i32
    %mul3A_130 = arith.muli %rem3A_49, %mul3A_129 : i32
    %add3A_131 = arith.constant 160 : i32
    %add3A_132 = arith.addi %mul3A_130, %add3A_131 : i32
    %rem3A_133 = arith.constant 0 : i32
    %rem3A_134 = arith.constant 8 : i32
    %rem3A_135 = arith.remsi %rem3A_133, %rem3A_134 : i32
    %dma_start3A_136 = arith.constant 0 : i32
    %dma_start3A_137 = arith.constant 0 : i32
    %dma_start3A_138 = tpu.memref_slice %arg6[%rem3A_135, %dma_start3A_136, %dma_start3A_137] : memref<8x40x32xbf16, #tpu.memory_space<vmem>> -> memref<1x40x32xbf16, #tpu.memory_space<vmem>>
    %dma_start3A_139 = tpu.memref_squeeze %dma_start3A_138 : memref<1x40x32xbf16, #tpu.memory_space<vmem>> -> memref<40x32xbf16, #tpu.memory_space<vmem>>
    %dma_start3A_140 = tpu.memref_slice %arg5[%rem3A_128, %add3A_132] : memref<3x6400xi32, #tpu.memory_space<vmem>> -> memref<1x40xi32, #tpu.memory_space<vmem>>
    %dma_start3A_141 = tpu.memref_squeeze %dma_start3A_140 : memref<1x40xi32, #tpu.memory_space<vmem>> -> memref<40xi32, #tpu.memory_space<vmem>>
    %dma_start3A_142 = arith.constant 0 : i32
    %dma_start3A_143 = arith.constant 0 : i32
    %dma_start3A_144 = tpu.memref_slice %arg8[%dma_start3A_142, %dma_start3A_143] : memref<100000x32xbf16, #tpu.memory_space<vmem_shared>> -> memref<100000x32xbf16, #tpu.memory_space<vmem_shared>>
    tpu.enqueue_indirect_dma source(%dma_start3A_144 : memref<100000x32xbf16, #tpu.memory_space<vmem_shared>>) target(%dma_start3A_139 : memref<40x32xbf16, #tpu.memory_space<vmem>>) offsets(%dma_start3A_141 : memref<40xi32, #tpu.memory_space<vmem>>) semaphore(%arg9 : memref<!tpu.dma_semaphore, #tpu.memory_space<semaphore_mem>>) {add = true}
    %rem3A_145 = arith.constant 1 : i32
    %rem3A_146 = arith.constant 32 : i32
    %rem3A_147 = arith.remsi %rem3A_145, %rem3A_146 : i32
    %rem3A_148 = arith.constant 0 : i32
    %rem3A_149 = arith.constant 3 : i32
    %rem3A_150 = arith.remsi %rem3A_148, %rem3A_149 : i32
    %mul3A_151 = arith.constant 200 : i32
    %mul3A_152 = arith.muli %rem3A_147, %mul3A_151 : i32
    %add3A_153 = arith.constant 0 : i32
    %add3A_154 = arith.addi %mul3A_152, %add3A_153 : i32
    %rem3A_155 = arith.constant 1 : i32
    %rem3A_156 = arith.constant 8 : i32
    %rem3A_157 = arith.remsi %rem3A_155, %rem3A_156 : i32
    %dma_start3A_158 = arith.constant 0 : i32
    %dma_start3A_159 = arith.constant 0 : i32
    %dma_start3A_160 = tpu.memref_slice %arg6[%rem3A_157, %dma_start3A_158, %dma_start3A_159] : memref<8x40x32xbf16, #tpu.memory_space<vmem>> -> memref<1x40x32xbf16, #tpu.memory_space<vmem>>
    %dma_start3A_161 = tpu.memref_squeeze %dma_start3A_160 : memref<1x40x32xbf16, #tpu.memory_space<vmem>> -> memref<40x32xbf16, #tpu.memory_space<vmem>>
    %dma_start3A_162 = tpu.memref_slice %arg5[%rem3A_150, %add3A_154] : memref<3x6400xi32, #tpu.memory_space<vmem>> -> memref<1x40xi32, #tpu.memory_space<vmem>>
    %dma_start3A_163 = tpu.memref_squeeze %dma_start3A_162 : memref<1x40xi32, #tpu.memory_space<vmem>> -> memref<40xi32, #tpu.memory_space<vmem>>
    %dma_start3A_164 = arith.constant 0 : i32
    %dma_start3A_165 = arith.constant 0 : i32
    %dma_start3A_166 = tpu.memref_slice %arg8[%dma_start3A_164, %dma_start3A_165] : memref<100000x32xbf16, #tpu.memory_space<vmem_shared>> -> memref<100000x32xbf16, #tpu.memory_space<vmem_shared>>
    tpu.enqueue_indirect_dma source(%dma_start3A_166 : memref<100000x32xbf16, #tpu.memory_space<vmem_shared>>) target(%dma_start3A_161 : memref<40x32xbf16, #tpu.memory_space<vmem>>) offsets(%dma_start3A_163 : memref<40xi32, #tpu.memory_space<vmem>>) semaphore(%arg9 : memref<!tpu.dma_semaphore, #tpu.memory_space<semaphore_mem>>) {add = true}
    %rem3A_167 = arith.constant 0 : i32
    %rem3A_168 = arith.constant 3 : i32
    %rem3A_169 = arith.remsi %rem3A_167, %rem3A_168 : i32
    %mul3A_170 = arith.constant 200 : i32
    %mul3A_171 = arith.muli %rem3A_147, %mul3A_170 : i32
    %add3A_172 = arith.constant 40 : i32
    %add3A_173 = arith.addi %mul3A_171, %add3A_172 : i32
    %rem3A_174 = arith.constant 1 : i32
    %rem3A_175 = arith.constant 8 : i32
    %rem3A_176 = arith.remsi %rem3A_174, %rem3A_175 : i32
    %dma_start3A_177 = arith.constant 0 : i32
    %dma_start3A_178 = arith.constant 0 : i32
    %dma_start3A_179 = tpu.memref_slice %arg6[%rem3A_176, %dma_start3A_177, %dma_start3A_178] : memref<8x40x32xbf16, #tpu.memory_space<vmem>> -> memref<1x40x32xbf16, #tpu.memory_space<vmem>>
    %dma_start3A_180 = tpu.memref_squeeze %dma_start3A_179 : memref<1x40x32xbf16, #tpu.memory_space<vmem>> -> memref<40x32xbf16, #tpu.memory_space<vmem>>
    %dma_start3A_181 = tpu.memref_slice %arg5[%rem3A_169, %add3A_173] : memref<3x6400xi32, #tpu.memory_space<vmem>> -> memref<1x40xi32, #tpu.memory_space<vmem>>
    %dma_start3A_182 = tpu.memref_squeeze %dma_start3A_181 : memref<1x40xi32, #tpu.memory_space<vmem>> -> memref<40xi32, #tpu.memory_space<vmem>>
    %dma_start3A_183 = arith.constant 0 : i32
    %dma_start3A_184 = arith.constant 0 : i32
    %dma_start3A_185 = tpu.memref_slice %arg8[%dma_start3A_183, %dma_start3A_184] : memref<100000x32xbf16, #tpu.memory_space<vmem_shared>> -> memref<100000x32xbf16, #tpu.memory_space<vmem_shared>>
    tpu.enqueue_indirect_dma source(%dma_start3A_185 : memref<100000x32xbf16, #tpu.memory_space<vmem_shared>>) target(%dma_start3A_180 : memref<40x32xbf16, #tpu.memory_space<vmem>>) offsets(%dma_start3A_182 : memref<40xi32, #tpu.memory_space<vmem>>) semaphore(%arg9 : memref<!tpu.dma_semaphore, #tpu.memory_space<semaphore_mem>>) {add = true}
    %rem3A_186 = arith.constant 0 : i32
    %rem3A_187 = arith.constant 3 : i32
    %rem3A_188 = arith.remsi %rem3A_186, %rem3A_187 : i32
    %mul3A_189 = arith.constant 200 : i32
    %mul3A_190 = arith.muli %rem3A_147, %mul3A_189 : i32
    %add3A_191 = arith.constant 80 : i32
    %add3A_192 = arith.addi %mul3A_190, %add3A_191 : i32
    %rem3A_193 = arith.constant 1 : i32
    %rem3A_194 = arith.constant 8 : i32
    %rem3A_195 = arith.remsi %rem3A_193, %rem3A_194 : i32
    %dma_start3A_196 = arith.constant 0 : i32
    %dma_start3A_197 = arith.constant 0 : i32
    %dma_start3A_198 = tpu.memref_slice %arg6[%rem3A_195, %dma_start3A_196, %dma_start3A_197] : memref<8x40x32xbf16, #tpu.memory_space<vmem>> -> memref<1x40x32xbf16, #tpu.memory_space<vmem>>
    %dma_start3A_199 = tpu.memref_squeeze %dma_start3A_198 : memref<1x40x32xbf16, #tpu.memory_space<vmem>> -> memref<40x32xbf16, #tpu.memory_space<vmem>>
    %dma_start3A_200 = tpu.memref_slice %arg5[%rem3A_188, %add3A_192] : memref<3x6400xi32, #tpu.memory_space<vmem>> -> memref<1x40xi32, #tpu.memory_space<vmem>>
    %dma_start3A_201 = tpu.memref_squeeze %dma_start3A_200 : memref<1x40xi32, #tpu.memory_space<vmem>> -> memref<40xi32, #tpu.memory_space<vmem>>
    %dma_start3A_202 = arith.constant 0 : i32
    %dma_start3A_203 = arith.constant 0 : i32
    %dma_start3A_204 = tpu.memref_slice %arg8[%dma_start3A_202, %dma_start3A_203] : memref<100000x32xbf16, #tpu.memory_space<vmem_shared>> -> memref<100000x32xbf16, #tpu.memory_space<vmem_shared>>
    tpu.enqueue_indirect_dma source(%dma_start3A_204 : memref<100000x32xbf16, #tpu.memory_space<vmem_shared>>) target(%dma_start3A_199 : memref<40x32xbf16, #tpu.memory_space<vmem>>) offsets(%dma_start3A_201 : memref<40xi32, #tpu.memory_space<vmem>>) semaphore(%arg9 : memref<!tpu.dma_semaphore, #tpu.memory_space<semaphore_mem>>) {add = true}
    %rem3A_205 = arith.constant 0 : i32
    %rem3A_206 = arith.constant 3 : i32
    %rem3A_207 = arith.remsi %rem3A_205, %rem3A_206 : i32
    %mul3A_208 = arith.constant 200 : i32
    %mul3A_209 = arith.muli %rem3A_147, %mul3A_208 : i32
    %add3A_210 = arith.constant 120 : i32
    %add3A_211 = arith.addi %mul3A_209, %add3A_210 : i32
    %rem3A_212 = arith.constant 1 : i32
    %rem3A_213 = arith.constant 8 : i32
    %rem3A_214 = arith.remsi %rem3A_212, %rem3A_213 : i32
    %dma_start3A_215 = arith.constant 0 : i32
    %dma_start3A_216 = arith.constant 0 : i32
    %dma_start3A_217 = tpu.memref_slice %arg6[%rem3A_214, %dma_start3A_215, %dma_start3A_216] : memref<8x40x32xbf16, #tpu.memory_space<vmem>> -> memref<1x40x32xbf16, #tpu.memory_space<vmem>>
    %dma_start3A_218 = tpu.memref_squeeze %dma_start3A_217 : memref<1x40x32xbf16, #tpu.memory_space<vmem>> -> memref<40x32xbf16, #tpu.memory_space<vmem>>
    %dma_start3A_219 = tpu.memref_slice %arg5[%rem3A_207, %add3A_211] : memref<3x6400xi32, #tpu.memory_space<vmem>> -> memref<1x40xi32, #tpu.memory_space<vmem>>
    %dma_start3A_220 = tpu.memref_squeeze %dma_start3A_219 : memref<1x40xi32, #tpu.memory_space<vmem>> -> memref<40xi32, #tpu.memory_space<vmem>>
    %dma_start3A_221 = arith.constant 0 : i32
    %dma_start3A_222 = arith.constant 0 : i32
    %dma_start3A_223 = tpu.memref_slice %arg8[%dma_start3A_221, %dma_start3A_222] : memref<100000x32xbf16, #tpu.memory_space<vmem_shared>> -> memref<100000x32xbf16, #tpu.memory_space<vmem_shared>>
    tpu.enqueue_indirect_dma source(%dma_start3A_223 : memref<100000x32xbf16, #tpu.memory_space<vmem_shared>>) target(%dma_start3A_218 : memref<40x32xbf16, #tpu.memory_space<vmem>>) offsets(%dma_start3A_220 : memref<40xi32, #tpu.memory_space<vmem>>) semaphore(%arg9 : memref<!tpu.dma_semaphore, #tpu.memory_space<semaphore_mem>>) {add = true}
    %rem3A_224 = arith.constant 0 : i32
    %rem3A_225 = arith.constant 3 : i32
    %rem3A_226 = arith.remsi %rem3A_224, %rem3A_225 : i32
    %mul3A_227 = arith.constant 200 : i32
    %mul3A_228 = arith.muli %rem3A_147, %mul3A_227 : i32
    %add3A_229 = arith.constant 160 : i32
    %add3A_230 = arith.addi %mul3A_228, %add3A_229 : i32
    %rem3A_231 = arith.constant 1 : i32
    %rem3A_232 = arith.constant 8 : i32
    %rem3A_233 = arith.remsi %rem3A_231, %rem3A_232 : i32
    %dma_start3A_234 = arith.constant 0 : i32
    %dma_start3A_235 = arith.constant 0 : i32
    %dma_start3A_236 = tpu.memref_slice %arg6[%rem3A_233, %dma_start3A_234, %dma_start3A_235] : memref<8x40x32xbf16, #tpu.memory_space<vmem>> -> memref<1x40x32xbf16, #tpu.memory_space<vmem>>
    %dma_start3A_237 = tpu.memref_squeeze %dma_start3A_236 : memref<1x40x32xbf16, #tpu.memory_space<vmem>> -> memref<40x32xbf16, #tpu.memory_space<vmem>>
    %dma_start3A_238 = tpu.memref_slice %arg5[%rem3A_226, %add3A_230] : memref<3x6400xi32, #tpu.memory_space<vmem>> -> memref<1x40xi32, #tpu.memory_space<vmem>>
    %dma_start3A_239 = tpu.memref_squeeze %dma_start3A_238 : memref<1x40xi32, #tpu.memory_space<vmem>> -> memref<40xi32, #tpu.memory_space<vmem>>
    %dma_start3A_240 = arith.constant 0 : i32
    %dma_start3A_241 = arith.constant 0 : i32
    %dma_start3A_242 = tpu.memref_slice %arg8[%dma_start3A_240, %dma_start3A_241] : memref<100000x32xbf16, #tpu.memory_space<vmem_shared>> -> memref<100000x32xbf16, #tpu.memory_space<vmem_shared>>
    tpu.enqueue_indirect_dma source(%dma_start3A_242 : memref<100000x32xbf16, #tpu.memory_space<vmem_shared>>) target(%dma_start3A_237 : memref<40x32xbf16, #tpu.memory_space<vmem>>) offsets(%dma_start3A_239 : memref<40xi32, #tpu.memory_space<vmem>>) semaphore(%arg9 : memref<!tpu.dma_semaphore, #tpu.memory_space<semaphore_mem>>) {add = true}
    %rem3A_243 = arith.constant 2 : i32
    %rem3A_244 = arith.constant 32 : i32
    %rem3A_245 = arith.remsi %rem3A_243, %rem3A_244 : i32
    %rem3A_246 = arith.constant 0 : i32
    %rem3A_247 = arith.constant 3 : i32
    %rem3A_248 = arith.remsi %rem3A_246, %rem3A_247 : i32
    %mul3A_249 = arith.constant 200 : i32
    %mul3A_250 = arith.muli %rem3A_245, %mul3A_249 : i32
    %add3A_251 = arith.constant 0 : i32
    %add3A_252 = arith.addi %mul3A_250, %add3A_251 : i32
    %rem3A_253 = arith.constant 2 : i32
    %rem3A_254 = arith.constant 8 : i32
    %rem3A_255 = arith.remsi %rem3A_253, %rem3A_254 : i32
    %dma_start3A_256 = arith.constant 0 : i32
    %dma_start3A_257 = arith.constant 0 : i32
    %dma_start3A_258 = tpu.memref_slice %arg6[%rem3A_255, %dma_start3A_256, %dma_start3A_257] : memref<8x40x32xbf16, #tpu.memory_space<vmem>> -> memref<1x40x32xbf16, #tpu.memory_space<vmem>>
    %dma_start3A_259 = tpu.memref_squeeze %dma_start3A_258 : memref<1x40x32xbf16, #tpu.memory_space<vmem>> -> memref<40x32xbf16, #tpu.memory_space<vmem>>
    %dma_start3A_260 = tpu.memref_slice %arg5[%rem3A_248, %add3A_252] : memref<3x6400xi32, #tpu.memory_space<vmem>> -> memref<1x40xi32, #tpu.memory_space<vmem>>
    %dma_start3A_261 = tpu.memref_squeeze %dma_start3A_260 : memref<1x40xi32, #tpu.memory_space<vmem>> -> memref<40xi32, #tpu.memory_space<vmem>>
    %dma_start3A_262 = arith.constant 0 : i32
    %dma_start3A_263 = arith.constant 0 : i32
    %dma_start3A_264 = tpu.memref_slice %arg8[%dma_start3A_262, %dma_start3A_263] : memref<100000x32xbf16, #tpu.memory_space<vmem_shared>> -> memref<100000x32xbf16, #tpu.memory_space<vmem_shared>>
    tpu.enqueue_indirect_dma source(%dma_start3A_264 : memref<100000x32xbf16, #tpu.memory_space<vmem_shared>>) target(%dma_start3A_259 : memref<40x32xbf16, #tpu.memory_space<vmem>>) offsets(%dma_start3A_261 : memref<40xi32, #tpu.memory_space<vmem>>) semaphore(%arg9 : memref<!tpu.dma_semaphore, #tpu.memory_space<semaphore_mem>>) {add = true}
    %rem3A_265 = arith.constant 0 : i32
    %rem3A_266 = arith.constant 3 : i32
    %rem3A_267 = arith.remsi %rem3A_265, %rem3A_266 : i32
    %mul3A_268 = arith.constant 200 : i32
    %mul3A_269 = arith.muli %rem3A_245, %mul3A_268 : i32
    %add3A_270 = arith.constant 40 : i32
    %add3A_271 = arith.addi %mul3A_269, %add3A_270 : i32
    %rem3A_272 = arith.constant 2 : i32
    %rem3A_273 = arith.constant 8 : i32
    %rem3A_274 = arith.remsi %rem3A_272, %rem3A_273 : i32
    %dma_start3A_275 = arith.constant 0 : i32
    %dma_start3A_276 = arith.constant 0 : i32
    %dma_start3A_277 = tpu.memref_slice %arg6[%rem3A_274, %dma_start3A_275, %dma_start3A_276] : memref<8x40x32xbf16, #tpu.memory_space<vmem>> -> memref<1x40x32xbf16, #tpu.memory_space<vmem>>
    %dma_start3A_278 = tpu.memref_squeeze %dma_start3A_277 : memref<1x40x32xbf16, #tpu.memory_space<vmem>> -> memref<40x32xbf16, #tpu.memory_space<vmem>>
    %dma_start3A_279 = tpu.memref_slice %arg5[%rem3A_267, %add3A_271] : memref<3x6400xi32, #tpu.memory_space<vmem>> -> memref<1x40xi32, #tpu.memory_space<vmem>>
    %dma_start3A_280 = tpu.memref_squeeze %dma_start3A_279 : memref<1x40xi32, #tpu.memory_space<vmem>> -> memref<40xi32, #tpu.memory_space<vmem>>
    %dma_start3A_281 = arith.constant 0 : i32
    %dma_start3A_282 = arith.constant 0 : i32
    %dma_start3A_283 = tpu.memref_slice %arg8[%dma_start3A_281, %dma_start3A_282] : memref<100000x32xbf16, #tpu.memory_space<vmem_shared>> -> memref<100000x32xbf16, #tpu.memory_space<vmem_shared>>
    tpu.enqueue_indirect_dma source(%dma_start3A_283 : memref<100000x32xbf16, #tpu.memory_space<vmem_shared>>) target(%dma_start3A_278 : memref<40x32xbf16, #tpu.memory_space<vmem>>) offsets(%dma_start3A_280 : memref<40xi32, #tpu.memory_space<vmem>>) semaphore(%arg9 : memref<!tpu.dma_semaphore, #tpu.memory_space<semaphore_mem>>) {add = true}
    %rem3A_284 = arith.constant 0 : i32
    %rem3A_285 = arith.constant 3 : i32
    %rem3A_286 = arith.remsi %rem3A_284, %rem3A_285 : i32
    %mul3A_287 = arith.constant 200 : i32
    %mul3A_288 = arith.muli %rem3A_245, %mul3A_287 : i32
    %add3A_289 = arith.constant 80 : i32
    %add3A_290 = arith.addi %mul3A_288, %add3A_289 : i32
    %rem3A_291 = arith.constant 2 : i32
    %rem3A_292 = arith.constant 8 : i32
    %rem3A_293 = arith.remsi %rem3A_291, %rem3A_292 : i32
    %dma_start3A_294 = arith.constant 0 : i32
    %dma_start3A_295 = arith.constant 0 : i32
    %dma_start3A_296 = tpu.memref_slice %arg6[%rem3A_293, %dma_start3A_294, %dma_start3A_295] : memref<8x40x32xbf16, #tpu.memory_space<vmem>> -> memref<1x40x32xbf16, #tpu.memory_space<vmem>>
    %dma_start3A_297 = tpu.memref_squeeze %dma_start3A_296 : memref<1x40x32xbf16, #tpu.memory_space<vmem>> -> memref<40x32xbf16, #tpu.memory_space<vmem>>
    %dma_start3A_298 = tpu.memref_slice %arg5[%rem3A_286, %add3A_290] : memref<3x6400xi32, #tpu.memory_space<vmem>> -> memref<1x40xi32, #tpu.memory_space<vmem>>
    %dma_start3A_299 = tpu.memref_squeeze %dma_start3A_298 : memref<1x40xi32, #tpu.memory_space<vmem>> -> memref<40xi32, #tpu.memory_space<vmem>>
    %dma_start3A_300 = arith.constant 0 : i32
    %dma_start3A_301 = arith.constant 0 : i32
    %dma_start3A_302 = tpu.memref_slice %arg8[%dma_start3A_300, %dma_start3A_301] : memref<100000x32xbf16, #tpu.memory_space<vmem_shared>> -> memref<100000x32xbf16, #tpu.memory_space<vmem_shared>>
    tpu.enqueue_indirect_dma source(%dma_start3A_302 : memref<100000x32xbf16, #tpu.memory_space<vmem_shared>>) target(%dma_start3A_297 : memref<40x32xbf16, #tpu.memory_space<vmem>>) offsets(%dma_start3A_299 : memref<40xi32, #tpu.memory_space<vmem>>) semaphore(%arg9 : memref<!tpu.dma_semaphore, #tpu.memory_space<semaphore_mem>>) {add = true}
    %rem3A_303 = arith.constant 0 : i32
    %rem3A_304 = arith.constant 3 : i32
    %rem3A_305 = arith.remsi %rem3A_303, %rem3A_304 : i32
    %mul3A_306 = arith.constant 200 : i32
    %mul3A_307 = arith.muli %rem3A_245, %mul3A_306 : i32
    %add3A_308 = arith.constant 120 : i32
    %add3A_309 = arith.addi %mul3A_307, %add3A_308 : i32
    %rem3A_310 = arith.constant 2 : i32
    %rem3A_311 = arith.constant 8 : i32
    %rem3A_312 = arith.remsi %rem3A_310, %rem3A_311 : i32
    %dma_start3A_313 = arith.constant 0 : i32
    %dma_start3A_314 = arith.constant 0 : i32
    %dma_start3A_315 = tpu.memref_slice %arg6[%rem3A_312, %dma_start3A_313, %dma_start3A_314] : memref<8x40x32xbf16, #tpu.memory_space<vmem>> -> memref<1x40x32xbf16, #tpu.memory_space<vmem>>
    %dma_start3A_316 = tpu.memref_squeeze %dma_start3A_315 : memref<1x40x32xbf16, #tpu.memory_space<vmem>> -> memref<40x32xbf16, #tpu.memory_space<vmem>>
    %dma_start3A_317 = tpu.memref_slice %arg5[%rem3A_305, %add3A_309] : memref<3x6400xi32, #tpu.memory_space<vmem>> -> memref<1x40xi32, #tpu.memory_space<vmem>>
    %dma_start3A_318 = tpu.memref_squeeze %dma_start3A_317 : memref<1x40xi32, #tpu.memory_space<vmem>> -> memref<40xi32, #tpu.memory_space<vmem>>
    %dma_start3A_319 = arith.constant 0 : i32
    %dma_start3A_320 = arith.constant 0 : i32
    %dma_start3A_321 = tpu.memref_slice %arg8[%dma_start3A_319, %dma_start3A_320] : memref<100000x32xbf16, #tpu.memory_space<vmem_shared>> -> memref<100000x32xbf16, #tpu.memory_space<vmem_shared>>
    tpu.enqueue_indirect_dma source(%dma_start3A_321 : memref<100000x32xbf16, #tpu.memory_space<vmem_shared>>) target(%dma_start3A_316 : memref<40x32xbf16, #tpu.memory_space<vmem>>) offsets(%dma_start3A_318 : memref<40xi32, #tpu.memory_space<vmem>>) semaphore(%arg9 : memref<!tpu.dma_semaphore, #tpu.memory_space<semaphore_mem>>) {add = true}
    %rem3A_322 = arith.constant 0 : i32
    %rem3A_323 = arith.constant 3 : i32
    %rem3A_324 = arith.remsi %rem3A_322, %rem3A_323 : i32
    %mul3A_325 = arith.constant 200 : i32
    %mul3A_326 = arith.muli %rem3A_245, %mul3A_325 : i32
    %add3A_327 = arith.constant 160 : i32
    %add3A_328 = arith.addi %mul3A_326, %add3A_327 : i32
    %rem3A_329 = arith.constant 2 : i32
    %rem3A_330 = arith.constant 8 : i32
    %rem3A_331 = arith.remsi %rem3A_329, %rem3A_330 : i32
    %dma_start3A_332 = arith.constant 0 : i32
    %dma_start3A_333 = arith.constant 0 : i32
    %dma_start3A_334 = tpu.memref_slice %arg6[%rem3A_331, %dma_start3A_332, %dma_start3A_333] : memref<8x40x32xbf16, #tpu.memory_space<vmem>> -> memref<1x40x32xbf16, #tpu.memory_space<vmem>>
    %dma_start3A_335 = tpu.memref_squeeze %dma_start3A_334 : memref<1x40x32xbf16, #tpu.memory_space<vmem>> -> memref<40x32xbf16, #tpu.memory_space<vmem>>
    %dma_start3A_336 = tpu.memref_slice %arg5[%rem3A_324, %add3A_328] : memref<3x6400xi32, #tpu.memory_space<vmem>> -> memref<1x40xi32, #tpu.memory_space<vmem>>
    %dma_start3A_337 = tpu.memref_squeeze %dma_start3A_336 : memref<1x40xi32, #tpu.memory_space<vmem>> -> memref<40xi32, #tpu.memory_space<vmem>>
    %dma_start3A_338 = arith.constant 0 : i32
    %dma_start3A_339 = arith.constant 0 : i32
    %dma_start3A_340 = tpu.memref_slice %arg8[%dma_start3A_338, %dma_start3A_339] : memref<100000x32xbf16, #tpu.memory_space<vmem_shared>> -> memref<100000x32xbf16, #tpu.memory_space<vmem_shared>>
    tpu.enqueue_indirect_dma source(%dma_start3A_340 : memref<100000x32xbf16, #tpu.memory_space<vmem_shared>>) target(%dma_start3A_335 : memref<40x32xbf16, #tpu.memory_space<vmem>>) offsets(%dma_start3A_337 : memref<40xi32, #tpu.memory_space<vmem>>) semaphore(%arg9 : memref<!tpu.dma_semaphore, #tpu.memory_space<semaphore_mem>>) {add = true}
    %rem3A_341 = arith.constant 3 : i32
    %rem3A_342 = arith.constant 32 : i32
    %rem3A_343 = arith.remsi %rem3A_341, %rem3A_342 : i32
    %rem3A_344 = arith.constant 0 : i32
    %rem3A_345 = arith.constant 3 : i32
    %rem3A_346 = arith.remsi %rem3A_344, %rem3A_345 : i32
    %mul3A_347 = arith.constant 200 : i32
    %mul3A_348 = arith.muli %rem3A_343, %mul3A_347 : i32
    %add3A_349 = arith.constant 0 : i32
    %add3A_350 = arith.addi %mul3A_348, %add3A_349 : i32
    %rem3A_351 = arith.constant 3 : i32
    %rem3A_352 = arith.constant 8 : i32
    %rem3A_353 = arith.remsi %rem3A_351, %rem3A_352 : i32
    %dma_start3A_354 = arith.constant 0 : i32
    %dma_start3A_355 = arith.constant 0 : i32
    %dma_start3A_356 = tpu.memref_slice %arg6[%rem3A_353, %dma_start3A_354, %dma_start3A_355] : memref<8x40x32xbf16, #tpu.memory_space<vmem>> -> memref<1x40x32xbf16, #tpu.memory_space<vmem>>
    %dma_start3A_357 = tpu.memref_squeeze %dma_start3A_356 : memref<1x40x32xbf16, #tpu.memory_space<vmem>> -> memref<40x32xbf16, #tpu.memory_space<vmem>>
    %dma_start3A_358 = tpu.memref_slice %arg5[%rem3A_346, %add3A_350] : memref<3x6400xi32, #tpu.memory_space<vmem>> -> memref<1x40xi32, #tpu.memory_space<vmem>>
    %dma_start3A_359 = tpu.memref_squeeze %dma_start3A_358 : memref<1x40xi32, #tpu.memory_space<vmem>> -> memref<40xi32, #tpu.memory_space<vmem>>
    %dma_start3A_360 = arith.constant 0 : i32
    %dma_start3A_361 = arith.constant 0 : i32
    %dma_start3A_362 = tpu.memref_slice %arg8[%dma_start3A_360, %dma_start3A_361] : memref<100000x32xbf16, #tpu.memory_space<vmem_shared>> -> memref<100000x32xbf16, #tpu.memory_space<vmem_shared>>
    tpu.enqueue_indirect_dma source(%dma_start3A_362 : memref<100000x32xbf16, #tpu.memory_space<vmem_shared>>) target(%dma_start3A_357 : memref<40x32xbf16, #tpu.memory_space<vmem>>) offsets(%dma_start3A_359 : memref<40xi32, #tpu.memory_space<vmem>>) semaphore(%arg9 : memref<!tpu.dma_semaphore, #tpu.memory_space<semaphore_mem>>) {add = true}
    %rem3A_363 = arith.constant 0 : i32
    %rem3A_364 = arith.constant 3 : i32
    %rem3A_365 = arith.remsi %rem3A_363, %rem3A_364 : i32
    %mul3A_366 = arith.constant 200 : i32
    %mul3A_367 = arith.muli %rem3A_343, %mul3A_366 : i32
    %add3A_368 = arith.constant 40 : i32
    %add3A_369 = arith.addi %mul3A_367, %add3A_368 : i32
    %rem3A_370 = arith.constant 3 : i32
    %rem3A_371 = arith.constant 8 : i32
    %rem3A_372 = arith.remsi %rem3A_370, %rem3A_371 : i32
    %dma_start3A_373 = arith.constant 0 : i32
    %dma_start3A_374 = arith.constant 0 : i32
    %dma_start3A_375 = tpu.memref_slice %arg6[%rem3A_372, %dma_start3A_373, %dma_start3A_374] : memref<8x40x32xbf16, #tpu.memory_space<vmem>> -> memref<1x40x32xbf16, #tpu.memory_space<vmem>>
    %dma_start3A_376 = tpu.memref_squeeze %dma_start3A_375 : memref<1x40x32xbf16, #tpu.memory_space<vmem>> -> memref<40x32xbf16, #tpu.memory_space<vmem>>
    %dma_start3A_377 = tpu.memref_slice %arg5[%rem3A_365, %add3A_369] : memref<3x6400xi32, #tpu.memory_space<vmem>> -> memref<1x40xi32, #tpu.memory_space<vmem>>
    %dma_start3A_378 = tpu.memref_squeeze %dma_start3A_377 : memref<1x40xi32, #tpu.memory_space<vmem>> -> memref<40xi32, #tpu.memory_space<vmem>>
    %dma_start3A_379 = arith.constant 0 : i32
    %dma_start3A_380 = arith.constant 0 : i32
    %dma_start3A_381 = tpu.memref_slice %arg8[%dma_start3A_379, %dma_start3A_380] : memref<100000x32xbf16, #tpu.memory_space<vmem_shared>> -> memref<100000x32xbf16, #tpu.memory_space<vmem_shared>>
    tpu.enqueue_indirect_dma source(%dma_start3A_381 : memref<100000x32xbf16, #tpu.memory_space<vmem_shared>>) target(%dma_start3A_376 : memref<40x32xbf16, #tpu.memory_space<vmem>>) offsets(%dma_start3A_378 : memref<40xi32, #tpu.memory_space<vmem>>) semaphore(%arg9 : memref<!tpu.dma_semaphore, #tpu.memory_space<semaphore_mem>>) {add = true}
    %rem3A_382 = arith.constant 0 : i32
    %rem3A_383 = arith.constant 3 : i32
    %rem3A_384 = arith.remsi %rem3A_382, %rem3A_383 : i32
    %mul3A_385 = arith.constant 200 : i32
    %mul3A_386 = arith.muli %rem3A_343, %mul3A_385 : i32
    %add3A_387 = arith.constant 80 : i32
    %add3A_388 = arith.addi %mul3A_386, %add3A_387 : i32
    %rem3A_389 = arith.constant 3 : i32
    %rem3A_390 = arith.constant 8 : i32
    %rem3A_391 = arith.remsi %rem3A_389, %rem3A_390 : i32
    %dma_start3A_392 = arith.constant 0 : i32
    %dma_start3A_393 = arith.constant 0 : i32
    %dma_start3A_394 = tpu.memref_slice %arg6[%rem3A_391, %dma_start3A_392, %dma_start3A_393] : memref<8x40x32xbf16, #tpu.memory_space<vmem>> -> memref<1x40x32xbf16, #tpu.memory_space<vmem>>
    %dma_start3A_395 = tpu.memref_squeeze %dma_start3A_394 : memref<1x40x32xbf16, #tpu.memory_space<vmem>> -> memref<40x32xbf16, #tpu.memory_space<vmem>>
    %dma_start3A_396 = tpu.memref_slice %arg5[%rem3A_384, %add3A_388] : memref<3x6400xi32, #tpu.memory_space<vmem>> -> memref<1x40xi32, #tpu.memory_space<vmem>>
    %dma_start3A_397 = tpu.memref_squeeze %dma_start3A_396 : memref<1x40xi32, #tpu.memory_space<vmem>> -> memref<40xi32, #tpu.memory_space<vmem>>
    %dma_start3A_398 = arith.constant 0 : i32
    %dma_start3A_399 = arith.constant 0 : i32
    %dma_start3A_400 = tpu.memref_slice %arg8[%dma_start3A_398, %dma_start3A_399] : memref<100000x32xbf16, #tpu.memory_space<vmem_shared>> -> memref<100000x32xbf16, #tpu.memory_space<vmem_shared>>
    tpu.enqueue_indirect_dma source(%dma_start3A_400 : memref<100000x32xbf16, #tpu.memory_space<vmem_shared>>) target(%dma_start3A_395 : memref<40x32xbf16, #tpu.memory_space<vmem>>) offsets(%dma_start3A_397 : memref<40xi32, #tpu.memory_space<vmem>>) semaphore(%arg9 : memref<!tpu.dma_semaphore, #tpu.memory_space<semaphore_mem>>) {add = true}
    %rem3A_401 = arith.constant 0 : i32
    %rem3A_402 = arith.constant 3 : i32
    %rem3A_403 = arith.remsi %rem3A_401, %rem3A_402 : i32
    %mul3A_404 = arith.constant 200 : i32
    %mul3A_405 = arith.muli %rem3A_343, %mul3A_404 : i32
    %add3A_406 = arith.constant 120 : i32
    %add3A_407 = arith.addi %mul3A_405, %add3A_406 : i32
    %rem3A_408 = arith.constant 3 : i32
    %rem3A_409 = arith.constant 8 : i32
    %rem3A_410 = arith.remsi %rem3A_408, %rem3A_409 : i32
    %dma_start3A_411 = arith.constant 0 : i32
    %dma_start3A_412 = arith.constant 0 : i32
    %dma_start3A_413 = tpu.memref_slice %arg6[%rem3A_410, %dma_start3A_411, %dma_start3A_412] : memref<8x40x32xbf16, #tpu.memory_space<vmem>> -> memref<1x40x32xbf16, #tpu.memory_space<vmem>>
    %dma_start3A_414 = tpu.memref_squeeze %dma_start3A_413 : memref<1x40x32xbf16, #tpu.memory_space<vmem>> -> memref<40x32xbf16, #tpu.memory_space<vmem>>
    %dma_start3A_415 = tpu.memref_slice %arg5[%rem3A_403, %add3A_407] : memref<3x6400xi32, #tpu.memory_space<vmem>> -> memref<1x40xi32, #tpu.memory_space<vmem>>
    %dma_start3A_416 = tpu.memref_squeeze %dma_start3A_415 : memref<1x40xi32, #tpu.memory_space<vmem>> -> memref<40xi32, #tpu.memory_space<vmem>>
    %dma_start3A_417 = arith.constant 0 : i32
    %dma_start3A_418 = arith.constant 0 : i32
    %dma_start3A_419 = tpu.memref_slice %arg8[%dma_start3A_417, %dma_start3A_418] : memref<100000x32xbf16, #tpu.memory_space<vmem_shared>> -> memref<100000x32xbf16, #tpu.memory_space<vmem_shared>>
    tpu.enqueue_indirect_dma source(%dma_start3A_419 : memref<100000x32xbf16, #tpu.memory_space<vmem_shared>>) target(%dma_start3A_414 : memref<40x32xbf16, #tpu.memory_space<vmem>>) offsets(%dma_start3A_416 : memref<40xi32, #tpu.memory_space<vmem>>) semaphore(%arg9 : memref<!tpu.dma_semaphore, #tpu.memory_space<semaphore_mem>>) {add = true}
    %rem3A_420 = arith.constant 0 : i32
    %rem3A_421 = arith.constant 3 : i32
    %rem3A_422 = arith.remsi %rem3A_420, %rem3A_421 : i32
    %mul3A_423 = arith.constant 200 : i32
    %mul3A_424 = arith.muli %rem3A_343, %mul3A_423 : i32
    %add3A_425 = arith.constant 160 : i32
    %add3A_426 = arith.addi %mul3A_424, %add3A_425 : i32
    %rem3A_427 = arith.constant 3 : i32
    %rem3A_428 = arith.constant 8 : i32
    %rem3A_429 = arith.remsi %rem3A_427, %rem3A_428 : i32
    %dma_start3A_430 = arith.constant 0 : i32
    %dma_start3A_431 = arith.constant 0 : i32
    %dma_start3A_432 = tpu.memref_slice %arg6[%rem3A_429, %dma_start3A_430, %dma_start3A_431] : memref<8x40x32xbf16, #tpu.memory_space<vmem>> -> memref<1x40x32xbf16, #tpu.memory_space<vmem>>
    %dma_start3A_433 = tpu.memref_squeeze %dma_start3A_432 : memref<1x40x32xbf16, #tpu.memory_space<vmem>> -> memref<40x32xbf16, #tpu.memory_space<vmem>>
    %dma_start3A_434 = tpu.memref_slice %arg5[%rem3A_422, %add3A_426] : memref<3x6400xi32, #tpu.memory_space<vmem>> -> memref<1x40xi32, #tpu.memory_space<vmem>>
    %dma_start3A_435 = tpu.memref_squeeze %dma_start3A_434 : memref<1x40xi32, #tpu.memory_space<vmem>> -> memref<40xi32, #tpu.memory_space<vmem>>
    %dma_start3A_436 = arith.constant 0 : i32
    %dma_start3A_437 = arith.constant 0 : i32
    %dma_start3A_438 = tpu.memref_slice %arg8[%dma_start3A_436, %dma_start3A_437] : memref<100000x32xbf16, #tpu.memory_space<vmem_shared>> -> memref<100000x32xbf16, #tpu.memory_space<vmem_shared>>
    tpu.enqueue_indirect_dma source(%dma_start3A_438 : memref<100000x32xbf16, #tpu.memory_space<vmem_shared>>) target(%dma_start3A_433 : memref<40x32xbf16, #tpu.memory_space<vmem>>) offsets(%dma_start3A_435 : memref<40xi32, #tpu.memory_space<vmem>>) semaphore(%arg9 : memref<!tpu.dma_semaphore, #tpu.memory_space<semaphore_mem>>) {add = true}
    %rem3A_439 = arith.constant 4 : i32
    %rem3A_440 = arith.constant 32 : i32
    %rem3A_441 = arith.remsi %rem3A_439, %rem3A_440 : i32
    %rem3A_442 = arith.constant 0 : i32
    %rem3A_443 = arith.constant 3 : i32
    %rem3A_444 = arith.remsi %rem3A_442, %rem3A_443 : i32
    %mul3A_445 = arith.constant 200 : i32
    %mul3A_446 = arith.muli %rem3A_441, %mul3A_445 : i32
    %add3A_447 = arith.constant 0 : i32
    %add3A_448 = arith.addi %mul3A_446, %add3A_447 : i32
    %rem3A_449 = arith.constant 4 : i32
    %rem3A_450 = arith.constant 8 : i32
    %rem3A_451 = arith.remsi %rem3A_449, %rem3A_450 : i32
    %dma_start3A_452 = arith.constant 0 : i32
    %dma_start3A_453 = arith.constant 0 : i32
    %dma_start3A_454 = tpu.memref_slice %arg6[%rem3A_451, %dma_start3A_452, %dma_start3A_453] : memref<8x40x32xbf16, #tpu.memory_space<vmem>> -> memref<1x40x32xbf16, #tpu.memory_space<vmem>>
    %dma_start3A_455 = tpu.memref_squeeze %dma_start3A_454 : memref<1x40x32xbf16, #tpu.memory_space<vmem>> -> memref<40x32xbf16, #tpu.memory_space<vmem>>
    %dma_start3A_456 = tpu.memref_slice %arg5[%rem3A_444, %add3A_448] : memref<3x6400xi32, #tpu.memory_space<vmem>> -> memref<1x40xi32, #tpu.memory_space<vmem>>
    %dma_start3A_457 = tpu.memref_squeeze %dma_start3A_456 : memref<1x40xi32, #tpu.memory_space<vmem>> -> memref<40xi32, #tpu.memory_space<vmem>>
    %dma_start3A_458 = arith.constant 0 : i32
    %dma_start3A_459 = arith.constant 0 : i32
    %dma_start3A_460 = tpu.memref_slice %arg8[%dma_start3A_458, %dma_start3A_459] : memref<100000x32xbf16, #tpu.memory_space<vmem_shared>> -> memref<100000x32xbf16, #tpu.memory_space<vmem_shared>>
    tpu.enqueue_indirect_dma source(%dma_start3A_460 : memref<100000x32xbf16, #tpu.memory_space<vmem_shared>>) target(%dma_start3A_455 : memref<40x32xbf16, #tpu.memory_space<vmem>>) offsets(%dma_start3A_457 : memref<40xi32, #tpu.memory_space<vmem>>) semaphore(%arg9 : memref<!tpu.dma_semaphore, #tpu.memory_space<semaphore_mem>>) {add = true}
    %rem3A_461 = arith.constant 0 : i32
    %rem3A_462 = arith.constant 3 : i32
    %rem3A_463 = arith.remsi %rem3A_461, %rem3A_462 : i32
    %mul3A_464 = arith.constant 200 : i32
    %mul3A_465 = arith.muli %rem3A_441, %mul3A_464 : i32
    %add3A_466 = arith.constant 40 : i32
    %add3A_467 = arith.addi %mul3A_465, %add3A_466 : i32
    %rem3A_468 = arith.constant 4 : i32
    %rem3A_469 = arith.constant 8 : i32
    %rem3A_470 = arith.remsi %rem3A_468, %rem3A_469 : i32
    %dma_start3A_471 = arith.constant 0 : i32
    %dma_start3A_472 = arith.constant 0 : i32
    %dma_start3A_473 = tpu.memref_slice %arg6[%rem3A_470, %dma_start3A_471, %dma_start3A_472] : memref<8x40x32xbf16, #tpu.memory_space<vmem>> -> memref<1x40x32xbf16, #tpu.memory_space<vmem>>
    %dma_start3A_474 = tpu.memref_squeeze %dma_start3A_473 : memref<1x40x32xbf16, #tpu.memory_space<vmem>> -> memref<40x32xbf16, #tpu.memory_space<vmem>>
    %dma_start3A_475 = tpu.memref_slice %arg5[%rem3A_463, %add3A_467] : memref<3x6400xi32, #tpu.memory_space<vmem>> -> memref<1x40xi32, #tpu.memory_space<vmem>>
    %dma_start3A_476 = tpu.memref_squeeze %dma_start3A_475 : memref<1x40xi32, #tpu.memory_space<vmem>> -> memref<40xi32, #tpu.memory_space<vmem>>
    %dma_start3A_477 = arith.constant 0 : i32
    %dma_start3A_478 = arith.constant 0 : i32
    %dma_start3A_479 = tpu.memref_slice %arg8[%dma_start3A_477, %dma_start3A_478] : memref<100000x32xbf16, #tpu.memory_space<vmem_shared>> -> memref<100000x32xbf16, #tpu.memory_space<vmem_shared>>
    tpu.enqueue_indirect_dma source(%dma_start3A_479 : memref<100000x32xbf16, #tpu.memory_space<vmem_shared>>) target(%dma_start3A_474 : memref<40x32xbf16, #tpu.memory_space<vmem>>) offsets(%dma_start3A_476 : memref<40xi32, #tpu.memory_space<vmem>>) semaphore(%arg9 : memref<!tpu.dma_semaphore, #tpu.memory_space<semaphore_mem>>) {add = true}
    %rem3A_480 = arith.constant 0 : i32
    %rem3A_481 = arith.constant 3 : i32
    %rem3A_482 = arith.remsi %rem3A_480, %rem3A_481 : i32
    %mul3A_483 = arith.constant 200 : i32
    %mul3A_484 = arith.muli %rem3A_441, %mul3A_483 : i32
    %add3A_485 = arith.constant 80 : i32
    %add3A_486 = arith.addi %mul3A_484, %add3A_485 : i32
    %rem3A_487 = arith.constant 4 : i32
    %rem3A_488 = arith.constant 8 : i32
    %rem3A_489 = arith.remsi %rem3A_487, %rem3A_488 : i32
    %dma_start3A_490 = arith.constant 0 : i32
    %dma_start3A_491 = arith.constant 0 : i32
    %dma_start3A_492 = tpu.memref_slice %arg6[%rem3A_489, %dma_start3A_490, %dma_start3A_491] : memref<8x40x32xbf16, #tpu.memory_space<vmem>> -> memref<1x40x32xbf16, #tpu.memory_space<vmem>>
    %dma_start3A_493 = tpu.memref_squeeze %dma_start3A_492 : memref<1x40x32xbf16, #tpu.memory_space<vmem>> -> memref<40x32xbf16, #tpu.memory_space<vmem>>
    %dma_start3A_494 = tpu.memref_slice %arg5[%rem3A_482, %add3A_486] : memref<3x6400xi32, #tpu.memory_space<vmem>> -> memref<1x40xi32, #tpu.memory_space<vmem>>
    %dma_start3A_495 = tpu.memref_squeeze %dma_start3A_494 : memref<1x40xi32, #tpu.memory_space<vmem>> -> memref<40xi32, #tpu.memory_space<vmem>>
    %dma_start3A_496 = arith.constant 0 : i32
    %dma_start3A_497 = arith.constant 0 : i32
    %dma_start3A_498 = tpu.memref_slice %arg8[%dma_start3A_496, %dma_start3A_497] : memref<100000x32xbf16, #tpu.memory_space<vmem_shared>> -> memref<100000x32xbf16, #tpu.memory_space<vmem_shared>>
    tpu.enqueue_indirect_dma source(%dma_start3A_498 : memref<100000x32xbf16, #tpu.memory_space<vmem_shared>>) target(%dma_start3A_493 : memref<40x32xbf16, #tpu.memory_space<vmem>>) offsets(%dma_start3A_495 : memref<40xi32, #tpu.memory_space<vmem>>) semaphore(%arg9 : memref<!tpu.dma_semaphore, #tpu.memory_space<semaphore_mem>>) {add = true}
    %rem3A_499 = arith.constant 0 : i32
    %rem3A_500 = arith.constant 3 : i32
    %rem3A_501 = arith.remsi %rem3A_499, %rem3A_500 : i32
    %mul3A_502 = arith.constant 200 : i32
    %mul3A_503 = arith.muli %rem3A_441, %mul3A_502 : i32
    %add3A_504 = arith.constant 120 : i32
    %add3A_505 = arith.addi %mul3A_503, %add3A_504 : i32
    %rem3A_506 = arith.constant 4 : i32
    %rem3A_507 = arith.constant 8 : i32
    %rem3A_508 = arith.remsi %rem3A_506, %rem3A_507 : i32
    %dma_start3A_509 = arith.constant 0 : i32
    %dma_start3A_510 = arith.constant 0 : i32
    %dma_start3A_511 = tpu.memref_slice %arg6[%rem3A_508, %dma_start3A_509, %dma_start3A_510] : memref<8x40x32xbf16, #tpu.memory_space<vmem>> -> memref<1x40x32xbf16, #tpu.memory_space<vmem>>
    %dma_start3A_512 = tpu.memref_squeeze %dma_start3A_511 : memref<1x40x32xbf16, #tpu.memory_space<vmem>> -> memref<40x32xbf16, #tpu.memory_space<vmem>>
    %dma_start3A_513 = tpu.memref_slice %arg5[%rem3A_501, %add3A_505] : memref<3x6400xi32, #tpu.memory_space<vmem>> -> memref<1x40xi32, #tpu.memory_space<vmem>>
    %dma_start3A_514 = tpu.memref_squeeze %dma_start3A_513 : memref<1x40xi32, #tpu.memory_space<vmem>> -> memref<40xi32, #tpu.memory_space<vmem>>
    %dma_start3A_515 = arith.constant 0 : i32
    %dma_start3A_516 = arith.constant 0 : i32
    %dma_start3A_517 = tpu.memref_slice %arg8[%dma_start3A_515, %dma_start3A_516] : memref<100000x32xbf16, #tpu.memory_space<vmem_shared>> -> memref<100000x32xbf16, #tpu.memory_space<vmem_shared>>
    tpu.enqueue_indirect_dma source(%dma_start3A_517 : memref<100000x32xbf16, #tpu.memory_space<vmem_shared>>) target(%dma_start3A_512 : memref<40x32xbf16, #tpu.memory_space<vmem>>) offsets(%dma_start3A_514 : memref<40xi32, #tpu.memory_space<vmem>>) semaphore(%arg9 : memref<!tpu.dma_semaphore, #tpu.memory_space<semaphore_mem>>) {add = true}
    %rem3A_518 = arith.constant 0 : i32
    %rem3A_519 = arith.constant 3 : i32
    %rem3A_520 = arith.remsi %rem3A_518, %rem3A_519 : i32
    %mul3A_521 = arith.constant 200 : i32
    %mul3A_522 = arith.muli %rem3A_441, %mul3A_521 : i32
    %add3A_523 = arith.constant 160 : i32
    %add3A_524 = arith.addi %mul3A_522, %add3A_523 : i32
    %rem3A_525 = arith.constant 4 : i32
    %rem3A_526 = arith.constant 8 : i32
    %rem3A_527 = arith.remsi %rem3A_525, %rem3A_526 : i32
    %dma_start3A_528 = arith.constant 0 : i32
    %dma_start3A_529 = arith.constant 0 : i32
    %dma_start3A_530 = tpu.memref_slice %arg6[%rem3A_527, %dma_start3A_528, %dma_start3A_529] : memref<8x40x32xbf16, #tpu.memory_space<vmem>> -> memref<1x40x32xbf16, #tpu.memory_space<vmem>>
    %dma_start3A_531 = tpu.memref_squeeze %dma_start3A_530 : memref<1x40x32xbf16, #tpu.memory_space<vmem>> -> memref<40x32xbf16, #tpu.memory_space<vmem>>
    %dma_start3A_532 = tpu.memref_slice %arg5[%rem3A_520, %add3A_524] : memref<3x6400xi32, #tpu.memory_space<vmem>> -> memref<1x40xi32, #tpu.memory_space<vmem>>
    %dma_start3A_533 = tpu.memref_squeeze %dma_start3A_532 : memref<1x40xi32, #tpu.memory_space<vmem>> -> memref<40xi32, #tpu.memory_space<vmem>>
    %dma_start3A_534 = arith.constant 0 : i32
    %dma_start3A_535 = arith.constant 0 : i32
    %dma_start3A_536 = tpu.memref_slice %arg8[%dma_start3A_534, %dma_start3A_535] : memref<100000x32xbf16, #tpu.memory_space<vmem_shared>> -> memref<100000x32xbf16, #tpu.memory_space<vmem_shared>>
    tpu.enqueue_indirect_dma source(%dma_start3A_536 : memref<100000x32xbf16, #tpu.memory_space<vmem_shared>>) target(%dma_start3A_531 : memref<40x32xbf16, #tpu.memory_space<vmem>>) offsets(%dma_start3A_533 : memref<40xi32, #tpu.memory_space<vmem>>) semaphore(%arg9 : memref<!tpu.dma_semaphore, #tpu.memory_space<semaphore_mem>>) {add = true}
    %rem3A_537 = arith.constant 5 : i32
    %rem3A_538 = arith.constant 32 : i32
    %rem3A_539 = arith.remsi %rem3A_537, %rem3A_538 : i32
    %rem3A_540 = arith.constant 0 : i32
    %rem3A_541 = arith.constant 3 : i32
    %rem3A_542 = arith.remsi %rem3A_540, %rem3A_541 : i32
    %mul3A_543 = arith.constant 200 : i32
    %mul3A_544 = arith.muli %rem3A_539, %mul3A_543 : i32
    %add3A_545 = arith.constant 0 : i32
    %add3A_546 = arith.addi %mul3A_544, %add3A_545 : i32
    %rem3A_547 = arith.constant 5 : i32
    %rem3A_548 = arith.constant 8 : i32
    %rem3A_549 = arith.remsi %rem3A_547, %rem3A_548 : i32
    %dma_start3A_550 = arith.constant 0 : i32
    %dma_start3A_551 = arith.constant 0 : i32
    %dma_start3A_552 = tpu.memref_slice %arg6[%rem3A_549, %dma_start3A_550, %dma_start3A_551] : memref<8x40x32xbf16, #tpu.memory_space<vmem>> -> memref<1x40x32xbf16, #tpu.memory_space<vmem>>
    %dma_start3A_553 = tpu.memref_squeeze %dma_start3A_552 : memref<1x40x32xbf16, #tpu.memory_space<vmem>> -> memref<40x32xbf16, #tpu.memory_space<vmem>>
    %dma_start3A_554 = tpu.memref_slice %arg5[%rem3A_542, %add3A_546] : memref<3x6400xi32, #tpu.memory_space<vmem>> -> memref<1x40xi32, #tpu.memory_space<vmem>>
    %dma_start3A_555 = tpu.memref_squeeze %dma_start3A_554 : memref<1x40xi32, #tpu.memory_space<vmem>> -> memref<40xi32, #tpu.memory_space<vmem>>
    %dma_start3A_556 = arith.constant 0 : i32
    %dma_start3A_557 = arith.constant 0 : i32
    %dma_start3A_558 = tpu.memref_slice %arg8[%dma_start3A_556, %dma_start3A_557] : memref<100000x32xbf16, #tpu.memory_space<vmem_shared>> -> memref<100000x32xbf16, #tpu.memory_space<vmem_shared>>
    tpu.enqueue_indirect_dma source(%dma_start3A_558 : memref<100000x32xbf16, #tpu.memory_space<vmem_shared>>) target(%dma_start3A_553 : memref<40x32xbf16, #tpu.memory_space<vmem>>) offsets(%dma_start3A_555 : memref<40xi32, #tpu.memory_space<vmem>>) semaphore(%arg9 : memref<!tpu.dma_semaphore, #tpu.memory_space<semaphore_mem>>) {add = true}
    %rem3A_559 = arith.constant 0 : i32
    %rem3A_560 = arith.constant 3 : i32
    %rem3A_561 = arith.remsi %rem3A_559, %rem3A_560 : i32
    %mul3A_562 = arith.constant 200 : i32
    %mul3A_563 = arith.muli %rem3A_539, %mul3A_562 : i32
    %add3A_564 = arith.constant 40 : i32
    %add3A_565 = arith.addi %mul3A_563, %add3A_564 : i32
    %rem3A_566 = arith.constant 5 : i32
    %rem3A_567 = arith.constant 8 : i32
    %rem3A_568 = arith.remsi %rem3A_566, %rem3A_567 : i32
    %dma_start3A_569 = arith.constant 0 : i32
    %dma_start3A_570 = arith.constant 0 : i32
    %dma_start3A_571 = tpu.memref_slice %arg6[%rem3A_568, %dma_start3A_569, %dma_start3A_570] : memref<8x40x32xbf16, #tpu.memory_space<vmem>> -> memref<1x40x32xbf16, #tpu.memory_space<vmem>>
    %dma_start3A_572 = tpu.memref_squeeze %dma_start3A_571 : memref<1x40x32xbf16, #tpu.memory_space<vmem>> -> memref<40x32xbf16, #tpu.memory_space<vmem>>
    %dma_start3A_573 = tpu.memref_slice %arg5[%rem3A_561, %add3A_565] : memref<3x6400xi32, #tpu.memory_space<vmem>> -> memref<1x40xi32, #tpu.memory_space<vmem>>
    %dma_start3A_574 = tpu.memref_squeeze %dma_start3A_573 : memref<1x40xi32, #tpu.memory_space<vmem>> -> memref<40xi32, #tpu.memory_space<vmem>>
    %dma_start3A_575 = arith.constant 0 : i32
    %dma_start3A_576 = arith.constant 0 : i32
    %dma_start3A_577 = tpu.memref_slice %arg8[%dma_start3A_575, %dma_start3A_576] : memref<100000x32xbf16, #tpu.memory_space<vmem_shared>> -> memref<100000x32xbf16, #tpu.memory_space<vmem_shared>>
    tpu.enqueue_indirect_dma source(%dma_start3A_577 : memref<100000x32xbf16, #tpu.memory_space<vmem_shared>>) target(%dma_start3A_572 : memref<40x32xbf16, #tpu.memory_space<vmem>>) offsets(%dma_start3A_574 : memref<40xi32, #tpu.memory_space<vmem>>) semaphore(%arg9 : memref<!tpu.dma_semaphore, #tpu.memory_space<semaphore_mem>>) {add = true}
    %rem3A_578 = arith.constant 0 : i32
    %rem3A_579 = arith.constant 3 : i32
    %rem3A_580 = arith.remsi %rem3A_578, %rem3A_579 : i32
    %mul3A_581 = arith.constant 200 : i32
    %mul3A_582 = arith.muli %rem3A_539, %mul3A_581 : i32
    %add3A_583 = arith.constant 80 : i32
    %add3A_584 = arith.addi %mul3A_582, %add3A_583 : i32
    %rem3A_585 = arith.constant 5 : i32
    %rem3A_586 = arith.constant 8 : i32
    %rem3A_587 = arith.remsi %rem3A_585, %rem3A_586 : i32
    %dma_start3A_588 = arith.constant 0 : i32
    %dma_start3A_589 = arith.constant 0 : i32
    %dma_start3A_590 = tpu.memref_slice %arg6[%rem3A_587, %dma_start3A_588, %dma_start3A_589] : memref<8x40x32xbf16, #tpu.memory_space<vmem>> -> memref<1x40x32xbf16, #tpu.memory_space<vmem>>
    %dma_start3A_591 = tpu.memref_squeeze %dma_start3A_590 : memref<1x40x32xbf16, #tpu.memory_space<vmem>> -> memref<40x32xbf16, #tpu.memory_space<vmem>>
    %dma_start3A_592 = tpu.memref_slice %arg5[%rem3A_580, %add3A_584] : memref<3x6400xi32, #tpu.memory_space<vmem>> -> memref<1x40xi32, #tpu.memory_space<vmem>>
    %dma_start3A_593 = tpu.memref_squeeze %dma_start3A_592 : memref<1x40xi32, #tpu.memory_space<vmem>> -> memref<40xi32, #tpu.memory_space<vmem>>
    %dma_start3A_594 = arith.constant 0 : i32
    %dma_start3A_595 = arith.constant 0 : i32
    %dma_start3A_596 = tpu.memref_slice %arg8[%dma_start3A_594, %dma_start3A_595] : memref<100000x32xbf16, #tpu.memory_space<vmem_shared>> -> memref<100000x32xbf16, #tpu.memory_space<vmem_shared>>
    tpu.enqueue_indirect_dma source(%dma_start3A_596 : memref<100000x32xbf16, #tpu.memory_space<vmem_shared>>) target(%dma_start3A_591 : memref<40x32xbf16, #tpu.memory_space<vmem>>) offsets(%dma_start3A_593 : memref<40xi32, #tpu.memory_space<vmem>>) semaphore(%arg9 : memref<!tpu.dma_semaphore, #tpu.memory_space<semaphore_mem>>) {add = true}
    %rem3A_597 = arith.constant 0 : i32
    %rem3A_598 = arith.constant 3 : i32
    %rem3A_599 = arith.remsi %rem3A_597, %rem3A_598 : i32
    %mul3A_600 = arith.constant 200 : i32
    %mul3A_601 = arith.muli %rem3A_539, %mul3A_600 : i32
    %add3A_602 = arith.constant 120 : i32
    %add3A_603 = arith.addi %mul3A_601, %add3A_602 : i32
    %rem3A_604 = arith.constant 5 : i32
    %rem3A_605 = arith.constant 8 : i32
    %rem3A_606 = arith.remsi %rem3A_604, %rem3A_605 : i32
    %dma_start3A_607 = arith.constant 0 : i32
    %dma_start3A_608 = arith.constant 0 : i32
    %dma_start3A_609 = tpu.memref_slice %arg6[%rem3A_606, %dma_start3A_607, %dma_start3A_608] : memref<8x40x32xbf16, #tpu.memory_space<vmem>> -> memref<1x40x32xbf16, #tpu.memory_space<vmem>>
    %dma_start3A_610 = tpu.memref_squeeze %dma_start3A_609 : memref<1x40x32xbf16, #tpu.memory_space<vmem>> -> memref<40x32xbf16, #tpu.memory_space<vmem>>
    %dma_start3A_611 = tpu.memref_slice %arg5[%rem3A_599, %add3A_603] : memref<3x6400xi32, #tpu.memory_space<vmem>> -> memref<1x40xi32, #tpu.memory_space<vmem>>
    %dma_start3A_612 = tpu.memref_squeeze %dma_start3A_611 : memref<1x40xi32, #tpu.memory_space<vmem>> -> memref<40xi32, #tpu.memory_space<vmem>>
    %dma_start3A_613 = arith.constant 0 : i32
    %dma_start3A_614 = arith.constant 0 : i32
    %dma_start3A_615 = tpu.memref_slice %arg8[%dma_start3A_613, %dma_start3A_614] : memref<100000x32xbf16, #tpu.memory_space<vmem_shared>> -> memref<100000x32xbf16, #tpu.memory_space<vmem_shared>>
    tpu.enqueue_indirect_dma source(%dma_start3A_615 : memref<100000x32xbf16, #tpu.memory_space<vmem_shared>>) target(%dma_start3A_610 : memref<40x32xbf16, #tpu.memory_space<vmem>>) offsets(%dma_start3A_612 : memref<40xi32, #tpu.memory_space<vmem>>) semaphore(%arg9 : memref<!tpu.dma_semaphore, #tpu.memory_space<semaphore_mem>>) {add = true}
    %rem3A_616 = arith.constant 0 : i32
    %rem3A_617 = arith.constant 3 : i32
    %rem3A_618 = arith.remsi %rem3A_616, %rem3A_617 : i32
    %mul3A_619 = arith.constant 200 : i32
    %mul3A_620 = arith.muli %rem3A_539, %mul3A_619 : i32
    %add3A_621 = arith.constant 160 : i32
    %add3A_622 = arith.addi %mul3A_620, %add3A_621 : i32
    %rem3A_623 = arith.constant 5 : i32
    %rem3A_624 = arith.constant 8 : i32
    %rem3A_625 = arith.remsi %rem3A_623, %rem3A_624 : i32
    %dma_start3A_626 = arith.constant 0 : i32
    %dma_start3A_627 = arith.constant 0 : i32
    %dma_start3A_628 = tpu.memref_slice %arg6[%rem3A_625, %dma_start3A_626, %dma_start3A_627] : memref<8x40x32xbf16, #tpu.memory_space<vmem>> -> memref<1x40x32xbf16, #tpu.memory_space<vmem>>
    %dma_start3A_629 = tpu.memref_squeeze %dma_start3A_628 : memref<1x40x32xbf16, #tpu.memory_space<vmem>> -> memref<40x32xbf16, #tpu.memory_space<vmem>>
    %dma_start3A_630 = tpu.memref_slice %arg5[%rem3A_618, %add3A_622] : memref<3x6400xi32, #tpu.memory_space<vmem>> -> memref<1x40xi32, #tpu.memory_space<vmem>>
    %dma_start3A_631 = tpu.memref_squeeze %dma_start3A_630 : memref<1x40xi32, #tpu.memory_space<vmem>> -> memref<40xi32, #tpu.memory_space<vmem>>
    %dma_start3A_632 = arith.constant 0 : i32
    %dma_start3A_633 = arith.constant 0 : i32
    %dma_start3A_634 = tpu.memref_slice %arg8[%dma_start3A_632, %dma_start3A_633] : memref<100000x32xbf16, #tpu.memory_space<vmem_shared>> -> memref<100000x32xbf16, #tpu.memory_space<vmem_shared>>
    tpu.enqueue_indirect_dma source(%dma_start3A_634 : memref<100000x32xbf16, #tpu.memory_space<vmem_shared>>) target(%dma_start3A_629 : memref<40x32xbf16, #tpu.memory_space<vmem>>) offsets(%dma_start3A_631 : memref<40xi32, #tpu.memory_space<vmem>>) semaphore(%arg9 : memref<!tpu.dma_semaphore, #tpu.memory_space<semaphore_mem>>) {add = true}
    %rem3A_635 = arith.constant 6 : i32
    %rem3A_636 = arith.constant 32 : i32
    %rem3A_637 = arith.remsi %rem3A_635, %rem3A_636 : i32
    %rem3A_638 = arith.constant 0 : i32
    %rem3A_639 = arith.constant 3 : i32
    %rem3A_640 = arith.remsi %rem3A_638, %rem3A_639 : i32
    %mul3A_641 = arith.constant 200 : i32
    %mul3A_642 = arith.muli %rem3A_637, %mul3A_641 : i32
    %add3A_643 = arith.constant 0 : i32
    %add3A_644 = arith.addi %mul3A_642, %add3A_643 : i32
    %rem3A_645 = arith.constant 6 : i32
    %rem3A_646 = arith.constant 8 : i32
    %rem3A_647 = arith.remsi %rem3A_645, %rem3A_646 : i32
    %dma_start3A_648 = arith.constant 0 : i32
    %dma_start3A_649 = arith.constant 0 : i32
    %dma_start3A_650 = tpu.memref_slice %arg6[%rem3A_647, %dma_start3A_648, %dma_start3A_649] : memref<8x40x32xbf16, #tpu.memory_space<vmem>> -> memref<1x40x32xbf16, #tpu.memory_space<vmem>>
    %dma_start3A_651 = tpu.memref_squeeze %dma_start3A_650 : memref<1x40x32xbf16, #tpu.memory_space<vmem>> -> memref<40x32xbf16, #tpu.memory_space<vmem>>
    %dma_start3A_652 = tpu.memref_slice %arg5[%rem3A_640, %add3A_644] : memref<3x6400xi32, #tpu.memory_space<vmem>> -> memref<1x40xi32, #tpu.memory_space<vmem>>
    %dma_start3A_653 = tpu.memref_squeeze %dma_start3A_652 : memref<1x40xi32, #tpu.memory_space<vmem>> -> memref<40xi32, #tpu.memory_space<vmem>>
    %dma_start3A_654 = arith.constant 0 : i32
    %dma_start3A_655 = arith.constant 0 : i32
    %dma_start3A_656 = tpu.memref_slice %arg8[%dma_start3A_654, %dma_start3A_655] : memref<100000x32xbf16, #tpu.memory_space<vmem_shared>> -> memref<100000x32xbf16, #tpu.memory_space<vmem_shared>>
    tpu.enqueue_indirect_dma source(%dma_start3A_656 : memref<100000x32xbf16, #tpu.memory_space<vmem_shared>>) target(%dma_start3A_651 : memref<40x32xbf16, #tpu.memory_space<vmem>>) offsets(%dma_start3A_653 : memref<40xi32, #tpu.memory_space<vmem>>) semaphore(%arg9 : memref<!tpu.dma_semaphore, #tpu.memory_space<semaphore_mem>>) {add = true}
    %rem3A_657 = arith.constant 0 : i32
    %rem3A_658 = arith.constant 3 : i32
    %rem3A_659 = arith.remsi %rem3A_657, %rem3A_658 : i32
    %mul3A_660 = arith.constant 200 : i32
    %mul3A_661 = arith.muli %rem3A_637, %mul3A_660 : i32
    %add3A_662 = arith.constant 40 : i32
    %add3A_663 = arith.addi %mul3A_661, %add3A_662 : i32
    %rem3A_664 = arith.constant 6 : i32
    %rem3A_665 = arith.constant 8 : i32
    %rem3A_666 = arith.remsi %rem3A_664, %rem3A_665 : i32
    %dma_start3A_667 = arith.constant 0 : i32
    %dma_start3A_668 = arith.constant 0 : i32
    %dma_start3A_669 = tpu.memref_slice %arg6[%rem3A_666, %dma_start3A_667, %dma_start3A_668] : memref<8x40x32xbf16, #tpu.memory_space<vmem>> -> memref<1x40x32xbf16, #tpu.memory_space<vmem>>
    %dma_start3A_670 = tpu.memref_squeeze %dma_start3A_669 : memref<1x40x32xbf16, #tpu.memory_space<vmem>> -> memref<40x32xbf16, #tpu.memory_space<vmem>>
    %dma_start3A_671 = tpu.memref_slice %arg5[%rem3A_659, %add3A_663] : memref<3x6400xi32, #tpu.memory_space<vmem>> -> memref<1x40xi32, #tpu.memory_space<vmem>>
    %dma_start3A_672 = tpu.memref_squeeze %dma_start3A_671 : memref<1x40xi32, #tpu.memory_space<vmem>> -> memref<40xi32, #tpu.memory_space<vmem>>
    %dma_start3A_673 = arith.constant 0 : i32
    %dma_start3A_674 = arith.constant 0 : i32
    %dma_start3A_675 = tpu.memref_slice %arg8[%dma_start3A_673, %dma_start3A_674] : memref<100000x32xbf16, #tpu.memory_space<vmem_shared>> -> memref<100000x32xbf16, #tpu.memory_space<vmem_shared>>
    tpu.enqueue_indirect_dma source(%dma_start3A_675 : memref<100000x32xbf16, #tpu.memory_space<vmem_shared>>) target(%dma_start3A_670 : memref<40x32xbf16, #tpu.memory_space<vmem>>) offsets(%dma_start3A_672 : memref<40xi32, #tpu.memory_space<vmem>>) semaphore(%arg9 : memref<!tpu.dma_semaphore, #tpu.memory_space<semaphore_mem>>) {add = true}
    %rem3A_676 = arith.constant 0 : i32
    %rem3A_677 = arith.constant 3 : i32
    %rem3A_678 = arith.remsi %rem3A_676, %rem3A_677 : i32
    %mul3A_679 = arith.constant 200 : i32
    %mul3A_680 = arith.muli %rem3A_637, %mul3A_679 : i32
    %add3A_681 = arith.constant 80 : i32
    %add3A_682 = arith.addi %mul3A_680, %add3A_681 : i32
    %rem3A_683 = arith.constant 6 : i32
    %rem3A_684 = arith.constant 8 : i32
    %rem3A_685 = arith.remsi %rem3A_683, %rem3A_684 : i32
    %dma_start3A_686 = arith.constant 0 : i32
    %dma_start3A_687 = arith.constant 0 : i32
    %dma_start3A_688 = tpu.memref_slice %arg6[%rem3A_685, %dma_start3A_686, %dma_start3A_687] : memref<8x40x32xbf16, #tpu.memory_space<vmem>> -> memref<1x40x32xbf16, #tpu.memory_space<vmem>>
    %dma_start3A_689 = tpu.memref_squeeze %dma_start3A_688 : memref<1x40x32xbf16, #tpu.memory_space<vmem>> -> memref<40x32xbf16, #tpu.memory_space<vmem>>
    %dma_start3A_690 = tpu.memref_slice %arg5[%rem3A_678, %add3A_682] : memref<3x6400xi32, #tpu.memory_space<vmem>> -> memref<1x40xi32, #tpu.memory_space<vmem>>
    %dma_start3A_691 = tpu.memref_squeeze %dma_start3A_690 : memref<1x40xi32, #tpu.memory_space<vmem>> -> memref<40xi32, #tpu.memory_space<vmem>>
    %dma_start3A_692 = arith.constant 0 : i32
    %dma_start3A_693 = arith.constant 0 : i32
    %dma_start3A_694 = tpu.memref_slice %arg8[%dma_start3A_692, %dma_start3A_693] : memref<100000x32xbf16, #tpu.memory_space<vmem_shared>> -> memref<100000x32xbf16, #tpu.memory_space<vmem_shared>>
    tpu.enqueue_indirect_dma source(%dma_start3A_694 : memref<100000x32xbf16, #tpu.memory_space<vmem_shared>>) target(%dma_start3A_689 : memref<40x32xbf16, #tpu.memory_space<vmem>>) offsets(%dma_start3A_691 : memref<40xi32, #tpu.memory_space<vmem>>) semaphore(%arg9 : memref<!tpu.dma_semaphore, #tpu.memory_space<semaphore_mem>>) {add = true}
    %rem3A_695 = arith.constant 0 : i32
    %rem3A_696 = arith.constant 3 : i32
    %rem3A_697 = arith.remsi %rem3A_695, %rem3A_696 : i32
    %mul3A_698 = arith.constant 200 : i32
    %mul3A_699 = arith.muli %rem3A_637, %mul3A_698 : i32
    %add3A_700 = arith.constant 120 : i32
    %add3A_701 = arith.addi %mul3A_699, %add3A_700 : i32
    %rem3A_702 = arith.constant 6 : i32
    %rem3A_703 = arith.constant 8 : i32
    %rem3A_704 = arith.remsi %rem3A_702, %rem3A_703 : i32
    %dma_start3A_705 = arith.constant 0 : i32
    %dma_start3A_706 = arith.constant 0 : i32
    %dma_start3A_707 = tpu.memref_slice %arg6[%rem3A_704, %dma_start3A_705, %dma_start3A_706] : memref<8x40x32xbf16, #tpu.memory_space<vmem>> -> memref<1x40x32xbf16, #tpu.memory_space<vmem>>
    %dma_start3A_708 = tpu.memref_squeeze %dma_start3A_707 : memref<1x40x32xbf16, #tpu.memory_space<vmem>> -> memref<40x32xbf16, #tpu.memory_space<vmem>>
    %dma_start3A_709 = tpu.memref_slice %arg5[%rem3A_697, %add3A_701] : memref<3x6400xi32, #tpu.memory_space<vmem>> -> memref<1x40xi32, #tpu.memory_space<vmem>>
    %dma_start3A_710 = tpu.memref_squeeze %dma_start3A_709 : memref<1x40xi32, #tpu.memory_space<vmem>> -> memref<40xi32, #tpu.memory_space<vmem>>
    %dma_start3A_711 = arith.constant 0 : i32
    %dma_start3A_712 = arith.constant 0 : i32
    %dma_start3A_713 = tpu.memref_slice %arg8[%dma_start3A_711, %dma_start3A_712] : memref<100000x32xbf16, #tpu.memory_space<vmem_shared>> -> memref<100000x32xbf16, #tpu.memory_space<vmem_shared>>
    tpu.enqueue_indirect_dma source(%dma_start3A_713 : memref<100000x32xbf16, #tpu.memory_space<vmem_shared>>) target(%dma_start3A_708 : memref<40x32xbf16, #tpu.memory_space<vmem>>) offsets(%dma_start3A_710 : memref<40xi32, #tpu.memory_space<vmem>>) semaphore(%arg9 : memref<!tpu.dma_semaphore, #tpu.memory_space<semaphore_mem>>) {add = true}
    %rem3A_714 = arith.constant 0 : i32
    %rem3A_715 = arith.constant 3 : i32
    %rem3A_716 = arith.remsi %rem3A_714, %rem3A_715 : i32
    %mul3A_717 = arith.constant 200 : i32
    %mul3A_718 = arith.muli %rem3A_637, %mul3A_717 : i32
    %add3A_719 = arith.constant 160 : i32
    %add3A_720 = arith.addi %mul3A_718, %add3A_719 : i32
    %rem3A_721 = arith.constant 6 : i32
    %rem3A_722 = arith.constant 8 : i32
    %rem3A_723 = arith.remsi %rem3A_721, %rem3A_722 : i32
    %dma_start3A_724 = arith.constant 0 : i32
    %dma_start3A_725 = arith.constant 0 : i32
    %dma_start3A_726 = tpu.memref_slice %arg6[%rem3A_723, %dma_start3A_724, %dma_start3A_725] : memref<8x40x32xbf16, #tpu.memory_space<vmem>> -> memref<1x40x32xbf16, #tpu.memory_space<vmem>>
    %dma_start3A_727 = tpu.memref_squeeze %dma_start3A_726 : memref<1x40x32xbf16, #tpu.memory_space<vmem>> -> memref<40x32xbf16, #tpu.memory_space<vmem>>
    %dma_start3A_728 = tpu.memref_slice %arg5[%rem3A_716, %add3A_720] : memref<3x6400xi32, #tpu.memory_space<vmem>> -> memref<1x40xi32, #tpu.memory_space<vmem>>
    %dma_start3A_729 = tpu.memref_squeeze %dma_start3A_728 : memref<1x40xi32, #tpu.memory_space<vmem>> -> memref<40xi32, #tpu.memory_space<vmem>>
    %dma_start3A_730 = arith.constant 0 : i32
    %dma_start3A_731 = arith.constant 0 : i32
    %dma_start3A_732 = tpu.memref_slice %arg8[%dma_start3A_730, %dma_start3A_731] : memref<100000x32xbf16, #tpu.memory_space<vmem_shared>> -> memref<100000x32xbf16, #tpu.memory_space<vmem_shared>>
    tpu.enqueue_indirect_dma source(%dma_start3A_732 : memref<100000x32xbf16, #tpu.memory_space<vmem_shared>>) target(%dma_start3A_727 : memref<40x32xbf16, #tpu.memory_space<vmem>>) offsets(%dma_start3A_729 : memref<40xi32, #tpu.memory_space<vmem>>) semaphore(%arg9 : memref<!tpu.dma_semaphore, #tpu.memory_space<semaphore_mem>>) {add = true}
    %iota3A = tpu.iota {dimensions = array<i32: 0>} : vector<16xi32>
    %mul3A_733 = arith.constant 2 : i32
    %mul3A_734 = vector.broadcast %mul3A_733 : i32 to vector<16xi32>
    %mul3A_735 = arith.muli %iota3A, %mul3A_734 : vector<16xi32>
    %scan3A_736 = arith.constant 0 : i32
    %scan3A_737 = arith.constant 0 : i32
    %scan3A_738 = arith.constant 16 : i32
    %scan3A_739 = arith.addi %scan3A_737, %scan3A_738 : i32
    %scan3A_740 = arith.constant 1 : i32
    scf.for %scan3A_742 = %scan3A_737 to %scan3A_739 step %scan3A_740  : i32 {
      %add3A_743 = arith.constant 1 : i32
      %add3A_744 = arith.addi %scan3A_742, %add3A_743 : i32
      %lt3A = arith.constant 16 : i32
      %lt3A_745 = arith.cmpi slt, %add3A_744, %lt3A : i32
      %convert_element_type3A = arith.extui %lt3A_745 : i1 to i32
      %cond3A = arith.constant 0 : i32
      %cond3A_746 = arith.cmpi ne, %convert_element_type3A, %cond3A : i32
      scf.if %cond3A_746 {
        %add3A_765 = arith.constant 1 : i32
        %add3A_766 = arith.addi %scan3A_742, %add3A_765 : i32
        %mul3A_767 = arith.constant 32 : i32
        %mul3A_768 = arith.muli %add3A_766, %mul3A_767 : i32
        %add3A_769 = arith.addi %mul3A_2, %mul3A_768 : i32
        %mul3A_770 = arith.constant 200 : i32
        %mul3A_771 = arith.muli %add3A_769, %mul3A_770 : i32
        %add3A_772 = arith.constant 1 : i32
        %add3A_773 = arith.addi %scan3A_742, %add3A_772 : i32
        %rem3A_774 = arith.constant 3 : i32
        %rem3A_775 = arith.remsi %add3A_773, %rem3A_774 : i32
        %dma_wait3A_776 = arith.constant 0 : i32
        %dma_wait3A_777 = tpu.memref_slice %arg5[%rem3A_775, %dma_wait3A_776] : memref<3x6400xi32, #tpu.memory_space<vmem>> -> memref<1x6400xi32, #tpu.memory_space<vmem>>
        %dma_wait3A_778 = tpu.memref_squeeze %dma_wait3A_777 : memref<1x6400xi32, #tpu.memory_space<vmem>> -> memref<6400xi32, #tpu.memory_space<vmem>>
        %dma_wait3A_779 = tpu.memref_slice %arg2[%mul3A_771] : memref<3276800xi32, #tpu.memory_space<hbm>> -> memref<6400xi32, #tpu.memory_space<hbm>>
        %dma_wait3A_780 = arith.constant 0 : i32
        %dma_wait3A_781 = tpu.memref_slice %arg5[%rem3A_775, %dma_wait3A_780] : memref<3x6400xi32, #tpu.memory_space<vmem>> -> memref<1x6400xi32, #tpu.memory_space<vmem>>
        %dma_wait3A_782 = tpu.memref_squeeze %dma_wait3A_781 : memref<1x6400xi32, #tpu.memory_space<vmem>> -> memref<6400xi32, #tpu.memory_space<vmem>>
        %dma_wait3A_783 = tpu.memref_slice %arg2[%mul3A_771] : memref<3276800xi32, #tpu.memory_space<hbm>> -> memref<6400xi32, #tpu.memory_space<hbm>>
        tpu.wait_dma2 semaphore(%arg10 : memref<!tpu.dma_semaphore, #tpu.memory_space<semaphore_mem>>) src(%dma_wait3A_783 : memref<6400xi32, #tpu.memory_space<hbm>>) dst(%dma_wait3A_782 : memref<6400xi32, #tpu.memory_space<vmem>>)
      } else {
      }
      %add3A_747 = arith.constant 2 : i32
      %add3A_748 = arith.addi %scan3A_742, %add3A_747 : i32
      %lt3A_749 = arith.constant 16 : i32
      %lt3A_750 = arith.cmpi slt, %add3A_748, %lt3A_749 : i32
      %convert_element_type3A_751 = arith.extui %lt3A_750 : i1 to i32
      %cond3A_752 = arith.constant 0 : i32
      %cond3A_753 = arith.cmpi ne, %convert_element_type3A_751, %cond3A_752 : i32
      scf.if %cond3A_753 {
        %add3A_765 = arith.constant 2 : i32
        %add3A_766 = arith.addi %scan3A_742, %add3A_765 : i32
        %add3A_767 = arith.constant 2 : i32
        %add3A_768 = arith.addi %scan3A_742, %add3A_767 : i32
        %rem3A_769 = arith.constant 3 : i32
        %rem3A_770 = arith.remsi %add3A_768, %rem3A_769 : i32
        %mul3A_771 = arith.constant 32 : i32
        %mul3A_772 = arith.muli %add3A_766, %mul3A_771 : i32
        %add3A_773 = arith.addi %mul3A_2, %mul3A_772 : i32
        %mul3A_774 = arith.constant 200 : i32
        %mul3A_775 = arith.muli %add3A_773, %mul3A_774 : i32
        %dma_start3A_776 = arith.constant 0 : i32
        %dma_start3A_777 = tpu.memref_slice %arg5[%rem3A_770, %dma_start3A_776] : memref<3x6400xi32, #tpu.memory_space<vmem>> -> memref<1x6400xi32, #tpu.memory_space<vmem>>
        %dma_start3A_778 = tpu.memref_squeeze %dma_start3A_777 : memref<1x6400xi32, #tpu.memory_space<vmem>> -> memref<6400xi32, #tpu.memory_space<vmem>>
        %dma_start3A_779 = tpu.memref_slice %arg2[%mul3A_775] : memref<3276800xi32, #tpu.memory_space<hbm>> -> memref<6400xi32, #tpu.memory_space<hbm>>
        %dma_start3A_780 = arith.constant 0 : i32
        %dma_start3A_781 = tpu.memref_slice %arg5[%rem3A_770, %dma_start3A_780] : memref<3x6400xi32, #tpu.memory_space<vmem>> -> memref<1x6400xi32, #tpu.memory_space<vmem>>
        %dma_start3A_782 = tpu.memref_squeeze %dma_start3A_781 : memref<1x6400xi32, #tpu.memory_space<vmem>> -> memref<6400xi32, #tpu.memory_space<vmem>>
        %dma_start3A_783 = tpu.memref_slice %arg2[%mul3A_775] : memref<3276800xi32, #tpu.memory_space<hbm>> -> memref<6400xi32, #tpu.memory_space<hbm>>
        tpu.enqueue_dma source(%dma_start3A_783 : memref<6400xi32, #tpu.memory_space<hbm>>) target(%dma_start3A_782 : memref<6400xi32, #tpu.memory_space<vmem>>) target_semaphore(%arg10 : memref<!tpu.dma_semaphore, #tpu.memory_space<semaphore_mem>>)
      } else {
      }
      %scan3A_754 = arith.constant 0 : i32
      %scan3A_755 = arith.constant 0 : i32
      %scan3A_756 = arith.constant 32 : i32
      %scan3A_757 = arith.addi %scan3A_755, %scan3A_756 : i32
      %scan3A_758 = arith.constant 1 : i32
      scf.for %scan3A_765 = %scan3A_755 to %scan3A_757 step %scan3A_758  : i32 {
        %mul3A_766 = arith.constant 32 : i32
        %mul3A_767 = arith.muli %scan3A_742, %mul3A_766 : i32
        %add3A_768 = arith.addi %mul3A_767, %scan3A_765 : i32
        %add3A_769 = arith.constant 8 : i32
        %add3A_770 = arith.addi %add3A_768, %add3A_769 : i32
        %sub3A = arith.constant 1 : i32
        %sub3A_771 = arith.subi %add3A_770, %sub3A : i32
        %lt3A_772 = arith.constant 512 : i32
        %lt3A_773 = arith.cmpi slt, %sub3A_771, %lt3A_772 : i32
        %convert_element_type3A_774 = arith.extui %lt3A_773 : i1 to i32
        %cond3A_775 = arith.constant 0 : i32
        %cond3A_776 = arith.cmpi ne, %convert_element_type3A_774, %cond3A_775 : i32
        scf.if %cond3A_776 {
          %add3A_1450 = arith.constant 8 : i32
          %add3A_1451 = arith.addi %add3A_768, %add3A_1450 : i32
          %sub3A_1452 = arith.constant 1 : i32
          %sub3A_1453 = arith.subi %add3A_1451, %sub3A_1452 : i32
          %jit3A_1454 = arith.constant 32 : i32
          %div3A_1455 = arith.divsi %sub3A_1453, %jit3A_1454 : i32
          %sign3A_1456 = arith.constant 0 : i32
          %sign3A_1457 = arith.cmpi sgt, %sub3A_1453, %sign3A_1456 : i32
          %sign3A_1458 = arith.extui %sign3A_1457 : i1 to i32
          %sign3A_1459 = arith.constant 0 : i32
          %sign3A_1460 = arith.cmpi slt, %sub3A_1453, %sign3A_1459 : i32
          %sign3A_1461 = arith.extui %sign3A_1460 : i1 to i32
          %sign3A_1462 = arith.subi %sign3A_1458, %sign3A_1461 : i32
          %sign3A_1463 = arith.constant 0 : i32
          %sign3A_1464 = arith.cmpi sgt, %jit3A_1454, %sign3A_1463 : i32
          %sign3A_1465 = arith.extui %sign3A_1464 : i1 to i32
          %sign3A_1466 = arith.constant 0 : i32
          %sign3A_1467 = arith.cmpi slt, %jit3A_1454, %sign3A_1466 : i32
          %sign3A_1468 = arith.extui %sign3A_1467 : i1 to i32
          %sign3A_1469 = arith.subi %sign3A_1465, %sign3A_1468 : i32
          %ne3A_1470 = arith.cmpi ne, %sign3A_1462, %sign3A_1469 : i32
          %rem3A_1471 = arith.remsi %sub3A_1453, %jit3A_1454 : i32
          %ne3A_1472 = arith.constant 0 : i32
          %ne3A_1473 = arith.cmpi ne, %rem3A_1471, %ne3A_1472 : i32
          %and3A_1474 = arith.andi %ne3A_1470, %ne3A_1473 : i1
          %sub3A_1475 = arith.constant 1 : i32
          %sub3A_1476 = arith.subi %div3A_1455, %sub3A_1475 : i32
          %select_n3A_1477 = arith.select %and3A_1474, %sub3A_1476, %div3A_1455 : i32
          %rem3A_1478 = arith.constant 32 : i32
          %rem3A_1479 = arith.remsi %sub3A_1453, %rem3A_1478 : i32
          %rem3A_1480 = arith.constant 3 : i32
          %rem3A_1481 = arith.remsi %select_n3A_1477, %rem3A_1480 : i32
          %mul3A_1482 = arith.constant 200 : i32
          %mul3A_1483 = arith.muli %rem3A_1479, %mul3A_1482 : i32
          %add3A_1484 = arith.constant 0 : i32
          %add3A_1485 = arith.addi %mul3A_1483, %add3A_1484 : i32
          %rem3A_1486 = arith.constant 8 : i32
          %rem3A_1487 = arith.remsi %sub3A_1453, %rem3A_1486 : i32
          %dma_start3A_1488 = arith.constant 0 : i32
          %dma_start3A_1489 = arith.constant 0 : i32
          %dma_start3A_1490 = tpu.memref_slice %arg6[%rem3A_1487, %dma_start3A_1488, %dma_start3A_1489] : memref<8x40x32xbf16, #tpu.memory_space<vmem>> -> memref<1x40x32xbf16, #tpu.memory_space<vmem>>
          %dma_start3A_1491 = tpu.memref_squeeze %dma_start3A_1490 : memref<1x40x32xbf16, #tpu.memory_space<vmem>> -> memref<40x32xbf16, #tpu.memory_space<vmem>>
          %dma_start3A_1492 = tpu.memref_slice %arg5[%rem3A_1481, %add3A_1485] : memref<3x6400xi32, #tpu.memory_space<vmem>> -> memref<1x40xi32, #tpu.memory_space<vmem>>
          %dma_start3A_1493 = tpu.memref_squeeze %dma_start3A_1492 : memref<1x40xi32, #tpu.memory_space<vmem>> -> memref<40xi32, #tpu.memory_space<vmem>>
          %dma_start3A_1494 = arith.constant 0 : i32
          %dma_start3A_1495 = arith.constant 0 : i32
          %dma_start3A_1496 = tpu.memref_slice %arg8[%dma_start3A_1494, %dma_start3A_1495] : memref<100000x32xbf16, #tpu.memory_space<vmem_shared>> -> memref<100000x32xbf16, #tpu.memory_space<vmem_shared>>
          tpu.enqueue_indirect_dma source(%dma_start3A_1496 : memref<100000x32xbf16, #tpu.memory_space<vmem_shared>>) target(%dma_start3A_1491 : memref<40x32xbf16, #tpu.memory_space<vmem>>) offsets(%dma_start3A_1493 : memref<40xi32, #tpu.memory_space<vmem>>) semaphore(%arg9 : memref<!tpu.dma_semaphore, #tpu.memory_space<semaphore_mem>>) {add = true}
          %rem3A_1497 = arith.constant 3 : i32
          %rem3A_1498 = arith.remsi %select_n3A_1477, %rem3A_1497 : i32
          %mul3A_1499 = arith.constant 200 : i32
          %mul3A_1500 = arith.muli %rem3A_1479, %mul3A_1499 : i32
          %add3A_1501 = arith.constant 40 : i32
          %add3A_1502 = arith.addi %mul3A_1500, %add3A_1501 : i32
          %rem3A_1503 = arith.constant 8 : i32
          %rem3A_1504 = arith.remsi %sub3A_1453, %rem3A_1503 : i32
          %dma_start3A_1505 = arith.constant 0 : i32
          %dma_start3A_1506 = arith.constant 0 : i32
          %dma_start3A_1507 = tpu.memref_slice %arg6[%rem3A_1504, %dma_start3A_1505, %dma_start3A_1506] : memref<8x40x32xbf16, #tpu.memory_space<vmem>> -> memref<1x40x32xbf16, #tpu.memory_space<vmem>>
          %dma_start3A_1508 = tpu.memref_squeeze %dma_start3A_1507 : memref<1x40x32xbf16, #tpu.memory_space<vmem>> -> memref<40x32xbf16, #tpu.memory_space<vmem>>
          %dma_start3A_1509 = tpu.memref_slice %arg5[%rem3A_1498, %add3A_1502] : memref<3x6400xi32, #tpu.memory_space<vmem>> -> memref<1x40xi32, #tpu.memory_space<vmem>>
          %dma_start3A_1510 = tpu.memref_squeeze %dma_start3A_1509 : memref<1x40xi32, #tpu.memory_space<vmem>> -> memref<40xi32, #tpu.memory_space<vmem>>
          %dma_start3A_1511 = arith.constant 0 : i32
          %dma_start3A_1512 = arith.constant 0 : i32
          %dma_start3A_1513 = tpu.memref_slice %arg8[%dma_start3A_1511, %dma_start3A_1512] : memref<100000x32xbf16, #tpu.memory_space<vmem_shared>> -> memref<100000x32xbf16, #tpu.memory_space<vmem_shared>>
          tpu.enqueue_indirect_dma source(%dma_start3A_1513 : memref<100000x32xbf16, #tpu.memory_space<vmem_shared>>) target(%dma_start3A_1508 : memref<40x32xbf16, #tpu.memory_space<vmem>>) offsets(%dma_start3A_1510 : memref<40xi32, #tpu.memory_space<vmem>>) semaphore(%arg9 : memref<!tpu.dma_semaphore, #tpu.memory_space<semaphore_mem>>) {add = true}
          %rem3A_1514 = arith.constant 3 : i32
          %rem3A_1515 = arith.remsi %select_n3A_1477, %rem3A_1514 : i32
          %mul3A_1516 = arith.constant 200 : i32
          %mul3A_1517 = arith.muli %rem3A_1479, %mul3A_1516 : i32
          %add3A_1518 = arith.constant 80 : i32
          %add3A_1519 = arith.addi %mul3A_1517, %add3A_1518 : i32
          %rem3A_1520 = arith.constant 8 : i32
          %rem3A_1521 = arith.remsi %sub3A_1453, %rem3A_1520 : i32
          %dma_start3A_1522 = arith.constant 0 : i32
          %dma_start3A_1523 = arith.constant 0 : i32
          %dma_start3A_1524 = tpu.memref_slice %arg6[%rem3A_1521, %dma_start3A_1522, %dma_start3A_1523] : memref<8x40x32xbf16, #tpu.memory_space<vmem>> -> memref<1x40x32xbf16, #tpu.memory_space<vmem>>
          %dma_start3A_1525 = tpu.memref_squeeze %dma_start3A_1524 : memref<1x40x32xbf16, #tpu.memory_space<vmem>> -> memref<40x32xbf16, #tpu.memory_space<vmem>>
          %dma_start3A_1526 = tpu.memref_slice %arg5[%rem3A_1515, %add3A_1519] : memref<3x6400xi32, #tpu.memory_space<vmem>> -> memref<1x40xi32, #tpu.memory_space<vmem>>
          %dma_start3A_1527 = tpu.memref_squeeze %dma_start3A_1526 : memref<1x40xi32, #tpu.memory_space<vmem>> -> memref<40xi32, #tpu.memory_space<vmem>>
          %dma_start3A_1528 = arith.constant 0 : i32
          %dma_start3A_1529 = arith.constant 0 : i32
          %dma_start3A_1530 = tpu.memref_slice %arg8[%dma_start3A_1528, %dma_start3A_1529] : memref<100000x32xbf16, #tpu.memory_space<vmem_shared>> -> memref<100000x32xbf16, #tpu.memory_space<vmem_shared>>
          tpu.enqueue_indirect_dma source(%dma_start3A_1530 : memref<100000x32xbf16, #tpu.memory_space<vmem_shared>>) target(%dma_start3A_1525 : memref<40x32xbf16, #tpu.memory_space<vmem>>) offsets(%dma_start3A_1527 : memref<40xi32, #tpu.memory_space<vmem>>) semaphore(%arg9 : memref<!tpu.dma_semaphore, #tpu.memory_space<semaphore_mem>>) {add = true}
          %rem3A_1531 = arith.constant 3 : i32
          %rem3A_1532 = arith.remsi %select_n3A_1477, %rem3A_1531 : i32
          %mul3A_1533 = arith.constant 200 : i32
          %mul3A_1534 = arith.muli %rem3A_1479, %mul3A_1533 : i32
          %add3A_1535 = arith.constant 120 : i32
          %add3A_1536 = arith.addi %mul3A_1534, %add3A_1535 : i32
          %rem3A_1537 = arith.constant 8 : i32
          %rem3A_1538 = arith.remsi %sub3A_1453, %rem3A_1537 : i32
          %dma_start3A_1539 = arith.constant 0 : i32
          %dma_start3A_1540 = arith.constant 0 : i32
          %dma_start3A_1541 = tpu.memref_slice %arg6[%rem3A_1538, %dma_start3A_1539, %dma_start3A_1540] : memref<8x40x32xbf16, #tpu.memory_space<vmem>> -> memref<1x40x32xbf16, #tpu.memory_space<vmem>>
          %dma_start3A_1542 = tpu.memref_squeeze %dma_start3A_1541 : memref<1x40x32xbf16, #tpu.memory_space<vmem>> -> memref<40x32xbf16, #tpu.memory_space<vmem>>
          %dma_start3A_1543 = tpu.memref_slice %arg5[%rem3A_1532, %add3A_1536] : memref<3x6400xi32, #tpu.memory_space<vmem>> -> memref<1x40xi32, #tpu.memory_space<vmem>>
          %dma_start3A_1544 = tpu.memref_squeeze %dma_start3A_1543 : memref<1x40xi32, #tpu.memory_space<vmem>> -> memref<40xi32, #tpu.memory_space<vmem>>
          %dma_start3A_1545 = arith.constant 0 : i32
          %dma_start3A_1546 = arith.constant 0 : i32
          %dma_start3A_1547 = tpu.memref_slice %arg8[%dma_start3A_1545, %dma_start3A_1546] : memref<100000x32xbf16, #tpu.memory_space<vmem_shared>> -> memref<100000x32xbf16, #tpu.memory_space<vmem_shared>>
          tpu.enqueue_indirect_dma source(%dma_start3A_1547 : memref<100000x32xbf16, #tpu.memory_space<vmem_shared>>) target(%dma_start3A_1542 : memref<40x32xbf16, #tpu.memory_space<vmem>>) offsets(%dma_start3A_1544 : memref<40xi32, #tpu.memory_space<vmem>>) semaphore(%arg9 : memref<!tpu.dma_semaphore, #tpu.memory_space<semaphore_mem>>) {add = true}
          %rem3A_1548 = arith.constant 3 : i32
          %rem3A_1549 = arith.remsi %select_n3A_1477, %rem3A_1548 : i32
          %mul3A_1550 = arith.constant 200 : i32
          %mul3A_1551 = arith.muli %rem3A_1479, %mul3A_1550 : i32
          %add3A_1552 = arith.constant 160 : i32
          %add3A_1553 = arith.addi %mul3A_1551, %add3A_1552 : i32
          %rem3A_1554 = arith.constant 8 : i32
          %rem3A_1555 = arith.remsi %sub3A_1453, %rem3A_1554 : i32
          %dma_start3A_1556 = arith.constant 0 : i32
          %dma_start3A_1557 = arith.constant 0 : i32
          %dma_start3A_1558 = tpu.memref_slice %arg6[%rem3A_1555, %dma_start3A_1556, %dma_start3A_1557] : memref<8x40x32xbf16, #tpu.memory_space<vmem>> -> memref<1x40x32xbf16, #tpu.memory_space<vmem>>
          %dma_start3A_1559 = tpu.memref_squeeze %dma_start3A_1558 : memref<1x40x32xbf16, #tpu.memory_space<vmem>> -> memref<40x32xbf16, #tpu.memory_space<vmem>>
          %dma_start3A_1560 = tpu.memref_slice %arg5[%rem3A_1549, %add3A_1553] : memref<3x6400xi32, #tpu.memory_space<vmem>> -> memref<1x40xi32, #tpu.memory_space<vmem>>
          %dma_start3A_1561 = tpu.memref_squeeze %dma_start3A_1560 : memref<1x40xi32, #tpu.memory_space<vmem>> -> memref<40xi32, #tpu.memory_space<vmem>>
          %dma_start3A_1562 = arith.constant 0 : i32
          %dma_start3A_1563 = arith.constant 0 : i32
          %dma_start3A_1564 = tpu.memref_slice %arg8[%dma_start3A_1562, %dma_start3A_1563] : memref<100000x32xbf16, #tpu.memory_space<vmem_shared>> -> memref<100000x32xbf16, #tpu.memory_space<vmem_shared>>
          tpu.enqueue_indirect_dma source(%dma_start3A_1564 : memref<100000x32xbf16, #tpu.memory_space<vmem_shared>>) target(%dma_start3A_1559 : memref<40x32xbf16, #tpu.memory_space<vmem>>) offsets(%dma_start3A_1561 : memref<40xi32, #tpu.memory_space<vmem>>) semaphore(%arg9 : memref<!tpu.dma_semaphore, #tpu.memory_space<semaphore_mem>>) {add = true}
        } else {
        }
        %jit3A = arith.constant 32 : i32
        %div3A = arith.divsi %add3A_768, %jit3A : i32
        %sign3A = arith.constant 0 : i32
        %sign3A_777 = arith.cmpi sgt, %add3A_768, %sign3A : i32
        %sign3A_778 = arith.extui %sign3A_777 : i1 to i32
        %sign3A_779 = arith.constant 0 : i32
        %sign3A_780 = arith.cmpi slt, %add3A_768, %sign3A_779 : i32
        %sign3A_781 = arith.extui %sign3A_780 : i1 to i32
        %sign3A_782 = arith.subi %sign3A_778, %sign3A_781 : i32
        %sign3A_783 = arith.constant 0 : i32
        %sign3A_784 = arith.cmpi sgt, %jit3A, %sign3A_783 : i32
        %sign3A_785 = arith.extui %sign3A_784 : i1 to i32
        %sign3A_786 = arith.constant 0 : i32
        %sign3A_787 = arith.cmpi slt, %jit3A, %sign3A_786 : i32
        %sign3A_788 = arith.extui %sign3A_787 : i1 to i32
        %sign3A_789 = arith.subi %sign3A_785, %sign3A_788 : i32
        %ne3A = arith.cmpi ne, %sign3A_782, %sign3A_789 : i32
        %rem3A_790 = arith.remsi %add3A_768, %jit3A : i32
        %ne3A_791 = arith.constant 0 : i32
        %ne3A_792 = arith.cmpi ne, %rem3A_790, %ne3A_791 : i32
        %and3A = arith.andi %ne3A, %ne3A_792 : i1
        %sub3A_793 = arith.constant 1 : i32
        %sub3A_794 = arith.subi %div3A, %sub3A_793 : i32
        %select_n3A = arith.select %and3A, %sub3A_794, %div3A : i32
        %rem3A_795 = arith.constant 32 : i32
        %rem3A_796 = arith.remsi %add3A_768, %rem3A_795 : i32
        %rem3A_797 = arith.constant 3 : i32
        %rem3A_798 = arith.remsi %select_n3A, %rem3A_797 : i32
        %mul3A_799 = arith.constant 200 : i32
        %mul3A_800 = arith.muli %rem3A_796, %mul3A_799 : i32
        %add3A_801 = arith.constant 0 : i32
        %add3A_802 = arith.addi %mul3A_800, %add3A_801 : i32
        %rem3A_803 = arith.constant 8 : i32
        %rem3A_804 = arith.remsi %add3A_768, %rem3A_803 : i32
        %dma_wait3A_805 = arith.constant 0 : i32
        %dma_wait3A_806 = arith.constant 0 : i32
        %dma_wait3A_807 = tpu.memref_slice %arg6[%rem3A_804, %dma_wait3A_805, %dma_wait3A_806] : memref<8x40x32xbf16, #tpu.memory_space<vmem>> -> memref<1x40x32xbf16, #tpu.memory_space<vmem>>
        %dma_wait3A_808 = tpu.memref_squeeze %dma_wait3A_807 : memref<1x40x32xbf16, #tpu.memory_space<vmem>> -> memref<40x32xbf16, #tpu.memory_space<vmem>>
        %dma_wait3A_809 = tpu.memref_slice %arg5[%rem3A_798, %add3A_802] : memref<3x6400xi32, #tpu.memory_space<vmem>> -> memref<1x40xi32, #tpu.memory_space<vmem>>
        %dma_wait3A_810 = tpu.memref_squeeze %dma_wait3A_809 : memref<1x40xi32, #tpu.memory_space<vmem>> -> memref<40xi32, #tpu.memory_space<vmem>>
        %dma_wait3A_811 = arith.constant 0 : i32
        %dma_wait3A_812 = arith.constant 0 : i32
        %dma_wait3A_813 = tpu.memref_slice %arg8[%dma_wait3A_811, %dma_wait3A_812] : memref<100000x32xbf16, #tpu.memory_space<vmem_shared>> -> memref<100000x32xbf16, #tpu.memory_space<vmem_shared>>
        tpu.wait_indirect_dma semaphore(%arg9 : memref<!tpu.dma_semaphore, #tpu.memory_space<semaphore_mem>>) src(%dma_wait3A_813 : memref<100000x32xbf16, #tpu.memory_space<vmem_shared>>) dst(%dma_wait3A_808 : memref<40x32xbf16, #tpu.memory_space<vmem>>)
        %rem3A_814 = arith.constant 3 : i32
        %rem3A_815 = arith.remsi %select_n3A, %rem3A_814 : i32
        %mul3A_816 = arith.constant 200 : i32
        %mul3A_817 = arith.muli %rem3A_796, %mul3A_816 : i32
        %add3A_818 = arith.constant 40 : i32
        %add3A_819 = arith.addi %mul3A_817, %add3A_818 : i32
        %rem3A_820 = arith.constant 8 : i32
        %rem3A_821 = arith.remsi %add3A_768, %rem3A_820 : i32
        %dma_wait3A_822 = arith.constant 0 : i32
        %dma_wait3A_823 = arith.constant 0 : i32
        %dma_wait3A_824 = tpu.memref_slice %arg6[%rem3A_821, %dma_wait3A_822, %dma_wait3A_823] : memref<8x40x32xbf16, #tpu.memory_space<vmem>> -> memref<1x40x32xbf16, #tpu.memory_space<vmem>>
        %dma_wait3A_825 = tpu.memref_squeeze %dma_wait3A_824 : memref<1x40x32xbf16, #tpu.memory_space<vmem>> -> memref<40x32xbf16, #tpu.memory_space<vmem>>
        %dma_wait3A_826 = tpu.memref_slice %arg5[%rem3A_815, %add3A_819] : memref<3x6400xi32, #tpu.memory_space<vmem>> -> memref<1x40xi32, #tpu.memory_space<vmem>>
        %dma_wait3A_827 = tpu.memref_squeeze %dma_wait3A_826 : memref<1x40xi32, #tpu.memory_space<vmem>> -> memref<40xi32, #tpu.memory_space<vmem>>
        %dma_wait3A_828 = arith.constant 0 : i32
        %dma_wait3A_829 = arith.constant 0 : i32
        %dma_wait3A_830 = tpu.memref_slice %arg8[%dma_wait3A_828, %dma_wait3A_829] : memref<100000x32xbf16, #tpu.memory_space<vmem_shared>> -> memref<100000x32xbf16, #tpu.memory_space<vmem_shared>>
        tpu.wait_indirect_dma semaphore(%arg9 : memref<!tpu.dma_semaphore, #tpu.memory_space<semaphore_mem>>) src(%dma_wait3A_830 : memref<100000x32xbf16, #tpu.memory_space<vmem_shared>>) dst(%dma_wait3A_825 : memref<40x32xbf16, #tpu.memory_space<vmem>>)
        %rem3A_831 = arith.constant 3 : i32
        %rem3A_832 = arith.remsi %select_n3A, %rem3A_831 : i32
        %mul3A_833 = arith.constant 200 : i32
        %mul3A_834 = arith.muli %rem3A_796, %mul3A_833 : i32
        %add3A_835 = arith.constant 80 : i32
        %add3A_836 = arith.addi %mul3A_834, %add3A_835 : i32
        %rem3A_837 = arith.constant 8 : i32
        %rem3A_838 = arith.remsi %add3A_768, %rem3A_837 : i32
        %dma_wait3A_839 = arith.constant 0 : i32
        %dma_wait3A_840 = arith.constant 0 : i32
        %dma_wait3A_841 = tpu.memref_slice %arg6[%rem3A_838, %dma_wait3A_839, %dma_wait3A_840] : memref<8x40x32xbf16, #tpu.memory_space<vmem>> -> memref<1x40x32xbf16, #tpu.memory_space<vmem>>
        %dma_wait3A_842 = tpu.memref_squeeze %dma_wait3A_841 : memref<1x40x32xbf16, #tpu.memory_space<vmem>> -> memref<40x32xbf16, #tpu.memory_space<vmem>>
        %dma_wait3A_843 = tpu.memref_slice %arg5[%rem3A_832, %add3A_836] : memref<3x6400xi32, #tpu.memory_space<vmem>> -> memref<1x40xi32, #tpu.memory_space<vmem>>
        %dma_wait3A_844 = tpu.memref_squeeze %dma_wait3A_843 : memref<1x40xi32, #tpu.memory_space<vmem>> -> memref<40xi32, #tpu.memory_space<vmem>>
        %dma_wait3A_845 = arith.constant 0 : i32
        %dma_wait3A_846 = arith.constant 0 : i32
        %dma_wait3A_847 = tpu.memref_slice %arg8[%dma_wait3A_845, %dma_wait3A_846] : memref<100000x32xbf16, #tpu.memory_space<vmem_shared>> -> memref<100000x32xbf16, #tpu.memory_space<vmem_shared>>
        tpu.wait_indirect_dma semaphore(%arg9 : memref<!tpu.dma_semaphore, #tpu.memory_space<semaphore_mem>>) src(%dma_wait3A_847 : memref<100000x32xbf16, #tpu.memory_space<vmem_shared>>) dst(%dma_wait3A_842 : memref<40x32xbf16, #tpu.memory_space<vmem>>)
        %rem3A_848 = arith.constant 3 : i32
        %rem3A_849 = arith.remsi %select_n3A, %rem3A_848 : i32
        %mul3A_850 = arith.constant 200 : i32
        %mul3A_851 = arith.muli %rem3A_796, %mul3A_850 : i32
        %add3A_852 = arith.constant 120 : i32
        %add3A_853 = arith.addi %mul3A_851, %add3A_852 : i32
        %rem3A_854 = arith.constant 8 : i32
        %rem3A_855 = arith.remsi %add3A_768, %rem3A_854 : i32
        %dma_wait3A_856 = arith.constant 0 : i32
        %dma_wait3A_857 = arith.constant 0 : i32
        %dma_wait3A_858 = tpu.memref_slice %arg6[%rem3A_855, %dma_wait3A_856, %dma_wait3A_857] : memref<8x40x32xbf16, #tpu.memory_space<vmem>> -> memref<1x40x32xbf16, #tpu.memory_space<vmem>>
        %dma_wait3A_859 = tpu.memref_squeeze %dma_wait3A_858 : memref<1x40x32xbf16, #tpu.memory_space<vmem>> -> memref<40x32xbf16, #tpu.memory_space<vmem>>
        %dma_wait3A_860 = tpu.memref_slice %arg5[%rem3A_849, %add3A_853] : memref<3x6400xi32, #tpu.memory_space<vmem>> -> memref<1x40xi32, #tpu.memory_space<vmem>>
        %dma_wait3A_861 = tpu.memref_squeeze %dma_wait3A_860 : memref<1x40xi32, #tpu.memory_space<vmem>> -> memref<40xi32, #tpu.memory_space<vmem>>
        %dma_wait3A_862 = arith.constant 0 : i32
        %dma_wait3A_863 = arith.constant 0 : i32
        %dma_wait3A_864 = tpu.memref_slice %arg8[%dma_wait3A_862, %dma_wait3A_863] : memref<100000x32xbf16, #tpu.memory_space<vmem_shared>> -> memref<100000x32xbf16, #tpu.memory_space<vmem_shared>>
        tpu.wait_indirect_dma semaphore(%arg9 : memref<!tpu.dma_semaphore, #tpu.memory_space<semaphore_mem>>) src(%dma_wait3A_864 : memref<100000x32xbf16, #tpu.memory_space<vmem_shared>>) dst(%dma_wait3A_859 : memref<40x32xbf16, #tpu.memory_space<vmem>>)
        %rem3A_865 = arith.constant 3 : i32
        %rem3A_866 = arith.remsi %select_n3A, %rem3A_865 : i32
        %mul3A_867 = arith.constant 200 : i32
        %mul3A_868 = arith.muli %rem3A_796, %mul3A_867 : i32
        %add3A_869 = arith.constant 160 : i32
        %add3A_870 = arith.addi %mul3A_868, %add3A_869 : i32
        %rem3A_871 = arith.constant 8 : i32
        %rem3A_872 = arith.remsi %add3A_768, %rem3A_871 : i32
        %dma_wait3A_873 = arith.constant 0 : i32
        %dma_wait3A_874 = arith.constant 0 : i32
        %dma_wait3A_875 = tpu.memref_slice %arg6[%rem3A_872, %dma_wait3A_873, %dma_wait3A_874] : memref<8x40x32xbf16, #tpu.memory_space<vmem>> -> memref<1x40x32xbf16, #tpu.memory_space<vmem>>
        %dma_wait3A_876 = tpu.memref_squeeze %dma_wait3A_875 : memref<1x40x32xbf16, #tpu.memory_space<vmem>> -> memref<40x32xbf16, #tpu.memory_space<vmem>>
        %dma_wait3A_877 = tpu.memref_slice %arg5[%rem3A_866, %add3A_870] : memref<3x6400xi32, #tpu.memory_space<vmem>> -> memref<1x40xi32, #tpu.memory_space<vmem>>
        %dma_wait3A_878 = tpu.memref_squeeze %dma_wait3A_877 : memref<1x40xi32, #tpu.memory_space<vmem>> -> memref<40xi32, #tpu.memory_space<vmem>>
        %dma_wait3A_879 = arith.constant 0 : i32
        %dma_wait3A_880 = arith.constant 0 : i32
        %dma_wait3A_881 = tpu.memref_slice %arg8[%dma_wait3A_879, %dma_wait3A_880] : memref<100000x32xbf16, #tpu.memory_space<vmem_shared>> -> memref<100000x32xbf16, #tpu.memory_space<vmem_shared>>
        tpu.wait_indirect_dma semaphore(%arg9 : memref<!tpu.dma_semaphore, #tpu.memory_space<semaphore_mem>>) src(%dma_wait3A_881 : memref<100000x32xbf16, #tpu.memory_space<vmem_shared>>) dst(%dma_wait3A_876 : memref<40x32xbf16, #tpu.memory_space<vmem>>)
        %rem3A_882 = arith.constant 8 : i32
        %rem3A_883 = arith.remsi %add3A_768, %rem3A_882 : i32
        %get3A = arith.constant 0 : i32
        %get3A_884 = arith.index_cast %rem3A_883 : i32 to index
        %get3A_885 = arith.index_cast %get3A : i32 to index
        %get3A_886 = arith.constant 0 : index
        %get3A_887 = tpu.vector_load %arg6[%get3A_884, %get3A_885, %get3A_886] {strides = array<i32>} : memref<8x40x32xbf16, #tpu.memory_space<vmem>>, vector<32xbf16>,
        %unpack3A = tpu.unpack_subelements %get3A_887, 0 {pack_format = #tpu.pack_format<interleaved>} : vector<32xbf16> -> vector<16xf32>
        %unpack3A_888 = tpu.unpack_subelements %get3A_887, 1 {pack_format = #tpu.pack_format<interleaved>} : vector<32xbf16> -> vector<16xf32>
        %add3A_889 = arith.addf %broadcast_in_dim3A_9, %unpack3A : vector<16xf32>
        %add3A_890 = arith.addf %broadcast_in_dim3A_9, %unpack3A_888 : vector<16xf32>
        %swap3A = arith.constant 0 : i32
        %swap3A_891 = arith.index_cast %rem3A_883 : i32 to index
        %swap3A_892 = arith.index_cast %swap3A : i32 to index
        %swap3A_893 = arith.constant 0 : index
        %swap3A_894 = tpu.vector_load %arg6[%swap3A_891, %swap3A_892, %swap3A_893] {strides = array<i32>} : memref<8x40x32xbf16, #tpu.memory_space<vmem>>, vector<32xbf16>,
        tpu.vector_store %arg6[%swap3A_891, %swap3A_892, %swap3A_893], %broadcast_in_dim3A_7 {strides = array<i32>} : memref<8x40x32xbf16, #tpu.memory_space<vmem>>, vector<32xbf16>,
        %get3A_895 = arith.constant 1 : i32
        %get3A_896 = arith.index_cast %rem3A_883 : i32 to index
        %get3A_897 = arith.index_cast %get3A_895 : i32 to index
        %get3A_898 = arith.constant 0 : index
        %get3A_899 = tpu.vector_load %arg6[%get3A_896, %get3A_897, %get3A_898] {strides = array<i32>} : memref<8x40x32xbf16, #tpu.memory_space<vmem>>, vector<32xbf16>,
        %unpack3A_900 = tpu.unpack_subelements %get3A_899, 0 {pack_format = #tpu.pack_format<interleaved>} : vector<32xbf16> -> vector<16xf32>
        %unpack3A_901 = tpu.unpack_subelements %get3A_899, 1 {pack_format = #tpu.pack_format<interleaved>} : vector<32xbf16> -> vector<16xf32>
        %add3A_902 = arith.addf %broadcast_in_dim3A_9, %unpack3A_900 : vector<16xf32>
        %add3A_903 = arith.addf %broadcast_in_dim3A_9, %unpack3A_901 : vector<16xf32>
        %swap3A_904 = arith.constant 1 : i32
        %swap3A_905 = arith.index_cast %rem3A_883 : i32 to index
        %swap3A_906 = arith.index_cast %swap3A_904 : i32 to index
        %swap3A_907 = arith.constant 0 : index
        %swap3A_908 = tpu.vector_load %arg6[%swap3A_905, %swap3A_906, %swap3A_907] {strides = array<i32>} : memref<8x40x32xbf16, #tpu.memory_space<vmem>>, vector<32xbf16>,
        tpu.vector_store %arg6[%swap3A_905, %swap3A_906, %swap3A_907], %broadcast_in_dim3A_7 {strides = array<i32>} : memref<8x40x32xbf16, #tpu.memory_space<vmem>>, vector<32xbf16>,
        %get3A_909 = arith.constant 2 : i32
        %get3A_910 = arith.index_cast %rem3A_883 : i32 to index
        %get3A_911 = arith.index_cast %get3A_909 : i32 to index
        %get3A_912 = arith.constant 0 : index
        %get3A_913 = tpu.vector_load %arg6[%get3A_910, %get3A_911, %get3A_912] {strides = array<i32>} : memref<8x40x32xbf16, #tpu.memory_space<vmem>>, vector<32xbf16>,
        %unpack3A_914 = tpu.unpack_subelements %get3A_913, 0 {pack_format = #tpu.pack_format<interleaved>} : vector<32xbf16> -> vector<16xf32>
        %unpack3A_915 = tpu.unpack_subelements %get3A_913, 1 {pack_format = #tpu.pack_format<interleaved>} : vector<32xbf16> -> vector<16xf32>
        %add3A_916 = arith.addf %add3A_889, %unpack3A_914 : vector<16xf32>
        %add3A_917 = arith.addf %add3A_890, %unpack3A_915 : vector<16xf32>
        %swap3A_918 = arith.constant 2 : i32
        %swap3A_919 = arith.index_cast %rem3A_883 : i32 to index
        %swap3A_920 = arith.index_cast %swap3A_918 : i32 to index
        %swap3A_921 = arith.constant 0 : index
        %swap3A_922 = tpu.vector_load %arg6[%swap3A_919, %swap3A_920, %swap3A_921] {strides = array<i32>} : memref<8x40x32xbf16, #tpu.memory_space<vmem>>, vector<32xbf16>,
        tpu.vector_store %arg6[%swap3A_919, %swap3A_920, %swap3A_921], %broadcast_in_dim3A_7 {strides = array<i32>} : memref<8x40x32xbf16, #tpu.memory_space<vmem>>, vector<32xbf16>,
        %get3A_923 = arith.constant 3 : i32
        %get3A_924 = arith.index_cast %rem3A_883 : i32 to index
        %get3A_925 = arith.index_cast %get3A_923 : i32 to index
        %get3A_926 = arith.constant 0 : index
        %get3A_927 = tpu.vector_load %arg6[%get3A_924, %get3A_925, %get3A_926] {strides = array<i32>} : memref<8x40x32xbf16, #tpu.memory_space<vmem>>, vector<32xbf16>,
        %unpack3A_928 = tpu.unpack_subelements %get3A_927, 0 {pack_format = #tpu.pack_format<interleaved>} : vector<32xbf16> -> vector<16xf32>
        %unpack3A_929 = tpu.unpack_subelements %get3A_927, 1 {pack_format = #tpu.pack_format<interleaved>} : vector<32xbf16> -> vector<16xf32>
        %add3A_930 = arith.addf %add3A_902, %unpack3A_928 : vector<16xf32>
        %add3A_931 = arith.addf %add3A_903, %unpack3A_929 : vector<16xf32>
        %swap3A_932 = arith.constant 3 : i32
        %swap3A_933 = arith.index_cast %rem3A_883 : i32 to index
        %swap3A_934 = arith.index_cast %swap3A_932 : i32 to index
        %swap3A_935 = arith.constant 0 : index
        %swap3A_936 = tpu.vector_load %arg6[%swap3A_933, %swap3A_934, %swap3A_935] {strides = array<i32>} : memref<8x40x32xbf16, #tpu.memory_space<vmem>>, vector<32xbf16>,
        tpu.vector_store %arg6[%swap3A_933, %swap3A_934, %swap3A_935], %broadcast_in_dim3A_7 {strides = array<i32>} : memref<8x40x32xbf16, #tpu.memory_space<vmem>>, vector<32xbf16>,
        %get3A_937 = arith.constant 4 : i32
        %get3A_938 = arith.index_cast %rem3A_883 : i32 to index
        %get3A_939 = arith.index_cast %get3A_937 : i32 to index
        %get3A_940 = arith.constant 0 : index
        %get3A_941 = tpu.vector_load %arg6[%get3A_938, %get3A_939, %get3A_940] {strides = array<i32>} : memref<8x40x32xbf16, #tpu.memory_space<vmem>>, vector<32xbf16>,
        %unpack3A_942 = tpu.unpack_subelements %get3A_941, 0 {pack_format = #tpu.pack_format<interleaved>} : vector<32xbf16> -> vector<16xf32>
        %unpack3A_943 = tpu.unpack_subelements %get3A_941, 1 {pack_format = #tpu.pack_format<interleaved>} : vector<32xbf16> -> vector<16xf32>
        %add3A_944 = arith.addf %add3A_916, %unpack3A_942 : vector<16xf32>
        %add3A_945 = arith.addf %add3A_917, %unpack3A_943 : vector<16xf32>
        %swap3A_946 = arith.constant 4 : i32
        %swap3A_947 = arith.index_cast %rem3A_883 : i32 to index
        %swap3A_948 = arith.index_cast %swap3A_946 : i32 to index
        %swap3A_949 = arith.constant 0 : index
        %swap3A_950 = tpu.vector_load %arg6[%swap3A_947, %swap3A_948, %swap3A_949] {strides = array<i32>} : memref<8x40x32xbf16, #tpu.memory_space<vmem>>, vector<32xbf16>,
        tpu.vector_store %arg6[%swap3A_947, %swap3A_948, %swap3A_949], %broadcast_in_dim3A_7 {strides = array<i32>} : memref<8x40x32xbf16, #tpu.memory_space<vmem>>, vector<32xbf16>,
        %get3A_951 = arith.constant 5 : i32
        %get3A_952 = arith.index_cast %rem3A_883 : i32 to index
        %get3A_953 = arith.index_cast %get3A_951 : i32 to index
        %get3A_954 = arith.constant 0 : index
        %get3A_955 = tpu.vector_load %arg6[%get3A_952, %get3A_953, %get3A_954] {strides = array<i32>} : memref<8x40x32xbf16, #tpu.memory_space<vmem>>, vector<32xbf16>,
        %unpack3A_956 = tpu.unpack_subelements %get3A_955, 0 {pack_format = #tpu.pack_format<interleaved>} : vector<32xbf16> -> vector<16xf32>
        %unpack3A_957 = tpu.unpack_subelements %get3A_955, 1 {pack_format = #tpu.pack_format<interleaved>} : vector<32xbf16> -> vector<16xf32>
        %add3A_958 = arith.addf %add3A_930, %unpack3A_956 : vector<16xf32>
        %add3A_959 = arith.addf %add3A_931, %unpack3A_957 : vector<16xf32>
        %swap3A_960 = arith.constant 5 : i32
        %swap3A_961 = arith.index_cast %rem3A_883 : i32 to index
        %swap3A_962 = arith.index_cast %swap3A_960 : i32 to index
        %swap3A_963 = arith.constant 0 : index
        %swap3A_964 = tpu.vector_load %arg6[%swap3A_961, %swap3A_962, %swap3A_963] {strides = array<i32>} : memref<8x40x32xbf16, #tpu.memory_space<vmem>>, vector<32xbf16>,
        tpu.vector_store %arg6[%swap3A_961, %swap3A_962, %swap3A_963], %broadcast_in_dim3A_7 {strides = array<i32>} : memref<8x40x32xbf16, #tpu.memory_space<vmem>>, vector<32xbf16>,
        %get3A_965 = arith.constant 6 : i32
        %get3A_966 = arith.index_cast %rem3A_883 : i32 to index
        %get3A_967 = arith.index_cast %get3A_965 : i32 to index
        %get3A_968 = arith.constant 0 : index
        %get3A_969 = tpu.vector_load %arg6[%get3A_966, %get3A_967, %get3A_968] {strides = array<i32>} : memref<8x40x32xbf16, #tpu.memory_space<vmem>>, vector<32xbf16>,
        %unpack3A_970 = tpu.unpack_subelements %get3A_969, 0 {pack_format = #tpu.pack_format<interleaved>} : vector<32xbf16> -> vector<16xf32>
        %unpack3A_971 = tpu.unpack_subelements %get3A_969, 1 {pack_format = #tpu.pack_format<interleaved>} : vector<32xbf16> -> vector<16xf32>
        %add3A_972 = arith.addf %add3A_944, %unpack3A_970 : vector<16xf32>
        %add3A_973 = arith.addf %add3A_945, %unpack3A_971 : vector<16xf32>
        %swap3A_974 = arith.constant 6 : i32
        %swap3A_975 = arith.index_cast %rem3A_883 : i32 to index
        %swap3A_976 = arith.index_cast %swap3A_974 : i32 to index
        %swap3A_977 = arith.constant 0 : index
        %swap3A_978 = tpu.vector_load %arg6[%swap3A_975, %swap3A_976, %swap3A_977] {strides = array<i32>} : memref<8x40x32xbf16, #tpu.memory_space<vmem>>, vector<32xbf16>,
        tpu.vector_store %arg6[%swap3A_975, %swap3A_976, %swap3A_977], %broadcast_in_dim3A_7 {strides = array<i32>} : memref<8x40x32xbf16, #tpu.memory_space<vmem>>, vector<32xbf16>,
        %get3A_979 = arith.constant 7 : i32
        %get3A_980 = arith.index_cast %rem3A_883 : i32 to index
        %get3A_981 = arith.index_cast %get3A_979 : i32 to index
        %get3A_982 = arith.constant 0 : index
        %get3A_983 = tpu.vector_load %arg6[%get3A_980, %get3A_981, %get3A_982] {strides = array<i32>} : memref<8x40x32xbf16, #tpu.memory_space<vmem>>, vector<32xbf16>,
        %unpack3A_984 = tpu.unpack_subelements %get3A_983, 0 {pack_format = #tpu.pack_format<interleaved>} : vector<32xbf16> -> vector<16xf32>
        %unpack3A_985 = tpu.unpack_subelements %get3A_983, 1 {pack_format = #tpu.pack_format<interleaved>} : vector<32xbf16> -> vector<16xf32>
        %add3A_986 = arith.addf %add3A_958, %unpack3A_984 : vector<16xf32>
        %add3A_987 = arith.addf %add3A_959, %unpack3A_985 : vector<16xf32>
        %swap3A_988 = arith.constant 7 : i32
        %swap3A_989 = arith.index_cast %rem3A_883 : i32 to index
        %swap3A_990 = arith.index_cast %swap3A_988 : i32 to index
        %swap3A_991 = arith.constant 0 : index
        %swap3A_992 = tpu.vector_load %arg6[%swap3A_989, %swap3A_990, %swap3A_991] {strides = array<i32>} : memref<8x40x32xbf16, #tpu.memory_space<vmem>>, vector<32xbf16>,
        tpu.vector_store %arg6[%swap3A_989, %swap3A_990, %swap3A_991], %broadcast_in_dim3A_7 {strides = array<i32>} : memref<8x40x32xbf16, #tpu.memory_space<vmem>>, vector<32xbf16>,
        %get3A_993 = arith.constant 8 : i32
        %get3A_994 = arith.index_cast %rem3A_883 : i32 to index
        %get3A_995 = arith.index_cast %get3A_993 : i32 to index
        %get3A_996 = arith.constant 0 : index
        %get3A_997 = tpu.vector_load %arg6[%get3A_994, %get3A_995, %get3A_996] {strides = array<i32>} : memref<8x40x32xbf16, #tpu.memory_space<vmem>>, vector<32xbf16>,
        %unpack3A_998 = tpu.unpack_subelements %get3A_997, 0 {pack_format = #tpu.pack_format<interleaved>} : vector<32xbf16> -> vector<16xf32>
        %unpack3A_999 = tpu.unpack_subelements %get3A_997, 1 {pack_format = #tpu.pack_format<interleaved>} : vector<32xbf16> -> vector<16xf32>
        %add3A_1000 = arith.addf %add3A_972, %unpack3A_998 : vector<16xf32>
        %add3A_1001 = arith.addf %add3A_973, %unpack3A_999 : vector<16xf32>
        %swap3A_1002 = arith.constant 8 : i32
        %swap3A_1003 = arith.index_cast %rem3A_883 : i32 to index
        %swap3A_1004 = arith.index_cast %swap3A_1002 : i32 to index
        %swap3A_1005 = arith.constant 0 : index
        %swap3A_1006 = tpu.vector_load %arg6[%swap3A_1003, %swap3A_1004, %swap3A_1005] {strides = array<i32>} : memref<8x40x32xbf16, #tpu.memory_space<vmem>>, vector<32xbf16>,
        tpu.vector_store %arg6[%swap3A_1003, %swap3A_1004, %swap3A_1005], %broadcast_in_dim3A_7 {strides = array<i32>} : memref<8x40x32xbf16, #tpu.memory_space<vmem>>, vector<32xbf16>,
        %get3A_1007 = arith.constant 9 : i32
        %get3A_1008 = arith.index_cast %rem3A_883 : i32 to index
        %get3A_1009 = arith.index_cast %get3A_1007 : i32 to index
        %get3A_1010 = arith.constant 0 : index
        %get3A_1011 = tpu.vector_load %arg6[%get3A_1008, %get3A_1009, %get3A_1010] {strides = array<i32>} : memref<8x40x32xbf16, #tpu.memory_space<vmem>>, vector<32xbf16>,
        %unpack3A_1012 = tpu.unpack_subelements %get3A_1011, 0 {pack_format = #tpu.pack_format<interleaved>} : vector<32xbf16> -> vector<16xf32>
        %unpack3A_1013 = tpu.unpack_subelements %get3A_1011, 1 {pack_format = #tpu.pack_format<interleaved>} : vector<32xbf16> -> vector<16xf32>
        %add3A_1014 = arith.addf %add3A_986, %unpack3A_1012 : vector<16xf32>
        %add3A_1015 = arith.addf %add3A_987, %unpack3A_1013 : vector<16xf32>
        %swap3A_1016 = arith.constant 9 : i32
        %swap3A_1017 = arith.index_cast %rem3A_883 : i32 to index
        %swap3A_1018 = arith.index_cast %swap3A_1016 : i32 to index
        %swap3A_1019 = arith.constant 0 : index
        %swap3A_1020 = tpu.vector_load %arg6[%swap3A_1017, %swap3A_1018, %swap3A_1019] {strides = array<i32>} : memref<8x40x32xbf16, #tpu.memory_space<vmem>>, vector<32xbf16>,
        tpu.vector_store %arg6[%swap3A_1017, %swap3A_1018, %swap3A_1019], %broadcast_in_dim3A_7 {strides = array<i32>} : memref<8x40x32xbf16, #tpu.memory_space<vmem>>, vector<32xbf16>,
        %get3A_1021 = arith.constant 10 : i32
        %get3A_1022 = arith.index_cast %rem3A_883 : i32 to index
        %get3A_1023 = arith.index_cast %get3A_1021 : i32 to index
        %get3A_1024 = arith.constant 0 : index
        %get3A_1025 = tpu.vector_load %arg6[%get3A_1022, %get3A_1023, %get3A_1024] {strides = array<i32>} : memref<8x40x32xbf16, #tpu.memory_space<vmem>>, vector<32xbf16>,
        %unpack3A_1026 = tpu.unpack_subelements %get3A_1025, 0 {pack_format = #tpu.pack_format<interleaved>} : vector<32xbf16> -> vector<16xf32>
        %unpack3A_1027 = tpu.unpack_subelements %get3A_1025, 1 {pack_format = #tpu.pack_format<interleaved>} : vector<32xbf16> -> vector<16xf32>
        %add3A_1028 = arith.addf %add3A_1000, %unpack3A_1026 : vector<16xf32>
        %add3A_1029 = arith.addf %add3A_1001, %unpack3A_1027 : vector<16xf32>
        %swap3A_1030 = arith.constant 10 : i32
        %swap3A_1031 = arith.index_cast %rem3A_883 : i32 to index
        %swap3A_1032 = arith.index_cast %swap3A_1030 : i32 to index
        %swap3A_1033 = arith.constant 0 : index
        %swap3A_1034 = tpu.vector_load %arg6[%swap3A_1031, %swap3A_1032, %swap3A_1033] {strides = array<i32>} : memref<8x40x32xbf16, #tpu.memory_space<vmem>>, vector<32xbf16>,
        tpu.vector_store %arg6[%swap3A_1031, %swap3A_1032, %swap3A_1033], %broadcast_in_dim3A_7 {strides = array<i32>} : memref<8x40x32xbf16, #tpu.memory_space<vmem>>, vector<32xbf16>,
        %get3A_1035 = arith.constant 11 : i32
        %get3A_1036 = arith.index_cast %rem3A_883 : i32 to index
        %get3A_1037 = arith.index_cast %get3A_1035 : i32 to index
        %get3A_1038 = arith.constant 0 : index
        %get3A_1039 = tpu.vector_load %arg6[%get3A_1036, %get3A_1037, %get3A_1038] {strides = array<i32>} : memref<8x40x32xbf16, #tpu.memory_space<vmem>>, vector<32xbf16>,
        %unpack3A_1040 = tpu.unpack_subelements %get3A_1039, 0 {pack_format = #tpu.pack_format<interleaved>} : vector<32xbf16> -> vector<16xf32>
        %unpack3A_1041 = tpu.unpack_subelements %get3A_1039, 1 {pack_format = #tpu.pack_format<interleaved>} : vector<32xbf16> -> vector<16xf32>
        %add3A_1042 = arith.addf %add3A_1014, %unpack3A_1040 : vector<16xf32>
        %add3A_1043 = arith.addf %add3A_1015, %unpack3A_1041 : vector<16xf32>
        %swap3A_1044 = arith.constant 11 : i32
        %swap3A_1045 = arith.index_cast %rem3A_883 : i32 to index
        %swap3A_1046 = arith.index_cast %swap3A_1044 : i32 to index
        %swap3A_1047 = arith.constant 0 : index
        %swap3A_1048 = tpu.vector_load %arg6[%swap3A_1045, %swap3A_1046, %swap3A_1047] {strides = array<i32>} : memref<8x40x32xbf16, #tpu.memory_space<vmem>>, vector<32xbf16>,
        tpu.vector_store %arg6[%swap3A_1045, %swap3A_1046, %swap3A_1047], %broadcast_in_dim3A_7 {strides = array<i32>} : memref<8x40x32xbf16, #tpu.memory_space<vmem>>, vector<32xbf16>,
        %get3A_1049 = arith.constant 12 : i32
        %get3A_1050 = arith.index_cast %rem3A_883 : i32 to index
        %get3A_1051 = arith.index_cast %get3A_1049 : i32 to index
        %get3A_1052 = arith.constant 0 : index
        %get3A_1053 = tpu.vector_load %arg6[%get3A_1050, %get3A_1051, %get3A_1052] {strides = array<i32>} : memref<8x40x32xbf16, #tpu.memory_space<vmem>>, vector<32xbf16>,
        %unpack3A_1054 = tpu.unpack_subelements %get3A_1053, 0 {pack_format = #tpu.pack_format<interleaved>} : vector<32xbf16> -> vector<16xf32>
        %unpack3A_1055 = tpu.unpack_subelements %get3A_1053, 1 {pack_format = #tpu.pack_format<interleaved>} : vector<32xbf16> -> vector<16xf32>
        %add3A_1056 = arith.addf %add3A_1028, %unpack3A_1054 : vector<16xf32>
        %add3A_1057 = arith.addf %add3A_1029, %unpack3A_1055 : vector<16xf32>
        %swap3A_1058 = arith.constant 12 : i32
        %swap3A_1059 = arith.index_cast %rem3A_883 : i32 to index
        %swap3A_1060 = arith.index_cast %swap3A_1058 : i32 to index
        %swap3A_1061 = arith.constant 0 : index
        %swap3A_1062 = tpu.vector_load %arg6[%swap3A_1059, %swap3A_1060, %swap3A_1061] {strides = array<i32>} : memref<8x40x32xbf16, #tpu.memory_space<vmem>>, vector<32xbf16>,
        tpu.vector_store %arg6[%swap3A_1059, %swap3A_1060, %swap3A_1061], %broadcast_in_dim3A_7 {strides = array<i32>} : memref<8x40x32xbf16, #tpu.memory_space<vmem>>, vector<32xbf16>,
        %get3A_1063 = arith.constant 13 : i32
        %get3A_1064 = arith.index_cast %rem3A_883 : i32 to index
        %get3A_1065 = arith.index_cast %get3A_1063 : i32 to index
        %get3A_1066 = arith.constant 0 : index
        %get3A_1067 = tpu.vector_load %arg6[%get3A_1064, %get3A_1065, %get3A_1066] {strides = array<i32>} : memref<8x40x32xbf16, #tpu.memory_space<vmem>>, vector<32xbf16>,
        %unpack3A_1068 = tpu.unpack_subelements %get3A_1067, 0 {pack_format = #tpu.pack_format<interleaved>} : vector<32xbf16> -> vector<16xf32>
        %unpack3A_1069 = tpu.unpack_subelements %get3A_1067, 1 {pack_format = #tpu.pack_format<interleaved>} : vector<32xbf16> -> vector<16xf32>
        %add3A_1070 = arith.addf %add3A_1042, %unpack3A_1068 : vector<16xf32>
        %add3A_1071 = arith.addf %add3A_1043, %unpack3A_1069 : vector<16xf32>
        %swap3A_1072 = arith.constant 13 : i32
        %swap3A_1073 = arith.index_cast %rem3A_883 : i32 to index
        %swap3A_1074 = arith.index_cast %swap3A_1072 : i32 to index
        %swap3A_1075 = arith.constant 0 : index
        %swap3A_1076 = tpu.vector_load %arg6[%swap3A_1073, %swap3A_1074, %swap3A_1075] {strides = array<i32>} : memref<8x40x32xbf16, #tpu.memory_space<vmem>>, vector<32xbf16>,
        tpu.vector_store %arg6[%swap3A_1073, %swap3A_1074, %swap3A_1075], %broadcast_in_dim3A_7 {strides = array<i32>} : memref<8x40x32xbf16, #tpu.memory_space<vmem>>, vector<32xbf16>,
        %get3A_1077 = arith.constant 14 : i32
        %get3A_1078 = arith.index_cast %rem3A_883 : i32 to index
        %get3A_1079 = arith.index_cast %get3A_1077 : i32 to index
        %get3A_1080 = arith.constant 0 : index
        %get3A_1081 = tpu.vector_load %arg6[%get3A_1078, %get3A_1079, %get3A_1080] {strides = array<i32>} : memref<8x40x32xbf16, #tpu.memory_space<vmem>>, vector<32xbf16>,
        %unpack3A_1082 = tpu.unpack_subelements %get3A_1081, 0 {pack_format = #tpu.pack_format<interleaved>} : vector<32xbf16> -> vector<16xf32>
        %unpack3A_1083 = tpu.unpack_subelements %get3A_1081, 1 {pack_format = #tpu.pack_format<interleaved>} : vector<32xbf16> -> vector<16xf32>
        %add3A_1084 = arith.addf %add3A_1056, %unpack3A_1082 : vector<16xf32>
        %add3A_1085 = arith.addf %add3A_1057, %unpack3A_1083 : vector<16xf32>
        %swap3A_1086 = arith.constant 14 : i32
        %swap3A_1087 = arith.index_cast %rem3A_883 : i32 to index
        %swap3A_1088 = arith.index_cast %swap3A_1086 : i32 to index
        %swap3A_1089 = arith.constant 0 : index
        %swap3A_1090 = tpu.vector_load %arg6[%swap3A_1087, %swap3A_1088, %swap3A_1089] {strides = array<i32>} : memref<8x40x32xbf16, #tpu.memory_space<vmem>>, vector<32xbf16>,
        tpu.vector_store %arg6[%swap3A_1087, %swap3A_1088, %swap3A_1089], %broadcast_in_dim3A_7 {strides = array<i32>} : memref<8x40x32xbf16, #tpu.memory_space<vmem>>, vector<32xbf16>,
        %get3A_1091 = arith.constant 15 : i32
        %get3A_1092 = arith.index_cast %rem3A_883 : i32 to index
        %get3A_1093 = arith.index_cast %get3A_1091 : i32 to index
        %get3A_1094 = arith.constant 0 : index
        %get3A_1095 = tpu.vector_load %arg6[%get3A_1092, %get3A_1093, %get3A_1094] {strides = array<i32>} : memref<8x40x32xbf16, #tpu.memory_space<vmem>>, vector<32xbf16>,
        %unpack3A_1096 = tpu.unpack_subelements %get3A_1095, 0 {pack_format = #tpu.pack_format<interleaved>} : vector<32xbf16> -> vector<16xf32>
        %unpack3A_1097 = tpu.unpack_subelements %get3A_1095, 1 {pack_format = #tpu.pack_format<interleaved>} : vector<32xbf16> -> vector<16xf32>
        %add3A_1098 = arith.addf %add3A_1070, %unpack3A_1096 : vector<16xf32>
        %add3A_1099 = arith.addf %add3A_1071, %unpack3A_1097 : vector<16xf32>
        %swap3A_1100 = arith.constant 15 : i32
        %swap3A_1101 = arith.index_cast %rem3A_883 : i32 to index
        %swap3A_1102 = arith.index_cast %swap3A_1100 : i32 to index
        %swap3A_1103 = arith.constant 0 : index
        %swap3A_1104 = tpu.vector_load %arg6[%swap3A_1101, %swap3A_1102, %swap3A_1103] {strides = array<i32>} : memref<8x40x32xbf16, #tpu.memory_space<vmem>>, vector<32xbf16>,
        tpu.vector_store %arg6[%swap3A_1101, %swap3A_1102, %swap3A_1103], %broadcast_in_dim3A_7 {strides = array<i32>} : memref<8x40x32xbf16, #tpu.memory_space<vmem>>, vector<32xbf16>,
        %get3A_1105 = arith.constant 16 : i32
        %get3A_1106 = arith.index_cast %rem3A_883 : i32 to index
        %get3A_1107 = arith.index_cast %get3A_1105 : i32 to index
        %get3A_1108 = arith.constant 0 : index
        %get3A_1109 = tpu.vector_load %arg6[%get3A_1106, %get3A_1107, %get3A_1108] {strides = array<i32>} : memref<8x40x32xbf16, #tpu.memory_space<vmem>>, vector<32xbf16>,
        %unpack3A_1110 = tpu.unpack_subelements %get3A_1109, 0 {pack_format = #tpu.pack_format<interleaved>} : vector<32xbf16> -> vector<16xf32>
        %unpack3A_1111 = tpu.unpack_subelements %get3A_1109, 1 {pack_format = #tpu.pack_format<interleaved>} : vector<32xbf16> -> vector<16xf32>
        %add3A_1112 = arith.addf %add3A_1084, %unpack3A_1110 : vector<16xf32>
        %add3A_1113 = arith.addf %add3A_1085, %unpack3A_1111 : vector<16xf32>
        %swap3A_1114 = arith.constant 16 : i32
        %swap3A_1115 = arith.index_cast %rem3A_883 : i32 to index
        %swap3A_1116 = arith.index_cast %swap3A_1114 : i32 to index
        %swap3A_1117 = arith.constant 0 : index
        %swap3A_1118 = tpu.vector_load %arg6[%swap3A_1115, %swap3A_1116, %swap3A_1117] {strides = array<i32>} : memref<8x40x32xbf16, #tpu.memory_space<vmem>>, vector<32xbf16>,
        tpu.vector_store %arg6[%swap3A_1115, %swap3A_1116, %swap3A_1117], %broadcast_in_dim3A_7 {strides = array<i32>} : memref<8x40x32xbf16, #tpu.memory_space<vmem>>, vector<32xbf16>,
        %get3A_1119 = arith.constant 17 : i32
        %get3A_1120 = arith.index_cast %rem3A_883 : i32 to index
        %get3A_1121 = arith.index_cast %get3A_1119 : i32 to index
        %get3A_1122 = arith.constant 0 : index
        %get3A_1123 = tpu.vector_load %arg6[%get3A_1120, %get3A_1121, %get3A_1122] {strides = array<i32>} : memref<8x40x32xbf16, #tpu.memory_space<vmem>>, vector<32xbf16>,
        %unpack3A_1124 = tpu.unpack_subelements %get3A_1123, 0 {pack_format = #tpu.pack_format<interleaved>} : vector<32xbf16> -> vector<16xf32>
        %unpack3A_1125 = tpu.unpack_subelements %get3A_1123, 1 {pack_format = #tpu.pack_format<interleaved>} : vector<32xbf16> -> vector<16xf32>
        %add3A_1126 = arith.addf %add3A_1098, %unpack3A_1124 : vector<16xf32>
        %add3A_1127 = arith.addf %add3A_1099, %unpack3A_1125 : vector<16xf32>
        %swap3A_1128 = arith.constant 17 : i32
        %swap3A_1129 = arith.index_cast %rem3A_883 : i32 to index
        %swap3A_1130 = arith.index_cast %swap3A_1128 : i32 to index
        %swap3A_1131 = arith.constant 0 : index
        %swap3A_1132 = tpu.vector_load %arg6[%swap3A_1129, %swap3A_1130, %swap3A_1131] {strides = array<i32>} : memref<8x40x32xbf16, #tpu.memory_space<vmem>>, vector<32xbf16>,
        tpu.vector_store %arg6[%swap3A_1129, %swap3A_1130, %swap3A_1131], %broadcast_in_dim3A_7 {strides = array<i32>} : memref<8x40x32xbf16, #tpu.memory_space<vmem>>, vector<32xbf16>,
        %get3A_1133 = arith.constant 18 : i32
        %get3A_1134 = arith.index_cast %rem3A_883 : i32 to index
        %get3A_1135 = arith.index_cast %get3A_1133 : i32 to index
        %get3A_1136 = arith.constant 0 : index
        %get3A_1137 = tpu.vector_load %arg6[%get3A_1134, %get3A_1135, %get3A_1136] {strides = array<i32>} : memref<8x40x32xbf16, #tpu.memory_space<vmem>>, vector<32xbf16>,
        %unpack3A_1138 = tpu.unpack_subelements %get3A_1137, 0 {pack_format = #tpu.pack_format<interleaved>} : vector<32xbf16> -> vector<16xf32>
        %unpack3A_1139 = tpu.unpack_subelements %get3A_1137, 1 {pack_format = #tpu.pack_format<interleaved>} : vector<32xbf16> -> vector<16xf32>
        %add3A_1140 = arith.addf %add3A_1112, %unpack3A_1138 : vector<16xf32>
        %add3A_1141 = arith.addf %add3A_1113, %unpack3A_1139 : vector<16xf32>
        %swap3A_1142 = arith.constant 18 : i32
        %swap3A_1143 = arith.index_cast %rem3A_883 : i32 to index
        %swap3A_1144 = arith.index_cast %swap3A_1142 : i32 to index
        %swap3A_1145 = arith.constant 0 : index
        %swap3A_1146 = tpu.vector_load %arg6[%swap3A_1143, %swap3A_1144, %swap3A_1145] {strides = array<i32>} : memref<8x40x32xbf16, #tpu.memory_space<vmem>>, vector<32xbf16>,
        tpu.vector_store %arg6[%swap3A_1143, %swap3A_1144, %swap3A_1145], %broadcast_in_dim3A_7 {strides = array<i32>} : memref<8x40x32xbf16, #tpu.memory_space<vmem>>, vector<32xbf16>,
        %get3A_1147 = arith.constant 19 : i32
        %get3A_1148 = arith.index_cast %rem3A_883 : i32 to index
        %get3A_1149 = arith.index_cast %get3A_1147 : i32 to index
        %get3A_1150 = arith.constant 0 : index
        %get3A_1151 = tpu.vector_load %arg6[%get3A_1148, %get3A_1149, %get3A_1150] {strides = array<i32>} : memref<8x40x32xbf16, #tpu.memory_space<vmem>>, vector<32xbf16>,
        %unpack3A_1152 = tpu.unpack_subelements %get3A_1151, 0 {pack_format = #tpu.pack_format<interleaved>} : vector<32xbf16> -> vector<16xf32>
        %unpack3A_1153 = tpu.unpack_subelements %get3A_1151, 1 {pack_format = #tpu.pack_format<interleaved>} : vector<32xbf16> -> vector<16xf32>
        %add3A_1154 = arith.addf %add3A_1126, %unpack3A_1152 : vector<16xf32>
        %add3A_1155 = arith.addf %add3A_1127, %unpack3A_1153 : vector<16xf32>
        %swap3A_1156 = arith.constant 19 : i32
        %swap3A_1157 = arith.index_cast %rem3A_883 : i32 to index
        %swap3A_1158 = arith.index_cast %swap3A_1156 : i32 to index
        %swap3A_1159 = arith.constant 0 : index
        %swap3A_1160 = tpu.vector_load %arg6[%swap3A_1157, %swap3A_1158, %swap3A_1159] {strides = array<i32>} : memref<8x40x32xbf16, #tpu.memory_space<vmem>>, vector<32xbf16>,
        tpu.vector_store %arg6[%swap3A_1157, %swap3A_1158, %swap3A_1159], %broadcast_in_dim3A_7 {strides = array<i32>} : memref<8x40x32xbf16, #tpu.memory_space<vmem>>, vector<32xbf16>,
        %get3A_1161 = arith.constant 20 : i32
        %get3A_1162 = arith.index_cast %rem3A_883 : i32 to index
        %get3A_1163 = arith.index_cast %get3A_1161 : i32 to index
        %get3A_1164 = arith.constant 0 : index
        %get3A_1165 = tpu.vector_load %arg6[%get3A_1162, %get3A_1163, %get3A_1164] {strides = array<i32>} : memref<8x40x32xbf16, #tpu.memory_space<vmem>>, vector<32xbf16>,
        %unpack3A_1166 = tpu.unpack_subelements %get3A_1165, 0 {pack_format = #tpu.pack_format<interleaved>} : vector<32xbf16> -> vector<16xf32>
        %unpack3A_1167 = tpu.unpack_subelements %get3A_1165, 1 {pack_format = #tpu.pack_format<interleaved>} : vector<32xbf16> -> vector<16xf32>
        %add3A_1168 = arith.addf %add3A_1140, %unpack3A_1166 : vector<16xf32>
        %add3A_1169 = arith.addf %add3A_1141, %unpack3A_1167 : vector<16xf32>
        %swap3A_1170 = arith.constant 20 : i32
        %swap3A_1171 = arith.index_cast %rem3A_883 : i32 to index
        %swap3A_1172 = arith.index_cast %swap3A_1170 : i32 to index
        %swap3A_1173 = arith.constant 0 : index
        %swap3A_1174 = tpu.vector_load %arg6[%swap3A_1171, %swap3A_1172, %swap3A_1173] {strides = array<i32>} : memref<8x40x32xbf16, #tpu.memory_space<vmem>>, vector<32xbf16>,
        tpu.vector_store %arg6[%swap3A_1171, %swap3A_1172, %swap3A_1173], %broadcast_in_dim3A_7 {strides = array<i32>} : memref<8x40x32xbf16, #tpu.memory_space<vmem>>, vector<32xbf16>,
        %get3A_1175 = arith.constant 21 : i32
        %get3A_1176 = arith.index_cast %rem3A_883 : i32 to index
        %get3A_1177 = arith.index_cast %get3A_1175 : i32 to index
        %get3A_1178 = arith.constant 0 : index
        %get3A_1179 = tpu.vector_load %arg6[%get3A_1176, %get3A_1177, %get3A_1178] {strides = array<i32>} : memref<8x40x32xbf16, #tpu.memory_space<vmem>>, vector<32xbf16>,
        %unpack3A_1180 = tpu.unpack_subelements %get3A_1179, 0 {pack_format = #tpu.pack_format<interleaved>} : vector<32xbf16> -> vector<16xf32>
        %unpack3A_1181 = tpu.unpack_subelements %get3A_1179, 1 {pack_format = #tpu.pack_format<interleaved>} : vector<32xbf16> -> vector<16xf32>
        %add3A_1182 = arith.addf %add3A_1154, %unpack3A_1180 : vector<16xf32>
        %add3A_1183 = arith.addf %add3A_1155, %unpack3A_1181 : vector<16xf32>
        %swap3A_1184 = arith.constant 21 : i32
        %swap3A_1185 = arith.index_cast %rem3A_883 : i32 to index
        %swap3A_1186 = arith.index_cast %swap3A_1184 : i32 to index
        %swap3A_1187 = arith.constant 0 : index
        %swap3A_1188 = tpu.vector_load %arg6[%swap3A_1185, %swap3A_1186, %swap3A_1187] {strides = array<i32>} : memref<8x40x32xbf16, #tpu.memory_space<vmem>>, vector<32xbf16>,
        tpu.vector_store %arg6[%swap3A_1185, %swap3A_1186, %swap3A_1187], %broadcast_in_dim3A_7 {strides = array<i32>} : memref<8x40x32xbf16, #tpu.memory_space<vmem>>, vector<32xbf16>,
        %get3A_1189 = arith.constant 22 : i32
        %get3A_1190 = arith.index_cast %rem3A_883 : i32 to index
        %get3A_1191 = arith.index_cast %get3A_1189 : i32 to index
        %get3A_1192 = arith.constant 0 : index
        %get3A_1193 = tpu.vector_load %arg6[%get3A_1190, %get3A_1191, %get3A_1192] {strides = array<i32>} : memref<8x40x32xbf16, #tpu.memory_space<vmem>>, vector<32xbf16>,
        %unpack3A_1194 = tpu.unpack_subelements %get3A_1193, 0 {pack_format = #tpu.pack_format<interleaved>} : vector<32xbf16> -> vector<16xf32>
        %unpack3A_1195 = tpu.unpack_subelements %get3A_1193, 1 {pack_format = #tpu.pack_format<interleaved>} : vector<32xbf16> -> vector<16xf32>
        %add3A_1196 = arith.addf %add3A_1168, %unpack3A_1194 : vector<16xf32>
        %add3A_1197 = arith.addf %add3A_1169, %unpack3A_1195 : vector<16xf32>
        %swap3A_1198 = arith.constant 22 : i32
        %swap3A_1199 = arith.index_cast %rem3A_883 : i32 to index
        %swap3A_1200 = arith.index_cast %swap3A_1198 : i32 to index
        %swap3A_1201 = arith.constant 0 : index
        %swap3A_1202 = tpu.vector_load %arg6[%swap3A_1199, %swap3A_1200, %swap3A_1201] {strides = array<i32>} : memref<8x40x32xbf16, #tpu.memory_space<vmem>>, vector<32xbf16>,
        tpu.vector_store %arg6[%swap3A_1199, %swap3A_1200, %swap3A_1201], %broadcast_in_dim3A_7 {strides = array<i32>} : memref<8x40x32xbf16, #tpu.memory_space<vmem>>, vector<32xbf16>,
        %get3A_1203 = arith.constant 23 : i32
        %get3A_1204 = arith.index_cast %rem3A_883 : i32 to index
        %get3A_1205 = arith.index_cast %get3A_1203 : i32 to index
        %get3A_1206 = arith.constant 0 : index
        %get3A_1207 = tpu.vector_load %arg6[%get3A_1204, %get3A_1205, %get3A_1206] {strides = array<i32>} : memref<8x40x32xbf16, #tpu.memory_space<vmem>>, vector<32xbf16>,
        %unpack3A_1208 = tpu.unpack_subelements %get3A_1207, 0 {pack_format = #tpu.pack_format<interleaved>} : vector<32xbf16> -> vector<16xf32>
        %unpack3A_1209 = tpu.unpack_subelements %get3A_1207, 1 {pack_format = #tpu.pack_format<interleaved>} : vector<32xbf16> -> vector<16xf32>
        %add3A_1210 = arith.addf %add3A_1182, %unpack3A_1208 : vector<16xf32>
        %add3A_1211 = arith.addf %add3A_1183, %unpack3A_1209 : vector<16xf32>
        %swap3A_1212 = arith.constant 23 : i32
        %swap3A_1213 = arith.index_cast %rem3A_883 : i32 to index
        %swap3A_1214 = arith.index_cast %swap3A_1212 : i32 to index
        %swap3A_1215 = arith.constant 0 : index
        %swap3A_1216 = tpu.vector_load %arg6[%swap3A_1213, %swap3A_1214, %swap3A_1215] {strides = array<i32>} : memref<8x40x32xbf16, #tpu.memory_space<vmem>>, vector<32xbf16>,
        tpu.vector_store %arg6[%swap3A_1213, %swap3A_1214, %swap3A_1215], %broadcast_in_dim3A_7 {strides = array<i32>} : memref<8x40x32xbf16, #tpu.memory_space<vmem>>, vector<32xbf16>,
        %get3A_1217 = arith.constant 24 : i32
        %get3A_1218 = arith.index_cast %rem3A_883 : i32 to index
        %get3A_1219 = arith.index_cast %get3A_1217 : i32 to index
        %get3A_1220 = arith.constant 0 : index
        %get3A_1221 = tpu.vector_load %arg6[%get3A_1218, %get3A_1219, %get3A_1220] {strides = array<i32>} : memref<8x40x32xbf16, #tpu.memory_space<vmem>>, vector<32xbf16>,
        %unpack3A_1222 = tpu.unpack_subelements %get3A_1221, 0 {pack_format = #tpu.pack_format<interleaved>} : vector<32xbf16> -> vector<16xf32>
        %unpack3A_1223 = tpu.unpack_subelements %get3A_1221, 1 {pack_format = #tpu.pack_format<interleaved>} : vector<32xbf16> -> vector<16xf32>
        %add3A_1224 = arith.addf %add3A_1196, %unpack3A_1222 : vector<16xf32>
        %add3A_1225 = arith.addf %add3A_1197, %unpack3A_1223 : vector<16xf32>
        %swap3A_1226 = arith.constant 24 : i32
        %swap3A_1227 = arith.index_cast %rem3A_883 : i32 to index
        %swap3A_1228 = arith.index_cast %swap3A_1226 : i32 to index
        %swap3A_1229 = arith.constant 0 : index
        %swap3A_1230 = tpu.vector_load %arg6[%swap3A_1227, %swap3A_1228, %swap3A_1229] {strides = array<i32>} : memref<8x40x32xbf16, #tpu.memory_space<vmem>>, vector<32xbf16>,
        tpu.vector_store %arg6[%swap3A_1227, %swap3A_1228, %swap3A_1229], %broadcast_in_dim3A_7 {strides = array<i32>} : memref<8x40x32xbf16, #tpu.memory_space<vmem>>, vector<32xbf16>,
        %get3A_1231 = arith.constant 25 : i32
        %get3A_1232 = arith.index_cast %rem3A_883 : i32 to index
        %get3A_1233 = arith.index_cast %get3A_1231 : i32 to index
        %get3A_1234 = arith.constant 0 : index
        %get3A_1235 = tpu.vector_load %arg6[%get3A_1232, %get3A_1233, %get3A_1234] {strides = array<i32>} : memref<8x40x32xbf16, #tpu.memory_space<vmem>>, vector<32xbf16>,
        %unpack3A_1236 = tpu.unpack_subelements %get3A_1235, 0 {pack_format = #tpu.pack_format<interleaved>} : vector<32xbf16> -> vector<16xf32>
        %unpack3A_1237 = tpu.unpack_subelements %get3A_1235, 1 {pack_format = #tpu.pack_format<interleaved>} : vector<32xbf16> -> vector<16xf32>
        %add3A_1238 = arith.addf %add3A_1210, %unpack3A_1236 : vector<16xf32>
        %add3A_1239 = arith.addf %add3A_1211, %unpack3A_1237 : vector<16xf32>
        %swap3A_1240 = arith.constant 25 : i32
        %swap3A_1241 = arith.index_cast %rem3A_883 : i32 to index
        %swap3A_1242 = arith.index_cast %swap3A_1240 : i32 to index
        %swap3A_1243 = arith.constant 0 : index
        %swap3A_1244 = tpu.vector_load %arg6[%swap3A_1241, %swap3A_1242, %swap3A_1243] {strides = array<i32>} : memref<8x40x32xbf16, #tpu.memory_space<vmem>>, vector<32xbf16>,
        tpu.vector_store %arg6[%swap3A_1241, %swap3A_1242, %swap3A_1243], %broadcast_in_dim3A_7 {strides = array<i32>} : memref<8x40x32xbf16, #tpu.memory_space<vmem>>, vector<32xbf16>,
        %get3A_1245 = arith.constant 26 : i32
        %get3A_1246 = arith.index_cast %rem3A_883 : i32 to index
        %get3A_1247 = arith.index_cast %get3A_1245 : i32 to index
        %get3A_1248 = arith.constant 0 : index
        %get3A_1249 = tpu.vector_load %arg6[%get3A_1246, %get3A_1247, %get3A_1248] {strides = array<i32>} : memref<8x40x32xbf16, #tpu.memory_space<vmem>>, vector<32xbf16>,
        %unpack3A_1250 = tpu.unpack_subelements %get3A_1249, 0 {pack_format = #tpu.pack_format<interleaved>} : vector<32xbf16> -> vector<16xf32>
        %unpack3A_1251 = tpu.unpack_subelements %get3A_1249, 1 {pack_format = #tpu.pack_format<interleaved>} : vector<32xbf16> -> vector<16xf32>
        %add3A_1252 = arith.addf %add3A_1224, %unpack3A_1250 : vector<16xf32>
        %add3A_1253 = arith.addf %add3A_1225, %unpack3A_1251 : vector<16xf32>
        %swap3A_1254 = arith.constant 26 : i32
        %swap3A_1255 = arith.index_cast %rem3A_883 : i32 to index
        %swap3A_1256 = arith.index_cast %swap3A_1254 : i32 to index
        %swap3A_1257 = arith.constant 0 : index
        %swap3A_1258 = tpu.vector_load %arg6[%swap3A_1255, %swap3A_1256, %swap3A_1257] {strides = array<i32>} : memref<8x40x32xbf16, #tpu.memory_space<vmem>>, vector<32xbf16>,
        tpu.vector_store %arg6[%swap3A_1255, %swap3A_1256, %swap3A_1257], %broadcast_in_dim3A_7 {strides = array<i32>} : memref<8x40x32xbf16, #tpu.memory_space<vmem>>, vector<32xbf16>,
        %get3A_1259 = arith.constant 27 : i32
        %get3A_1260 = arith.index_cast %rem3A_883 : i32 to index
        %get3A_1261 = arith.index_cast %get3A_1259 : i32 to index
        %get3A_1262 = arith.constant 0 : index
        %get3A_1263 = tpu.vector_load %arg6[%get3A_1260, %get3A_1261, %get3A_1262] {strides = array<i32>} : memref<8x40x32xbf16, #tpu.memory_space<vmem>>, vector<32xbf16>,
        %unpack3A_1264 = tpu.unpack_subelements %get3A_1263, 0 {pack_format = #tpu.pack_format<interleaved>} : vector<32xbf16> -> vector<16xf32>
        %unpack3A_1265 = tpu.unpack_subelements %get3A_1263, 1 {pack_format = #tpu.pack_format<interleaved>} : vector<32xbf16> -> vector<16xf32>
        %add3A_1266 = arith.addf %add3A_1238, %unpack3A_1264 : vector<16xf32>
        %add3A_1267 = arith.addf %add3A_1239, %unpack3A_1265 : vector<16xf32>
        %swap3A_1268 = arith.constant 27 : i32
        %swap3A_1269 = arith.index_cast %rem3A_883 : i32 to index
        %swap3A_1270 = arith.index_cast %swap3A_1268 : i32 to index
        %swap3A_1271 = arith.constant 0 : index
        %swap3A_1272 = tpu.vector_load %arg6[%swap3A_1269, %swap3A_1270, %swap3A_1271] {strides = array<i32>} : memref<8x40x32xbf16, #tpu.memory_space<vmem>>, vector<32xbf16>,
        tpu.vector_store %arg6[%swap3A_1269, %swap3A_1270, %swap3A_1271], %broadcast_in_dim3A_7 {strides = array<i32>} : memref<8x40x32xbf16, #tpu.memory_space<vmem>>, vector<32xbf16>,
        %get3A_1273 = arith.constant 28 : i32
        %get3A_1274 = arith.index_cast %rem3A_883 : i32 to index
        %get3A_1275 = arith.index_cast %get3A_1273 : i32 to index
        %get3A_1276 = arith.constant 0 : index
        %get3A_1277 = tpu.vector_load %arg6[%get3A_1274, %get3A_1275, %get3A_1276] {strides = array<i32>} : memref<8x40x32xbf16, #tpu.memory_space<vmem>>, vector<32xbf16>,
        %unpack3A_1278 = tpu.unpack_subelements %get3A_1277, 0 {pack_format = #tpu.pack_format<interleaved>} : vector<32xbf16> -> vector<16xf32>
        %unpack3A_1279 = tpu.unpack_subelements %get3A_1277, 1 {pack_format = #tpu.pack_format<interleaved>} : vector<32xbf16> -> vector<16xf32>
        %add3A_1280 = arith.addf %add3A_1252, %unpack3A_1278 : vector<16xf32>
        %add3A_1281 = arith.addf %add3A_1253, %unpack3A_1279 : vector<16xf32>
        %swap3A_1282 = arith.constant 28 : i32
        %swap3A_1283 = arith.index_cast %rem3A_883 : i32 to index
        %swap3A_1284 = arith.index_cast %swap3A_1282 : i32 to index
        %swap3A_1285 = arith.constant 0 : index
        %swap3A_1286 = tpu.vector_load %arg6[%swap3A_1283, %swap3A_1284, %swap3A_1285] {strides = array<i32>} : memref<8x40x32xbf16, #tpu.memory_space<vmem>>, vector<32xbf16>,
        tpu.vector_store %arg6[%swap3A_1283, %swap3A_1284, %swap3A_1285], %broadcast_in_dim3A_7 {strides = array<i32>} : memref<8x40x32xbf16, #tpu.memory_space<vmem>>, vector<32xbf16>,
        %get3A_1287 = arith.constant 29 : i32
        %get3A_1288 = arith.index_cast %rem3A_883 : i32 to index
        %get3A_1289 = arith.index_cast %get3A_1287 : i32 to index
        %get3A_1290 = arith.constant 0 : index
        %get3A_1291 = tpu.vector_load %arg6[%get3A_1288, %get3A_1289, %get3A_1290] {strides = array<i32>} : memref<8x40x32xbf16, #tpu.memory_space<vmem>>, vector<32xbf16>,
        %unpack3A_1292 = tpu.unpack_subelements %get3A_1291, 0 {pack_format = #tpu.pack_format<interleaved>} : vector<32xbf16> -> vector<16xf32>
        %unpack3A_1293 = tpu.unpack_subelements %get3A_1291, 1 {pack_format = #tpu.pack_format<interleaved>} : vector<32xbf16> -> vector<16xf32>
        %add3A_1294 = arith.addf %add3A_1266, %unpack3A_1292 : vector<16xf32>
        %add3A_1295 = arith.addf %add3A_1267, %unpack3A_1293 : vector<16xf32>
        %swap3A_1296 = arith.constant 29 : i32
        %swap3A_1297 = arith.index_cast %rem3A_883 : i32 to index
        %swap3A_1298 = arith.index_cast %swap3A_1296 : i32 to index
        %swap3A_1299 = arith.constant 0 : index
        %swap3A_1300 = tpu.vector_load %arg6[%swap3A_1297, %swap3A_1298, %swap3A_1299] {strides = array<i32>} : memref<8x40x32xbf16, #tpu.memory_space<vmem>>, vector<32xbf16>,
        tpu.vector_store %arg6[%swap3A_1297, %swap3A_1298, %swap3A_1299], %broadcast_in_dim3A_7 {strides = array<i32>} : memref<8x40x32xbf16, #tpu.memory_space<vmem>>, vector<32xbf16>,
        %get3A_1301 = arith.constant 30 : i32
        %get3A_1302 = arith.index_cast %rem3A_883 : i32 to index
        %get3A_1303 = arith.index_cast %get3A_1301 : i32 to index
        %get3A_1304 = arith.constant 0 : index
        %get3A_1305 = tpu.vector_load %arg6[%get3A_1302, %get3A_1303, %get3A_1304] {strides = array<i32>} : memref<8x40x32xbf16, #tpu.memory_space<vmem>>, vector<32xbf16>,
        %unpack3A_1306 = tpu.unpack_subelements %get3A_1305, 0 {pack_format = #tpu.pack_format<interleaved>} : vector<32xbf16> -> vector<16xf32>
        %unpack3A_1307 = tpu.unpack_subelements %get3A_1305, 1 {pack_format = #tpu.pack_format<interleaved>} : vector<32xbf16> -> vector<16xf32>
        %add3A_1308 = arith.addf %add3A_1280, %unpack3A_1306 : vector<16xf32>
        %add3A_1309 = arith.addf %add3A_1281, %unpack3A_1307 : vector<16xf32>
        %swap3A_1310 = arith.constant 30 : i32
        %swap3A_1311 = arith.index_cast %rem3A_883 : i32 to index
        %swap3A_1312 = arith.index_cast %swap3A_1310 : i32 to index
        %swap3A_1313 = arith.constant 0 : index
        %swap3A_1314 = tpu.vector_load %arg6[%swap3A_1311, %swap3A_1312, %swap3A_1313] {strides = array<i32>} : memref<8x40x32xbf16, #tpu.memory_space<vmem>>, vector<32xbf16>,
        tpu.vector_store %arg6[%swap3A_1311, %swap3A_1312, %swap3A_1313], %broadcast_in_dim3A_7 {strides = array<i32>} : memref<8x40x32xbf16, #tpu.memory_space<vmem>>, vector<32xbf16>,
        %get3A_1315 = arith.constant 31 : i32
        %get3A_1316 = arith.index_cast %rem3A_883 : i32 to index
        %get3A_1317 = arith.index_cast %get3A_1315 : i32 to index
        %get3A_1318 = arith.constant 0 : index
        %get3A_1319 = tpu.vector_load %arg6[%get3A_1316, %get3A_1317, %get3A_1318] {strides = array<i32>} : memref<8x40x32xbf16, #tpu.memory_space<vmem>>, vector<32xbf16>,
        %unpack3A_1320 = tpu.unpack_subelements %get3A_1319, 0 {pack_format = #tpu.pack_format<interleaved>} : vector<32xbf16> -> vector<16xf32>
        %unpack3A_1321 = tpu.unpack_subelements %get3A_1319, 1 {pack_format = #tpu.pack_format<interleaved>} : vector<32xbf16> -> vector<16xf32>
        %add3A_1322 = arith.addf %add3A_1294, %unpack3A_1320 : vector<16xf32>
        %add3A_1323 = arith.addf %add3A_1295, %unpack3A_1321 : vector<16xf32>
        %swap3A_1324 = arith.constant 31 : i32
        %swap3A_1325 = arith.index_cast %rem3A_883 : i32 to index
        %swap3A_1326 = arith.index_cast %swap3A_1324 : i32 to index
        %swap3A_1327 = arith.constant 0 : index
        %swap3A_1328 = tpu.vector_load %arg6[%swap3A_1325, %swap3A_1326, %swap3A_1327] {strides = array<i32>} : memref<8x40x32xbf16, #tpu.memory_space<vmem>>, vector<32xbf16>,
        tpu.vector_store %arg6[%swap3A_1325, %swap3A_1326, %swap3A_1327], %broadcast_in_dim3A_7 {strides = array<i32>} : memref<8x40x32xbf16, #tpu.memory_space<vmem>>, vector<32xbf16>,
        %get3A_1329 = arith.constant 32 : i32
        %get3A_1330 = arith.index_cast %rem3A_883 : i32 to index
        %get3A_1331 = arith.index_cast %get3A_1329 : i32 to index
        %get3A_1332 = arith.constant 0 : index
        %get3A_1333 = tpu.vector_load %arg6[%get3A_1330, %get3A_1331, %get3A_1332] {strides = array<i32>} : memref<8x40x32xbf16, #tpu.memory_space<vmem>>, vector<32xbf16>,
        %unpack3A_1334 = tpu.unpack_subelements %get3A_1333, 0 {pack_format = #tpu.pack_format<interleaved>} : vector<32xbf16> -> vector<16xf32>
        %unpack3A_1335 = tpu.unpack_subelements %get3A_1333, 1 {pack_format = #tpu.pack_format<interleaved>} : vector<32xbf16> -> vector<16xf32>
        %add3A_1336 = arith.addf %add3A_1308, %unpack3A_1334 : vector<16xf32>
        %add3A_1337 = arith.addf %add3A_1309, %unpack3A_1335 : vector<16xf32>
        %swap3A_1338 = arith.constant 32 : i32
        %swap3A_1339 = arith.index_cast %rem3A_883 : i32 to index
        %swap3A_1340 = arith.index_cast %swap3A_1338 : i32 to index
        %swap3A_1341 = arith.constant 0 : index
        %swap3A_1342 = tpu.vector_load %arg6[%swap3A_1339, %swap3A_1340, %swap3A_1341] {strides = array<i32>} : memref<8x40x32xbf16, #tpu.memory_space<vmem>>, vector<32xbf16>,
        tpu.vector_store %arg6[%swap3A_1339, %swap3A_1340, %swap3A_1341], %broadcast_in_dim3A_7 {strides = array<i32>} : memref<8x40x32xbf16, #tpu.memory_space<vmem>>, vector<32xbf16>,
        %get3A_1343 = arith.constant 33 : i32
        %get3A_1344 = arith.index_cast %rem3A_883 : i32 to index
        %get3A_1345 = arith.index_cast %get3A_1343 : i32 to index
        %get3A_1346 = arith.constant 0 : index
        %get3A_1347 = tpu.vector_load %arg6[%get3A_1344, %get3A_1345, %get3A_1346] {strides = array<i32>} : memref<8x40x32xbf16, #tpu.memory_space<vmem>>, vector<32xbf16>,
        %unpack3A_1348 = tpu.unpack_subelements %get3A_1347, 0 {pack_format = #tpu.pack_format<interleaved>} : vector<32xbf16> -> vector<16xf32>
        %unpack3A_1349 = tpu.unpack_subelements %get3A_1347, 1 {pack_format = #tpu.pack_format<interleaved>} : vector<32xbf16> -> vector<16xf32>
        %add3A_1350 = arith.addf %add3A_1322, %unpack3A_1348 : vector<16xf32>
        %add3A_1351 = arith.addf %add3A_1323, %unpack3A_1349 : vector<16xf32>
        %swap3A_1352 = arith.constant 33 : i32
        %swap3A_1353 = arith.index_cast %rem3A_883 : i32 to index
        %swap3A_1354 = arith.index_cast %swap3A_1352 : i32 to index
        %swap3A_1355 = arith.constant 0 : index
        %swap3A_1356 = tpu.vector_load %arg6[%swap3A_1353, %swap3A_1354, %swap3A_1355] {strides = array<i32>} : memref<8x40x32xbf16, #tpu.memory_space<vmem>>, vector<32xbf16>,
        tpu.vector_store %arg6[%swap3A_1353, %swap3A_1354, %swap3A_1355], %broadcast_in_dim3A_7 {strides = array<i32>} : memref<8x40x32xbf16, #tpu.memory_space<vmem>>, vector<32xbf16>,
        %get3A_1357 = arith.constant 34 : i32
        %get3A_1358 = arith.index_cast %rem3A_883 : i32 to index
        %get3A_1359 = arith.index_cast %get3A_1357 : i32 to index
        %get3A_1360 = arith.constant 0 : index
        %get3A_1361 = tpu.vector_load %arg6[%get3A_1358, %get3A_1359, %get3A_1360] {strides = array<i32>} : memref<8x40x32xbf16, #tpu.memory_space<vmem>>, vector<32xbf16>,
        %unpack3A_1362 = tpu.unpack_subelements %get3A_1361, 0 {pack_format = #tpu.pack_format<interleaved>} : vector<32xbf16> -> vector<16xf32>
        %unpack3A_1363 = tpu.unpack_subelements %get3A_1361, 1 {pack_format = #tpu.pack_format<interleaved>} : vector<32xbf16> -> vector<16xf32>
        %add3A_1364 = arith.addf %add3A_1336, %unpack3A_1362 : vector<16xf32>
        %add3A_1365 = arith.addf %add3A_1337, %unpack3A_1363 : vector<16xf32>
        %swap3A_1366 = arith.constant 34 : i32
        %swap3A_1367 = arith.index_cast %rem3A_883 : i32 to index
        %swap3A_1368 = arith.index_cast %swap3A_1366 : i32 to index
        %swap3A_1369 = arith.constant 0 : index
        %swap3A_1370 = tpu.vector_load %arg6[%swap3A_1367, %swap3A_1368, %swap3A_1369] {strides = array<i32>} : memref<8x40x32xbf16, #tpu.memory_space<vmem>>, vector<32xbf16>,
        tpu.vector_store %arg6[%swap3A_1367, %swap3A_1368, %swap3A_1369], %broadcast_in_dim3A_7 {strides = array<i32>} : memref<8x40x32xbf16, #tpu.memory_space<vmem>>, vector<32xbf16>,
        %get3A_1371 = arith.constant 35 : i32
        %get3A_1372 = arith.index_cast %rem3A_883 : i32 to index
        %get3A_1373 = arith.index_cast %get3A_1371 : i32 to index
        %get3A_1374 = arith.constant 0 : index
        %get3A_1375 = tpu.vector_load %arg6[%get3A_1372, %get3A_1373, %get3A_1374] {strides = array<i32>} : memref<8x40x32xbf16, #tpu.memory_space<vmem>>, vector<32xbf16>,
        %unpack3A_1376 = tpu.unpack_subelements %get3A_1375, 0 {pack_format = #tpu.pack_format<interleaved>} : vector<32xbf16> -> vector<16xf32>
        %unpack3A_1377 = tpu.unpack_subelements %get3A_1375, 1 {pack_format = #tpu.pack_format<interleaved>} : vector<32xbf16> -> vector<16xf32>
        %add3A_1378 = arith.addf %add3A_1350, %unpack3A_1376 : vector<16xf32>
        %add3A_1379 = arith.addf %add3A_1351, %unpack3A_1377 : vector<16xf32>
        %swap3A_1380 = arith.constant 35 : i32
        %swap3A_1381 = arith.index_cast %rem3A_883 : i32 to index
        %swap3A_1382 = arith.index_cast %swap3A_1380 : i32 to index
        %swap3A_1383 = arith.constant 0 : index
        %swap3A_1384 = tpu.vector_load %arg6[%swap3A_1381, %swap3A_1382, %swap3A_1383] {strides = array<i32>} : memref<8x40x32xbf16, #tpu.memory_space<vmem>>, vector<32xbf16>,
        tpu.vector_store %arg6[%swap3A_1381, %swap3A_1382, %swap3A_1383], %broadcast_in_dim3A_7 {strides = array<i32>} : memref<8x40x32xbf16, #tpu.memory_space<vmem>>, vector<32xbf16>,
        %get3A_1385 = arith.constant 36 : i32
        %get3A_1386 = arith.index_cast %rem3A_883 : i32 to index
        %get3A_1387 = arith.index_cast %get3A_1385 : i32 to index
        %get3A_1388 = arith.constant 0 : index
        %get3A_1389 = tpu.vector_load %arg6[%get3A_1386, %get3A_1387, %get3A_1388] {strides = array<i32>} : memref<8x40x32xbf16, #tpu.memory_space<vmem>>, vector<32xbf16>,
        %unpack3A_1390 = tpu.unpack_subelements %get3A_1389, 0 {pack_format = #tpu.pack_format<interleaved>} : vector<32xbf16> -> vector<16xf32>
        %unpack3A_1391 = tpu.unpack_subelements %get3A_1389, 1 {pack_format = #tpu.pack_format<interleaved>} : vector<32xbf16> -> vector<16xf32>
        %add3A_1392 = arith.addf %add3A_1364, %unpack3A_1390 : vector<16xf32>
        %add3A_1393 = arith.addf %add3A_1365, %unpack3A_1391 : vector<16xf32>
        %swap3A_1394 = arith.constant 36 : i32
        %swap3A_1395 = arith.index_cast %rem3A_883 : i32 to index
        %swap3A_1396 = arith.index_cast %swap3A_1394 : i32 to index
        %swap3A_1397 = arith.constant 0 : index
        %swap3A_1398 = tpu.vector_load %arg6[%swap3A_1395, %swap3A_1396, %swap3A_1397] {strides = array<i32>} : memref<8x40x32xbf16, #tpu.memory_space<vmem>>, vector<32xbf16>,
        tpu.vector_store %arg6[%swap3A_1395, %swap3A_1396, %swap3A_1397], %broadcast_in_dim3A_7 {strides = array<i32>} : memref<8x40x32xbf16, #tpu.memory_space<vmem>>, vector<32xbf16>,
        %get3A_1399 = arith.constant 37 : i32
        %get3A_1400 = arith.index_cast %rem3A_883 : i32 to index
        %get3A_1401 = arith.index_cast %get3A_1399 : i32 to index
        %get3A_1402 = arith.constant 0 : index
        %get3A_1403 = tpu.vector_load %arg6[%get3A_1400, %get3A_1401, %get3A_1402] {strides = array<i32>} : memref<8x40x32xbf16, #tpu.memory_space<vmem>>, vector<32xbf16>,
        %unpack3A_1404 = tpu.unpack_subelements %get3A_1403, 0 {pack_format = #tpu.pack_format<interleaved>} : vector<32xbf16> -> vector<16xf32>
        %unpack3A_1405 = tpu.unpack_subelements %get3A_1403, 1 {pack_format = #tpu.pack_format<interleaved>} : vector<32xbf16> -> vector<16xf32>
        %add3A_1406 = arith.addf %add3A_1378, %unpack3A_1404 : vector<16xf32>
        %add3A_1407 = arith.addf %add3A_1379, %unpack3A_1405 : vector<16xf32>
        %swap3A_1408 = arith.constant 37 : i32
        %swap3A_1409 = arith.index_cast %rem3A_883 : i32 to index
        %swap3A_1410 = arith.index_cast %swap3A_1408 : i32 to index
        %swap3A_1411 = arith.constant 0 : index
        %swap3A_1412 = tpu.vector_load %arg6[%swap3A_1409, %swap3A_1410, %swap3A_1411] {strides = array<i32>} : memref<8x40x32xbf16, #tpu.memory_space<vmem>>, vector<32xbf16>,
        tpu.vector_store %arg6[%swap3A_1409, %swap3A_1410, %swap3A_1411], %broadcast_in_dim3A_7 {strides = array<i32>} : memref<8x40x32xbf16, #tpu.memory_space<vmem>>, vector<32xbf16>,
        %get3A_1413 = arith.constant 38 : i32
        %get3A_1414 = arith.index_cast %rem3A_883 : i32 to index
        %get3A_1415 = arith.index_cast %get3A_1413 : i32 to index
        %get3A_1416 = arith.constant 0 : index
        %get3A_1417 = tpu.vector_load %arg6[%get3A_1414, %get3A_1415, %get3A_1416] {strides = array<i32>} : memref<8x40x32xbf16, #tpu.memory_space<vmem>>, vector<32xbf16>,
        %unpack3A_1418 = tpu.unpack_subelements %get3A_1417, 0 {pack_format = #tpu.pack_format<interleaved>} : vector<32xbf16> -> vector<16xf32>
        %unpack3A_1419 = tpu.unpack_subelements %get3A_1417, 1 {pack_format = #tpu.pack_format<interleaved>} : vector<32xbf16> -> vector<16xf32>
        %add3A_1420 = arith.addf %add3A_1392, %unpack3A_1418 : vector<16xf32>
        %add3A_1421 = arith.addf %add3A_1393, %unpack3A_1419 : vector<16xf32>
        %swap3A_1422 = arith.constant 38 : i32
        %swap3A_1423 = arith.index_cast %rem3A_883 : i32 to index
        %swap3A_1424 = arith.index_cast %swap3A_1422 : i32 to index
        %swap3A_1425 = arith.constant 0 : index
        %swap3A_1426 = tpu.vector_load %arg6[%swap3A_1423, %swap3A_1424, %swap3A_1425] {strides = array<i32>} : memref<8x40x32xbf16, #tpu.memory_space<vmem>>, vector<32xbf16>,
        tpu.vector_store %arg6[%swap3A_1423, %swap3A_1424, %swap3A_1425], %broadcast_in_dim3A_7 {strides = array<i32>} : memref<8x40x32xbf16, #tpu.memory_space<vmem>>, vector<32xbf16>,
        %get3A_1427 = arith.constant 39 : i32
        %get3A_1428 = arith.index_cast %rem3A_883 : i32 to index
        %get3A_1429 = arith.index_cast %get3A_1427 : i32 to index
        %get3A_1430 = arith.constant 0 : index
        %get3A_1431 = tpu.vector_load %arg6[%get3A_1428, %get3A_1429, %get3A_1430] {strides = array<i32>} : memref<8x40x32xbf16, #tpu.memory_space<vmem>>, vector<32xbf16>,
        %unpack3A_1432 = tpu.unpack_subelements %get3A_1431, 0 {pack_format = #tpu.pack_format<interleaved>} : vector<32xbf16> -> vector<16xf32>
        %unpack3A_1433 = tpu.unpack_subelements %get3A_1431, 1 {pack_format = #tpu.pack_format<interleaved>} : vector<32xbf16> -> vector<16xf32>
        %add3A_1434 = arith.addf %add3A_1406, %unpack3A_1432 : vector<16xf32>
        %add3A_1435 = arith.addf %add3A_1407, %unpack3A_1433 : vector<16xf32>
        %swap3A_1436 = arith.constant 39 : i32
        %swap3A_1437 = arith.index_cast %rem3A_883 : i32 to index
        %swap3A_1438 = arith.index_cast %swap3A_1436 : i32 to index
        %swap3A_1439 = arith.constant 0 : index
        %swap3A_1440 = tpu.vector_load %arg6[%swap3A_1437, %swap3A_1438, %swap3A_1439] {strides = array<i32>} : memref<8x40x32xbf16, #tpu.memory_space<vmem>>, vector<32xbf16>,
        tpu.vector_store %arg6[%swap3A_1437, %swap3A_1438, %swap3A_1439], %broadcast_in_dim3A_7 {strides = array<i32>} : memref<8x40x32xbf16, #tpu.memory_space<vmem>>, vector<32xbf16>,
        %mul3A_1441 = arith.constant 32 : i32
        %mul3A_1442 = arith.muli %scan3A_765, %mul3A_1441 : i32
        %add3A_1443 = vector.broadcast %mul3A_1442 : i32 to vector<16xi32>
        %add3A_1444 = arith.addi %add3A_1443, %mul3A_735 : vector<16xi32>
        %add3A_1445 = arith.addf %add3A_1420, %add3A_1434 : vector<16xf32>
        tpu.vector_store_idx %arg7[%add3A_1444], %add3A_1445 : memref<1024xf32, #tpu.memory_space<vmem>>[vector<16xi32>], vector<16xf32>,
        %add3A_1446 = arith.constant 1 : i32
        %add3A_1447 = vector.broadcast %add3A_1446 : i32 to vector<16xi32>
        %add3A_1448 = arith.addi %add3A_1444, %add3A_1447 : vector<16xi32>
        %add3A_1449 = arith.addf %add3A_1421, %add3A_1435 : vector<16xf32>
        tpu.vector_store_idx %arg7[%add3A_1448], %add3A_1449 : memref<1024xf32, #tpu.memory_space<vmem>>[vector<16xi32>], vector<16xf32>,
      }
      %scan3A_759 = arith.constant 32 : i32
      %mul3A_760 = arith.constant 32 : i32
      %mul3A_761 = arith.muli %scan3A_742, %mul3A_760 : i32
      %add3A_762 = arith.addi %mul3A_2, %mul3A_761 : i32
      %mul3A_763 = arith.constant 32 : i32
      %mul3A_764 = arith.muli %add3A_762, %mul3A_763 : i32
      "tpu.region"() ({
        %run_scoped3A = tpu.sem_alloc : memref<!tpu.dma_semaphore, #tpu.memory_space<semaphore_mem>>
        %dma_start3A_765 = tpu.memref_slice %arg4[%mul3A_764] : memref<524288xf32, #tpu.memory_space<hbm>> -> memref<1024xf32, #tpu.memory_space<hbm>>
        %dma_start3A_766 = tpu.memref_slice %arg4[%mul3A_764] : memref<524288xf32, #tpu.memory_space<hbm>> -> memref<1024xf32, #tpu.memory_space<hbm>>
        tpu.enqueue_dma source(%arg7 : memref<1024xf32, #tpu.memory_space<vmem>>) target(%dma_start3A_766 : memref<1024xf32, #tpu.memory_space<hbm>>) target_semaphore(%run_scoped3A : memref<!tpu.dma_semaphore, #tpu.memory_space<semaphore_mem>>)
        %dma_wait3A_767 = tpu.memref_slice %arg4[%mul3A_764] : memref<524288xf32, #tpu.memory_space<hbm>> -> memref<1024xf32, #tpu.memory_space<hbm>>
        %dma_wait3A_768 = tpu.memref_slice %arg4[%mul3A_764] : memref<524288xf32, #tpu.memory_space<hbm>> -> memref<1024xf32, #tpu.memory_space<hbm>>
        tpu.wait_dma2 semaphore(%run_scoped3A : memref<!tpu.dma_semaphore, #tpu.memory_space<semaphore_mem>>) src(%arg7 : memref<1024xf32, #tpu.memory_space<vmem>>) dst(%dma_wait3A_768 : memref<1024xf32, #tpu.memory_space<hbm>>)
        tpu.yield
      }) : () -> ()
    }
    %scan3A_741 = arith.constant 16 : i32
    return
  }
}

</mosaic_0001>

<sc_bundles>
// kernel: kernel.3.cloned.1.call-start
scs
__scs_entry_jumppad:
0x0: {  	(pc) =	sbr.rel $0x88, $3  }
0x1: {  	(tag) =	ssettag $0x0;
	lr =	simm.s32 $0x1  }
0x2: {  	[smem:$0x3F9F] =	sst lr;
	_ =	strace $0xD0000000  }
0x3: {  	_ = 	snop  }
0x4: {  	_ = 	snop  }
0x5: {  	_ = 	snop  }
0x6: {  	_ = 	snop  }
0x7: {  	_ = 	snop  }
__scs_overlays_trampoline_lowered:
0x8: {  	[smem:$0x3FAE] =	sst s0  }
0x9: {  	[smem:$0x3FAF] =	sst s1  }
0xa: {  	[smem:$0x3FB0] =	sst s2  }
0xb: {  	[smem:$0x3FB1] =	sst s3  }
0xc: {  	[smem:$0x3FB2] =	sst s4  }
0xd: {  	[smem:$0x3FB3] =	sst s5  }
0xe: {  	[smem:$0x3FB4] =	sst s6  }
0xf: {  	[smem:$0x3FB5] =	sst s7  }
0x10: {  	[smem:$0x3FB6] =	sst s8  }
0x11: {  	[smem:$0x3FB7] =	sst s9;
	s0 =	simm.s32 @!p0 $0x0  }
0x12: {  	s1 =	sld [smem:$0x3F9D];
	s0 =	simm.s32 @p0 $0x1  }
0x13: {  	[smem:$0x3FB8] =	sst s0;
	s0 =	simm.s32 @!p1 $0x0  }
0x14: {  	s2 =	sld [smem:$0x3F9C];
	s0 =	simm.s32 @p1 $0x1  }
0x15: {  	[smem:$0x3FB9] =	sst s0;
	s0 =	simm.s32 @!p2 $0x0  }
0x16: {  	s3 =	sld [smem:$0x3FDB];
	s0 =	simm.s32 @p2 $0x1  }
0x17: {  	s4 =	simm.s32 $0x1BF5;
	[smem:$0x3FBB] =	sst s0  }
0x18: {  	s0 =	sld [smem:$0x3F9E];
	_ =	swait.ge [sflag:s4], $0x0  }
0x19: {  	s7 =	sld [smem:$0x3F9F]  }
0x1a: {  	s8 =	sadd.s32 $0xFFFFE003, lr  }
0x1b: {  	s9 =	sadd.s32 $0xFFFFFEF7, lr;
	s5 =	simm.s32 $0xFFFFFFFF;
	p2 =	slt.u32 s8, $0xFFFFF086  }
0x1c: {  	p1 =	slt.u32 s9, $0xF7A;
	s5 =	simm.s32 @!p2 $0x0  }
0x1d: {  	s5 =	simm.s32 @p1 $0x1;
	p0 =	seq.s32 s7, s2  }
0x1e: {  	s7 =	smul.u32 @!p0 $0xF7A, s2;
	p2 =	seq.s32 @!p0 s5, $0x0  }
0x1f: {  	s9 =	smul.u32 $0xF7A, s1;
	s8 =	simm.s32 @!p0 $0x1BF5;
	p2 =	por !p2, p0  }
0x20: {  	[sflag:s8] =	ssyncset.s32 @!p0 $0xFFFFF086;
	s6 =	sadd.s32 @!p0 s3, s7;
	s7 =	simm.s32 @!p0 $0x108  }
0x21: {  	s3 =	sadd.s32 s3, s9;
	s6 =	sadd.s32 @!p0 $0x88, s6;
	s7 =	simm.s32 @p2 $0x1082  }
0x22: {  	[simem:s7], [sflag:s8] =	dma.local @!p0 [hbm:s6], $0xF7A  }
0x23: {  	s9 =	sor.u32 $0xD0000000, s2;
	s6 =	simm.s32 $0x108;
	_ =	swait.ge @!p0 [sflag:s8], $0x0  }
0x24: {  	s3 =	sadd.s32 $0x88, s3;
	s6 =	simm.s32 @!p1 $0x1082;
	[sflag:s4] =	ssyncset.s32 $0xFFFFF086  }
0x25: {  	[simem:s6], [sflag:s4] =	dma.local [hbm:s3], $0xF7A  }
0x26: {  	[smem:$0x3F9F] =	sst s1;
	(tag) =	ssettag s2;
	_ =	strace s9  }
0x27: {  	s1 =	sld [smem:$0x3FAF]  }
0x28: {  	s2 =	sld [smem:$0x3FB0]  }
0x29: {  	s4 =	sld [smem:$0x3FB2]  }
0x2a: {  	p0 =	seq.s32 s5, $0x0;
	s5 =	sld [smem:$0x3FB3]  }
0x2b: {  	s6 =	sld [smem:$0x3FB4]  }
0x2c: {  	s7 =	sld [smem:$0x3FB5]  }
0x2d: {  	s3 =	simm.s32 $0x108;
	s8 =	sld [smem:$0x3FB6]  }
0x2e: {  	s3 =	simm.s32 @!p0 $0x1082;
	s9 =	sld [smem:$0x3FB7]  }
0x2f: {  	lr =	sadd.s32 s0, s3;
	s0 =	sld [smem:$0x3FAE]  }
0x30: {  	s3 =	sld [smem:$0x3FB1]  }
0x31: {  	[smem:$0x3FBA] =	sst s10  }
0x32: {  	s10 =	sld [smem:$0x3FB8];
	_ =	sdelay $0x3  }
0x33: {  	p0 =	seq.s32 s10, $0x1;
	s10 =	sld [smem:$0x3FBA];
	_ =	sdelay $0x3  }
0x34: {  	[smem:$0x3FBA] =	sst s10  }
0x35: {  	s10 =	sld [smem:$0x3FB9];
	_ =	sdelay $0x3  }
0x36: {  	p1 =	seq.s32 s10, $0x1;
	s10 =	sld [smem:$0x3FBA];
	_ =	sdelay $0x3  }
0x37: {  	[smem:$0x3FBA] =	sst s10  }
0x38: {  	s10 =	sld [smem:$0x3FBB]  }
0x39: {  	_ = 	snop;
	(pc) =	sbr.ind lr, $3  }
0x3a: {  	_ = 	snop  }
0x3b: {  	_ = 	snop  }
0x3c: {  	p2 =	seq.s32 s10, $0x1;
	s10 =	sld [smem:$0x3FBA]  }
0x3d: {  	_ =	shalt  }
0x3e: {  	_ =	shalt  }
0x3f: {  	_ =	shalt  }
0x40: {  	_ =	shalt  }
0x41: {  	_ =	shalt  }
0x42: {  	_ =	shalt  }
0x43: {  	_ =	shalt  }
0x44: {  	_ =	shalt  }
0x45: {  	_ =	shalt  }
0x46: {  	_ =	shalt  }
0x47: {  	_ =	shalt  }
0x48: {  	_ =	shalt  }
0x49: {  	_ =	shalt  }
0x4a: {  	_ =	shalt  }
0x4b: {  	_ =	shalt  }
0x4c: {  	_ =	shalt  }
0x4d: {  	_ =	shalt  }
0x4e: {  	_ =	shalt  }
0x4f: {  	_ =	shalt  }
0x50: {  	_ =	shalt  }
0x51: {  	_ =	shalt  }
0x52: {  	_ =	shalt  }
0x53: {  	_ =	shalt  }
0x54: {  	_ =	shalt  }
0x55: {  	_ =	shalt  }
0x56: {  	_ =	shalt  }
0x57: {  	_ =	shalt  }
0x58: {  	_ =	shalt  }
0x59: {  	_ =	shalt  }
0x5a: {  	_ =	shalt  }
0x5b: {  	_ =	shalt  }
0x5c: {  	_ =	shalt  }
0x5d: {  	_ =	shalt  }
0x5e: {  	_ =	shalt  }
0x5f: {  	_ =	shalt  }
0x60: {  	_ =	shalt  }
0x61: {  	_ =	shalt  }
0x62: {  	_ =	shalt  }
0x63: {  	_ =	shalt  }
0x64: {  	_ =	shalt  }
0x65: {  	_ =	shalt  }
0x66: {  	_ =	shalt  }
0x67: {  	_ =	shalt  }
0x68: {  	_ =	shalt  }
0x69: {  	_ =	shalt  }
0x6a: {  	_ =	shalt  }
0x6b: {  	_ =	shalt  }
0x6c: {  	_ =	shalt  }
0x6d: {  	_ =	shalt  }
0x6e: {  	_ =	shalt  }
0x6f: {  	_ =	shalt  }
0x70: {  	_ =	shalt  }
0x71: {  	_ =	shalt  }
0x72: {  	_ =	shalt  }
0x73: {  	_ =	shalt  }
0x74: {  	_ =	shalt  }
0x75: {  	_ =	shalt  }
0x76: {  	_ =	shalt  }
0x77: {  	_ =	shalt  }
0x78: {  	_ =	shalt  }
0x79: {  	_ =	shalt  }
0x7a: {  	_ =	shalt  }
0x7b: {  	_ =	shalt  }
0x7c: {  	_ =	shalt  }
0x7d: {  	_ =	shalt  }
0x7e: {  	_ =	shalt  }
0x7f: {  	_ =	shalt  }
0x80: {  	_ =	shalt  }
0x81: {  	_ =	shalt  }
0x82: {  	_ =	shalt  }
0x83: {  	_ =	shalt  }
0x84: {  	_ =	shalt  }
0x85: {  	_ =	shalt  }
0x86: {  	_ =	shalt  }
0x87: {  	_ =	shalt  }
.Lfunc_end0:
.L_simem_size_0:
called_computation_lowered:
.L_overlay_start_0:
0x88: {  	s2 =	sld [smem:$0x3FD9]  }
0x89: {  	s3 =	sld [smem:$0x3FFE];
	_ =	sdelay $0x1  }
0x8a: {  	s1 =	srdreg.scid  }
0x8b: {  	s0 =	sand.u32 $0x1, s1  }
0x8c: {  	s17 =	sshll.u32 s0, $0xA;
	s2 =	sadd.s32 s3, s2  }
0x8d: {  	s2 =	sadd.s32 s2, s17  }
0x8e: {  	[smem:$0x3FC6] =	sst s2  }
0x8f: {  	_ = 	snop  }
0x90: {  	s2 =	sld [smem:$0x3FD0];
	(tm) =	ssettm $0x1  }
0x91: {  	s18 =	sld [smem:$0x3FFB];
	_ =	sdelay $0x3  }
0x92: {  	_ =	strace s18  }
0x93: {  	s3 =	sld [smem:$0x3FFC];
	_ =	sdelay $0x3  }
0x94: {  	_ =	strace s3  }
0x95: {  	s3 =	sld [smem:$0x3FFD];
	_ =	sdelay $0x3  }
0x96: {  	_ =	strace s3  }
0x97: {  	_ =	strace $0x8FFFFFFF  }
0x98: {  	s19 =	sld [smem:$0x3FDB];
	_ =	sdelay $0x1  }
0x99: {  	s4 =	simm.s32 $_scs_section_size  }
0x9a: {  	s5 =	simm.s32 $_size__tile_overlayer_lowered;
	s6 =	simm.s32 $_tile_overlayer_lowered  }
0x9b: {  	s22 =	simm.s32 $0x1BFF;
	s21 =	sshll.u32 s6, $0x1;
	s3 =	sadd.s32 s4, s19  }
0x9c: {  	s7 =	simm.s32 $0x0;
	s20 =	sshll.u32 s5, $0x1;
	s5 =	sadd.s32 s21, s3  }
0x9d: {  	[timem:s7], [sflag:s22] =	dma.local [hbm:s5], s20  }
0x9e: {  	_ =	swait.ge [sflag:s22], s20  }
0x9f: {  	s4 =	ssub.s32 $0x0, s20;
	[sflag:s22] =	ssyncset.done $0x0  }
0xa0: {  	[sflag:s22] =	ssyncadd.s32 s4;
	_ =	sdelay $0x1  }
0xa1: {  	s23 =	simm.s32 $0x1B8B  }
0xa2: {  	_ =	swait.ge [sflag:s23], $0x1  }
0xa3: {  	[sflag:s23] =	ssyncset.done $0x0  }
0xa4: {  	s25 =	simm.s32 $0x1B8E;
	s24 =	sld [smem:$0x3FFE];
	[sflag:s23] =	ssyncadd.s32 $0xFFFFFFFF  }
0xa5: {  	s26 =	simm.s32 $execute0_lowered;
	[smem:$0x3FD2] =	sst s25  }
0xa6: {  	s5 =	sshll.u32 s26, $0x1;
	_ =	strace $0x80000046;
	[dreg:$0x1] =	wrdreg $0xFFFFFFFF  }
0xa7: {  	s28 =	simm.s32 $_size_execute0_lowered;
	s3 =	sadd.s32 s3, s5;
	[dreg:$0x0] =	wrdreg $0x0  }
0xa8: {  	s5 =	sshll.u32 s28, $0x1;
	[dreg:$0x2] =	wrdreg s3  }
0xa9: {  	[dreg:$0x3] =	wrdreg s5  }
0xaa: {  	[dreg:$0x4] =	wrdreg $0xC0  }
0xab: {  	_ =	task [dreg:s7], $0x5FFFF  }
0xac: {  	[dreg:$0x1] =	wrdreg $0xFFFFFFFF  }
0xad: {  	[dreg:$0x0] =	wrdreg $0x60  }
0xae: {  	[dreg:$0x2] =	wrdreg s24  }
0xaf: {  	[dreg:$0x3] =	wrdreg s2  }
0xb0: {  	[dreg:$0x4] =	wrdreg $0x63000  }
0xb1: {  	[dreg:$0x5] =	wrdreg $0x9  }
0xb2: {  	_ =	task.clear_ibuf [dreg:s7], $0x6FFFF;
	_ =	strace $0x90000046  }
0xb3: {  	s29 =	simm.s32 $0x9;
	_ =	strace $0x80000048  }
0xb4: {  	_ =	swait.ge [sflag:s29], $0x1  }
0xb5: {  	[sflag:s29] =	ssyncadd.s32 $0xFFFFFFFF  }
0xb6: {  	_ =	strace $0x90000048  }
0xb7: {  	_ =	sfence  }
0xb8: {  	s30 =	sld [smem:$0x0];
	_ =	sdelay $0x2  }
0xb9: {  	s31 =	sshll.u32 s1, $0xD;
	s1 =	sshrl.u32 s1, $0x2  }
0xba: {  	s3 =	sand.u32 $0x4000, s31;
	s1 =	sadd.s32 s1, s30  }
0xbb: {  	s0 =	sor.u32 s3, s0;
	s1 =	sshll.u32 s1, $0x11  }
0xbc: {  	s0 =	sor.u32 s1, s0  }
0xbd: {  	s0 =	sadd.s32 $0x8F2B, s0  }
0xbe: {  	[sflag:s0] =	ssyncadd.remote.s32 $0x1  }
0xbf: {  	_ =	sfence.sel $0xFFFF  }
0xc0: {  	[dreg:$0x0] =	wrdreg $0xFFFFFFFF;
	(pc) =	sbr.abs _section_cstart, $3  }
0xc1: {  	[dreg:$0x1] =	wrdreg $0xFFFFFFFF  }
0xc2: {  	_ =	task.clear_ibuf [dreg:s7], $0x2FFFF;
	_ =	strace $0x9FFFFFFF  }
0xc3: {  	(tm) =	ssettm $0x7FFFFFFF  }
tec
execute0_lowered:
.L_overlay_start_1:
0x0: {  	(tag) =	ssettag $0x1  }
0x1: {  	s0 =	rddreg [dreg:$0x0]  }
0x2: {  	s1 =	rddreg [dreg:$0x1]  }
0x3: {  	s2 =	rddreg [dreg:$0x2];
	s3 =	simm.s32 $0x0;
	s13 =	stileid.u32  }
0x4: {  	s4 =	srdreg.scid;
	s14 =	simm.s32 $0x2;
	s16 =	simm.s32 $0x28  }
0x5: {  	s17 =	simm.s32 $0x4B00;
	s29 =	simm.s32 $0x5000;
	s18 =	simm.s32 $0x5280  }
0x6: {  	s15 =	simm.s32 $0x5F00;
	s19 =	simm.s32 $0x0;
	[smem:$0x7FF] =	sst s3  }
0x7: {  	s6 =	smul.u32 $0x30D40, s13;
	s5 =	sand.u32 $0x1, s4;
	s4 =	sadd.s32 $0x32200, s0  }
0x8: {  	s10 =	sshll.u32 s13, $0x1;
	s23 =	sshll.u32 s13, $0x6;
	s13 =	simm.s32 $0x3  }
0x9: {  	_ =	strace $0x80000047;
	s7 =	ssub.s32 $0x2, s5;
	s21 =	sor.u32 s5, s10  }
0xa: {  	s24 =	sor.u32 $0x1C03, s23;
	s8 =	sshrl.u32 s6, $0x4;
	s9 =	sshrl.u32 s7, $0x1  }
0xb: {  	s5 =	sshll.u32 s21, $0x9;
	s6 =	sshrl.u32 s6, $0x1;
	s22 =	smul.u32 $0x19000, s21  }
0xc: {  	s10 =	smul.u32 $0x3200, s21;
	[dreg:$0x5] =	wrdreg s24;
	s28 =	sshll.u32 s21, $0xB  }
0xd: {  	s24 =	simm.s32 $0x5A00;
	s0 =	sadd.s32 s8, s0;
	s11 =	ssub.s32 s7, s9  }
0xe: {  	s12 =	sadd.s32 s6, s2;
	s0 =	sadd.s32 $0x1400, s0;
	s25 =	sshrl.u32 s22, $0x3  }
0xf: {  	v0 =	vlaneseq.u32;
	s26 =	sadd.s32 s4, s10;
	s10 =	sadd.s32 s1, s28;
	[dreg:$0x4] =	wrdreg s0  }
0x10: {  	v1 =	vand.u32 $0x3, v0;
	s30 =	smax.u32 s11, $0x1;
	s31 =	sshrl.u32 s12, $0x3;
	[dreg:$0x6] =	wrdreg s26  }
0x11: {  	v0 =	vmul.u32 $0x2, v0;
	v2 =	vmul.u32 $0x2, v1;
	s22 =	simm.s32 $0x4D80;
	s0 =	sadd.s32 s4, s25;
	[dreg:$0x8] =	wrdreg s30  }
0x12: {  	s1 =	simm.s32 $0x5780;
	[dreg:$0x9] =	wrdreg s31;
	s0 =	sadd.s32 $0x320, s0  }
0x13: {  	v1 =	vimm.bf16 $0.0e+00;
	v3 =	vor.u32 $0x1, v0;
	v2 =	vor.u32 $0xFFFFFFF8, v2;
	s25 =	simm.s32 $0x5500;
	[dreg:$0x7] =	wrdreg s0;
	s0 =	simm.s32 $0x1  }
.LBB2_1:
0x14: {  	s6 =	rddreg [dreg:$0x4]  }
0x15: {  	s7 =	rddreg [dreg:$0x5]  }
0x16: {  	s8 =	rddreg [dreg:$0x9]  }
0x17: {  	[spmem:s8], [sflag:s7] =	dma.local [hbm:s6], $0x30D4  }
0x18: {  	_ =	swait.ge [sflag:s13], $0x30D4  }
0x19: {  	[sflag:s13] =	ssyncset.done $0x0  }
0x1a: {  	s20 =	simm.s32 $0xFFFFFD80;
	s21 =	simm.s32 $0xFFFFF640;
	[sflag:s13] =	ssyncadd.s32 $0xFFFFCF2C  }
.LBB2_2:
0x1b: {  	p0 =	sne.s32 s21, $0xFFFFFFC0;
	[tilespmem:s20+$0x5F00] =	vst v1  }
0x1c: {  	[tilespmem:s20+$0x4D80] =	vst v1  }
0x1d: {  	[tilespmem:s20+$0x5000] =	vst v1  }
.Ltmp0:
0x1e: {  	[tilespmem:s20+$0x5280] =	vst v1;
	(pc) =	sbr.rel @p0 .LBB2_2-.Ltmp0, $4  }
0x1f: {  	[tilespmem:s20+$0x5500] =	vst v1  }
0x20: {  	[tilespmem:s20+$0x5780] =	vst v1  }
0x21: {  	[tilespmem:s20+$0x5A00] =	vst v1  }
0x22: {  	[tilespmem:s20+$0x5C80] =	vst v1;
	s20 =	sshra.s32 s21, $0x2;
	s21 =	sadd.s32 $0x40, s21  }
0x23: {  	[tilespmem:s20+$0x5F00] =	vst v1  }
0x24: {  	[tilespmem:s20+$0x4D80] =	vst v1  }
0x25: {  	[tilespmem:s20+$0x5000] =	vst v1  }
0x26: {  	[tilespmem:s20+$0x5280] =	vst v1  }
0x27: {  	[tilespmem:s20+$0x5500] =	vst v1  }
0x28: {  	[tilespmem:s20+$0x5780] =	vst v1  }
0x29: {  	[tilespmem:s20+$0x5A00] =	vst v1  }
0x2a: {  	[tilespmem:s20+$0x5C80] =	vst v1  }
0x2b: {  	[bflag:$0x0] =	sbarrier.arrive $0xFFFF  }
0x2c: {  	s20 =	simm.s32 $0x0;
	s6 =	rddreg [dreg:$0x6]  }
0x2d: {  	[tilespmem:s20], [sflag:$0x2] =	stream.linear.gather [hbm4b:s6+s20], $0x1900, $0x38;
	[tilespmem:$0x1E9A0] =	vst v63  }
0x2e: {  	_ =	swait.ge [sflag:s14], $0x1900  }
0x2f: {  	[sflag:s14] =	ssyncset.done $0x0  }
0x30: {  	s7 =	simm.s32 $0x1900;
	s31 =	rddreg [dreg:$0x7];
	[sflag:s14] =	ssyncadd.s32 $0xFFFFE700  }
0x31: {  	[tilespmem:s7], [sflag:$0x2] =	stream.linear.gather [hbm4b:s31+s20], $0x1900, $0x38;
	[tilespmem:$0x1E9A0] =	vst v63  }
0x32: {  	_ = 	snop  }
0x33: {  	[tilespmem:s17], [sflag:$0x1] =	stream.indirect.gather.add.bf16 [spmem:s2], $0x10, s20, s16, $0xb8;
	[tilespmem:$0x1E9A0] =	vst v63  }
0x34: {  	_ = 	snop  }
0x35: {  	[tilespmem:s17], [sflag:$0x1] =	stream.indirect.gather.add.bf16 [spmem:s2], $0x10, s16, s16, $0xb8;
	[tilespmem:$0x1E9A0] =	vst v63  }
0x36: {  	s7 =	simm.s32 $0x50  }
0x37: {  	[tilespmem:s17], [sflag:$0x1] =	stream.indirect.gather.add.bf16 [spmem:s2], $0x10, s7, s16, $0xb8;
	[tilespmem:$0x1E9A0] =	vst v63  }
0x38: {  	s8 =	simm.s32 $0x78  }
0x39: {  	[tilespmem:s17], [sflag:$0x1] =	stream.indirect.gather.add.bf16 [spmem:s2], $0x10, s8, s16, $0xb8;
	[tilespmem:$0x1E9A0] =	vst v63  }
0x3a: {  	s9 =	simm.s32 $0xA0  }
0x3b: {  	[tilespmem:s17], [sflag:$0x1] =	stream.indirect.gather.add.bf16 [spmem:s2], $0x10, s9, s16, $0xb8;
	[tilespmem:$0x1E9A0] =	vst v63  }
0x3c: {  	s11 =	simm.s32 $0xC8  }
0x3d: {  	[tilespmem:s22], [sflag:$0x1] =	stream.indirect.gather.add.bf16 [spmem:s2], $0x10, s11, s16, $0xb8;
	[tilespmem:$0x1E9A0] =	vst v63  }
0x3e: {  	s12 =	simm.s32 $0xF0  }
0x3f: {  	[tilespmem:s22], [sflag:$0x1] =	stream.indirect.gather.add.bf16 [spmem:s2], $0x10, s12, s16, $0xb8;
	[tilespmem:$0x1E9A0] =	vst v63  }
0x40: {  	s21 =	simm.s32 $0x118  }
0x41: {  	[tilespmem:s22], [sflag:$0x1] =	stream.indirect.gather.add.bf16 [spmem:s2], $0x10, s21, s16, $0xb8;
	[tilespmem:$0x1E9A0] =	vst v63  }
0x42: {  	s23 =	simm.s32 $0x140  }
0x43: {  	[tilespmem:s22], [sflag:$0x1] =	stream.indirect.gather.add.bf16 [spmem:s2], $0x10, s23, s16, $0xb8;
	[tilespmem:$0x1E9A0] =	vst v63  }
0x44: {  	s26 =	simm.s32 $0x168  }
0x45: {  	[tilespmem:s22], [sflag:$0x1] =	stream.indirect.gather.add.bf16 [spmem:s2], $0x10, s26, s16, $0xb8;
	[tilespmem:$0x1E9A0] =	vst v63  }
0x46: {  	s28 =	simm.s32 $0x190  }
0x47: {  	[tilespmem:s29], [sflag:$0x1] =	stream.indirect.gather.add.bf16 [spmem:s2], $0x10, s28, s16, $0xb8;
	[tilespmem:$0x1E9A0] =	vst v63  }
0x48: {  	s30 =	simm.s32 $0x1B8  }
0x49: {  	[tilespmem:s29], [sflag:$0x1] =	stream.indirect.gather.add.bf16 [spmem:s2], $0x10, s30, s16, $0xb8;
	[tilespmem:$0x1E9A0] =	vst v63  }
0x4a: {  	s31 =	simm.s32 $0x1E0  }
0x4b: {  	[tilespmem:s29], [sflag:$0x1] =	stream.indirect.gather.add.bf16 [spmem:s2], $0x10, s31, s16, $0xb8;
	[tilespmem:$0x1E9A0] =	vst v63  }
0x4c: {  	s7 =	simm.s32 $0x208  }
0x4d: {  	[tilespmem:s29], [sflag:$0x1] =	stream.indirect.gather.add.bf16 [spmem:s2], $0x10, s7, s16, $0xb8;
	[tilespmem:$0x1E9A0] =	vst v63  }
0x4e: {  	s8 =	simm.s32 $0x230  }
0x4f: {  	[tilespmem:s29], [sflag:$0x1] =	stream.indirect.gather.add.bf16 [spmem:s2], $0x10, s8, s16, $0xb8;
	[tilespmem:$0x1E9A0] =	vst v63  }
0x50: {  	s9 =	simm.s32 $0x258  }
0x51: {  	[tilespmem:s18], [sflag:$0x1] =	stream.indirect.gather.add.bf16 [spmem:s2], $0x10, s9, s16, $0xb8;
	[tilespmem:$0x1E9A0] =	vst v63  }
0x52: {  	s11 =	simm.s32 $0x280  }
0x53: {  	[tilespmem:s18], [sflag:$0x1] =	stream.indirect.gather.add.bf16 [spmem:s2], $0x10, s11, s16, $0xb8;
	[tilespmem:$0x1E9A0] =	vst v63  }
0x54: {  	s12 =	simm.s32 $0x2A8  }
0x55: {  	[tilespmem:s18], [sflag:$0x1] =	stream.indirect.gather.add.bf16 [spmem:s2], $0x10, s12, s16, $0xb8;
	[tilespmem:$0x1E9A0] =	vst v63  }
0x56: {  	s21 =	simm.s32 $0x2D0  }
0x57: {  	[tilespmem:s18], [sflag:$0x1] =	stream.indirect.gather.add.bf16 [spmem:s2], $0x10, s21, s16, $0xb8;
	[tilespmem:$0x1E9A0] =	vst v63  }
0x58: {  	s23 =	simm.s32 $0x2F8  }
0x59: {  	[tilespmem:s18], [sflag:$0x1] =	stream.indirect.gather.add.bf16 [spmem:s2], $0x10, s23, s16, $0xb8;
	[tilespmem:$0x1E9A0] =	vst v63  }
0x5a: {  	s26 =	simm.s32 $0x320  }
0x5b: {  	[tilespmem:s25], [sflag:$0x1] =	stream.indirect.gather.add.bf16 [spmem:s2], $0x10, s26, s16, $0xb8;
	[tilespmem:$0x1E9A0] =	vst v63  }
0x5c: {  	s28 =	simm.s32 $0x348  }
0x5d: {  	[tilespmem:s25], [sflag:$0x1] =	stream.indirect.gather.add.bf16 [spmem:s2], $0x10, s28, s16, $0xb8;
	[tilespmem:$0x1E9A0] =	vst v63  }
0x5e: {  	s30 =	simm.s32 $0x370  }
0x5f: {  	[tilespmem:s25], [sflag:$0x1] =	stream.indirect.gather.add.bf16 [spmem:s2], $0x10, s30, s16, $0xb8;
	[tilespmem:$0x1E9A0] =	vst v63  }
0x60: {  	s31 =	simm.s32 $0x398  }
0x61: {  	[tilespmem:s25], [sflag:$0x1] =	stream.indirect.gather.add.bf16 [spmem:s2], $0x10, s31, s16, $0xb8;
	[tilespmem:$0x1E9A0] =	vst v63  }
0x62: {  	s7 =	simm.s32 $0x3C0  }
0x63: {  	[tilespmem:s25], [sflag:$0x1] =	stream.indirect.gather.add.bf16 [spmem:s2], $0x10, s7, s16, $0xb8;
	[tilespmem:$0x1E9A0] =	vst v63  }
0x64: {  	s8 =	simm.s32 $0x3E8  }
0x65: {  	[tilespmem:s1], [sflag:$0x1] =	stream.indirect.gather.add.bf16 [spmem:s2], $0x10, s8, s16, $0xb8;
	[tilespmem:$0x1E9A0] =	vst v63  }
0x66: {  	s9 =	simm.s32 $0x410  }
0x67: {  	[tilespmem:s1], [sflag:$0x1] =	stream.indirect.gather.add.bf16 [spmem:s2], $0x10, s9, s16, $0xb8;
	[tilespmem:$0x1E9A0] =	vst v63  }
0x68: {  	s11 =	simm.s32 $0x438  }
0x69: {  	[tilespmem:s1], [sflag:$0x1] =	stream.indirect.gather.add.bf16 [spmem:s2], $0x10, s11, s16, $0xb8;
	[tilespmem:$0x1E9A0] =	vst v63  }
0x6a: {  	s12 =	simm.s32 $0x460  }
0x6b: {  	[tilespmem:s1], [sflag:$0x1] =	stream.indirect.gather.add.bf16 [spmem:s2], $0x10, s12, s16, $0xb8;
	[tilespmem:$0x1E9A0] =	vst v63  }
0x6c: {  	s21 =	simm.s32 $0x488  }
0x6d: {  	[tilespmem:s1], [sflag:$0x1] =	stream.indirect.gather.add.bf16 [spmem:s2], $0x10, s21, s16, $0xb8;
	[tilespmem:$0x1E9A0] =	vst v63  }
0x6e: {  	s23 =	simm.s32 $0x4B0  }
0x6f: {  	[tilespmem:s24], [sflag:$0x1] =	stream.indirect.gather.add.bf16 [spmem:s2], $0x10, s23, s16, $0xb8;
	[tilespmem:$0x1E9A0] =	vst v63  }
0x70: {  	s26 =	simm.s32 $0x4D8  }
0x71: {  	[tilespmem:s24], [sflag:$0x1] =	stream.indirect.gather.add.bf16 [spmem:s2], $0x10, s26, s16, $0xb8;
	[tilespmem:$0x1E9A0] =	vst v63  }
0x72: {  	s28 =	simm.s32 $0x500  }
0x73: {  	[tilespmem:s24], [sflag:$0x1] =	stream.indirect.gather.add.bf16 [spmem:s2], $0x10, s28, s16, $0xb8;
	[tilespmem:$0x1E9A0] =	vst v63  }
0x74: {  	s30 =	simm.s32 $0x528  }
0x75: {  	[tilespmem:s24], [sflag:$0x1] =	stream.indirect.gather.add.bf16 [spmem:s2], $0x10, s30, s16, $0xb8;
	[tilespmem:$0x1E9A0] =	vst v63  }
0x76: {  	s31 =	simm.s32 $0x550;
	s21 =	simm.s32 $0x0;
	s23 =	simm.s32 $0x0  }
0x77: {  	[tilespmem:s24], [sflag:$0x1] =	stream.indirect.gather.add.bf16 [spmem:s2], $0x10, s31, s16, $0xb8;
	[tilespmem:$0x1E9A0] =	vst v63  }
.LBB2_4:
0x78: {  	p2 =	seq.s32 s23, $0xF  }
0x79: {  	p0 =	sgt.u32 @!p2 s23, $0xD  }
0x7a: {  	s30 =	sadd.s32 $0x0, s21;
	p1 =	por p0, p2  }
0x7b: {  	p0 =	sgt.u32 s30, $0x1F8;
	s26 =	sadd.s32 @!p1 $0x2, s23  }
0x7c: {  	s30 =	sadd.s32 @!p0 $0x0, s21;
	s28 =	smul.u32 @!p1 $0xAB, s26  }
0x7d: {  	s30 =	sadd.s32 @!p0 $0x7, s30  }
0x7e: {  	s31 =	sshrl.u32 @!p0 s30, $0x5;
	s28 =	sshrl.u32 @!p1 s28, $0x9  }
0x7f: {  	s6 =	smul.u32 @!p0 $0xAB, s31;
	s28 =	sand.u32 @!p1 $0x7F, s28  }
0x80: {  	s28 =	smul.u32 @!p1 $0x3, s28  }
0x81: {  	s7 =	simm.s32 @!p2 $0x2;
	s6 =	sshrl.u32 @!p0 s6, $0x9  }
0x82: {  	_ =	swait.ge @!p2 [sflag:s7], $0x1900;
	s6 =	sand.u32 @!p0 $0x7F, s6;
	s28 =	ssub.s32 @!p1 s26, s28  }
0x83: {  	s26 =	sshll.u32 @!p1 s26, $0x5;
	s6 =	smul.u32 @!p0 $0x3, s6;
	s28 =	sand.u32 @!p1 $0xFF, s28  }
0x84: {  	[sflag:s7] =	ssyncset.done @!p2 $0x0;
	s26 =	sadd.s32 @!p1 s5, s26;
	s28 =	smul.u32 @!p1 $0x6400, s28  }
0x85: {  	[sflag:s7] =	ssyncadd.s32 @!p2 $0xFFFFE700;
	s7 =	smul.u32 @!p1 $0x19, s26;
	s26 =	sand.u32 @!p0 $0x7, s30  }
0x86: {  	s30 =	sand.u32 @!p0 $0x1F, s30;
	s6 =	ssub.s32 @!p0 s31, s6;
	s26 =	smul.u32 @!p0 $0xA00, s26  }
0x87: {  	s31 =	simm.s32 @!p1 $0x0;
	s30 =	smul.u32 @!p0 $0x320, s30;
	s6 =	sand.u32 @!p0 $0xFF, s6  }
0x88: {  	s28 =	sshrl.u32 @!p1 s28, $0x2;
	s7 =	sadd.s32 @!p1 s4, s7;
	s6 =	smul.u32 @!p0 $0x6400, s6  }
0x89: {  	[tilespmem:s28], [sflag:$0x2] =	stream.linear.gather @!p1 [hbm4b:s7+s31], $0x1900, $0x38;
	[tilespmem:$0x1E9A0] =	vst v63  }
0x8a: {  	s7 =	sshrl.u32 @!p0 s26, $0x2;
	s26 =	sshrl.u32 @!p0 s30, $0x2;
	s6 =	sshrl.u32 @!p0 s6, $0x2  }
0x8b: {  	s7 =	sadd.s32 @!p0 $0x4B00, s7;
	s6 =	sadd.s32 @!p0 s26, s6;
	s26 =	simm.s32 @!p0 $0x28  }
0x8c: {  	[tilespmem:s7], [sflag:$0x1] =	stream.indirect.gather.add.bf16 @!p0 [spmem:s2], $0x10, s6, s26, $0xb8;
	[tilespmem:$0x1E9A0] =	vst v63  }
0x8d: {  	s28 =	sadd.s32 @!p0 $0x28, s6  }
0x8e: {  	[tilespmem:s7], [sflag:$0x1] =	stream.indirect.gather.add.bf16 @!p0 [spmem:s2], $0x10, s28, s26, $0xb8;
	[tilespmem:$0x1E9A0] =	vst v63  }
0x8f: {  	s28 =	sadd.s32 @!p0 $0x50, s6  }
0x90: {  	[tilespmem:s7], [sflag:$0x1] =	stream.indirect.gather.add.bf16 @!p0 [spmem:s2], $0x10, s28, s26, $0xb8;
	[tilespmem:$0x1E9A0] =	vst v63  }
0x91: {  	s28 =	sadd.s32 @!p0 $0x78, s6  }
0x92: {  	[tilespmem:s7], [sflag:$0x1] =	stream.indirect.gather.add.bf16 @!p0 [spmem:s2], $0x10, s28, s26, $0xb8;
	[tilespmem:$0x1E9A0] =	vst v63  }
0x93: {  	s6 =	sadd.s32 @!p0 $0xA0, s6  }
0x94: {  	[tilespmem:s7], [sflag:$0x1] =	stream.indirect.gather.add.bf16 @!p0 [spmem:s2], $0x10, s6, s26, $0xb8;
	[tilespmem:$0x1E9A0] =	vst v63  }
0x95: {  	_ =	swait.ge [sflag:s0], $0x280  }
0x96: {  	[sflag:s0] =	ssyncset.done $0x0  }
0x97: {  	[sflag:s0] =	ssyncadd.s32 $0xFFFFFD80  }
0x98: {  	_ =	swait.ge [sflag:s0], $0x280  }
0x99: {  	[sflag:s0] =	ssyncset.done $0x0  }
0x9a: {  	[sflag:s0] =	ssyncadd.s32 $0xFFFFFD80  }
0x9b: {  	_ =	swait.ge [sflag:s0], $0x280  }
0x9c: {  	[sflag:s0] =	ssyncset.done $0x0  }
0x9d: {  	[sflag:s0] =	ssyncadd.s32 $0xFFFFFD80  }
0x9e: {  	_ =	swait.ge [sflag:s0], $0x280  }
0x9f: {  	[sflag:s0] =	ssyncset.done $0x0  }
0xa0: {  	s31 =	sand.u32 $0x7, s20;
	[sflag:s0] =	ssyncadd.s32 $0xFFFFFD80  }
0xa1: {  	s6 =	smul.u32 $0xA00, s31;
	_ =	swait.ge [sflag:s0], $0x280  }
0xa2: {  	[sflag:s0] =	ssyncset.done $0x0  }
0xa3: {  	s30 =	sshrl.u32 s6, $0x2;
	[sflag:s0] =	ssyncadd.s32 $0xFFFFFD80  }
0xa4: {  	v5 =	vld [tilespmem:s30+$0x4B50]  }
0xa5: {  	v6 =	vld [tilespmem:s30+$0x4B40]  }
0xa6: {  	v7 =	vld [tilespmem:s30+$0x4B20]  }
0xa7: {  	v8 =	vld [tilespmem:s30+$0x4B30]  }
0xa8: {  	v9 =	vld [tilespmem:s30+$0x4B00]  }
0xa9: {  	v10 =	vld [tilespmem:s30+$0x4B10]  }
0xaa: {  	v11 =	vld [tilespmem:s30+$0x4B60]  }
0xab: {  	v12 =	vld [tilespmem:s30+$0x4B70]  }
0xac: {  	v18 =	vld [tilespmem:s30+$0x4B90]  }
0xad: {  	v4 =	vor.u32 s20, v0;
	[tilespmem:s30+$0x4B50] =	vst v1;
	v25 =	vld [tilespmem:s30+$0x4BC0];
	v13 =	vunpack.i.l.bf16.f32 v7;
	v14 =	vunpack.i.u.bf16.f32 v8  }
0xae: {  	[tilespmem:s30+$0x4B40] =	vst v1;
	v29 =	vld [tilespmem:s30+$0x4C00];
	v16 =	vunpack.i.u.bf16.f32 v9;
	v9 =	vunpack.i.l.bf16.f32 v9;
	v17 =	vunpack.i.u.bf16.f32 v6  }
0xaf: {  	[tilespmem:s30+$0x4B20] =	vst v1;
	v19 =	vunpack.i.l.bf16.f32 v10;
	v7 =	vunpack.i.u.bf16.f32 v7;
	v6 =	vunpack.i.l.bf16.f32 v6  }
0xb0: {  	v15 =	vld [tilespmem:s30+$0x4B80];
	[tilespmem:s30+$0x4B30] =	vst v1;
	v21 =	vunpack.i.u.bf16.f32 v5;
	v8 =	vunpack.i.l.bf16.f32 v8;
	v23 =	vunpack.i.u.bf16.f32 v12  }
0xb1: {  	v22 =	vld [tilespmem:s30+$0x4BA0];
	[tilespmem:s30+$0x4B00] =	vst v1;
	v5 =	vunpack.i.l.bf16.f32 v5;
	v26 =	vunpack.i.l.bf16.f32 v11;
	v12 =	vunpack.i.l.bf16.f32 v12  }
0xb2: {  	[tilespmem:s30+$0x4B10] =	vst v1;
	v27 =	vunpack.i.l.bf16.f32 v18;
	v30 =	vunpack.i.l.bf16.f32 v25;
	v10 =	vunpack.i.u.bf16.f32 v10  }
0xb3: {  	v20 =	vld [tilespmem:s30+$0x4BB0];
	[tilespmem:s30+$0x4B60] =	vst v1;
	v32 =	vunpack.i.l.bf16.f32 v29;
	v16 =	vadd.f32 $0.0e+00, v16;
	v19 =	vadd.f32 $0.0e+00, v19  }
0xb4: {  	v24 =	vld [tilespmem:s30+$0x4BD0];
	[tilespmem:s30+$0x4B70] =	vst v1;
	v25 =	vunpack.i.u.bf16.f32 v25;
	v9 =	vadd.f32 $0.0e+00, v9;
	v10 =	vadd.f32 $0.0e+00, v10  }
0xb5: {  	[tilespmem:s30+$0x4B80] =	vst v1;
	v31 =	vld [tilespmem:s30+$0x4C30];
	v8 =	vadd.f32 v8, v19;
	v19 =	vunpack.i.l.bf16.f32 v15;
	v7 =	vadd.f32 v7, v16  }
0xb6: {  	[tilespmem:s30+$0x4B90] =	vst v1;
	v35 =	vld [tilespmem:s30+$0x4C70];
	v9 =	vadd.f32 v13, v9;
	v13 =	vunpack.i.u.bf16.f32 v18;
	v16 =	vunpack.i.u.bf16.f32 v22  }
0xb7: {  	[tilespmem:s30+$0x4BB0] =	vst v1;
	v18 =	vld [tilespmem:s30+$0x4C10];
	v10 =	vadd.f32 v14, v10;
	v5 =	vadd.f32 v5, v8;
	v8 =	vunpack.i.u.bf16.f32 v11  }
0xb8: {  	v28 =	vld [tilespmem:s30+$0x4BF0];
	[tilespmem:s30+$0x4BA0] =	vst v1;
	v7 =	vadd.f32 v17, v7;
	v17 =	vunpack.i.u.bf16.f32 v20;
	v6 =	vadd.f32 v6, v9  }
0xb9: {  	[tilespmem:s30+$0x4BD0] =	vst v1;
	v37 =	vld [tilespmem:s30+$0x4CA0];
	v9 =	vunpack.i.l.bf16.f32 v22;
	v10 =	vadd.f32 v21, v10;
	v5 =	vadd.f32 v12, v5  }
0xba: {  	[tilespmem:s30+$0x4BC0] =	vst v1;
	v22 =	vld [tilespmem:s30+$0x4C20];
	v12 =	vunpack.i.u.bf16.f32 v15;
	v15 =	vunpack.i.u.bf16.f32 v24;
	v7 =	vadd.f32 v8, v7  }
0xbb: {  	[tilespmem:s30+$0x4BF0] =	vst v1;
	v11 =	vld [tilespmem:s30+$0x4BE0];
	v8 =	vunpack.i.l.bf16.f32 v20;
	v6 =	vadd.f32 v26, v6;
	v26 =	vunpack.i.u.bf16.f32 v31  }
0xbc: {  	[tilespmem:s30+$0x4C00] =	vst v1;
	v10 =	vadd.f32 v23, v10;
	v23 =	vunpack.i.u.bf16.f32 v35;
	v34 =	vunpack.i.u.bf16.f32 v18  }
0xbd: {  	[tilespmem:s30+$0x4C30] =	vst v1;
	v20 =	vld [tilespmem:s30+$0x4C50];
	v18 =	vunpack.i.l.bf16.f32 v18;
	v5 =	vadd.f32 v27, v5;
	v7 =	vadd.f32 v12, v7  }
0xbe: {  	[tilespmem:s30+$0x4C70] =	vst v1;
	v12 =	vunpack.i.u.bf16.f32 v28;
	v6 =	vadd.f32 v19, v6;
	v19 =	vunpack.i.u.bf16.f32 v29  }
0xbf: {  	v33 =	vld [tilespmem:s30+$0x4C60];
	[tilespmem:s30+$0x4C60] =	vst v1;
	v10 =	vadd.f32 v13, v10;
	v13 =	vunpack.i.l.bf16.f32 v37;
	v14 =	vunpack.i.l.bf16.f32 v22  }
0xc0: {  	[tilespmem:s30+$0x4CA0] =	vst v1;
	v27 =	vld [tilespmem:s30+$0x4C40];
	v5 =	vadd.f32 v8, v5;
	v8 =	vunpack.i.l.bf16.f32 v11;
	v7 =	vadd.f32 v16, v7  }
0xc1: {  	v63 =	vld [tilespmem:s30+$0x4D60];
	[tilespmem:s30+$0x4D60] =	vst v1;
	v16 =	vunpack.i.l.bf16.f32 v24;
	v11 =	vunpack.i.u.bf16.f32 v11;
	v6 =	vadd.f32 v9, v6  }
0xc2: {  	[tilespmem:s30+$0x4C10] =	vst v1;
	v29 =	vld [tilespmem:s30+$0x4CB0];
	v9 =	vunpack.i.l.bf16.f32 v28;
	v10 =	vadd.f32 v17, v10;
	v24 =	vunpack.i.u.bf16.f32 v20  }
0xc3: {  	[tilespmem:s30+$0x4BE0] =	vst v1;
	v20 =	vunpack.i.l.bf16.f32 v20;
	v7 =	vadd.f32 v25, v7;
	v5 =	vadd.f32 v16, v5  }
0xc4: {  	[tilespmem:s30+$0x4C20] =	vst v1;
	v28 =	vld [tilespmem:s30+$0x4C90];
	v16 =	vunpack.i.l.bf16.f32 v33;
	v6 =	vadd.f32 v30, v6;
	v10 =	vadd.f32 v15, v10  }
0xc5: {  	[tilespmem:s30+$0x4C50] =	vst v1;
	v25 =	vld [tilespmem:s30+$0x4C80];
	v15 =	vunpack.i.u.bf16.f32 v33;
	v36 =	vunpack.i.l.bf16.f32 v27;
	v17 =	vunpack.i.u.bf16.f32 v27  }
0xc6: {  	[tilespmem:s30+$0x4C40] =	vst v1;
	v30 =	vld [tilespmem:s30+$0x4CC0];
	v27 =	vunpack.i.u.bf16.f32 v37;
	v7 =	vadd.f32 v11, v7;
	v5 =	vadd.f32 v9, v5  }
0xc7: {  	[tilespmem:s30+$0x4CB0] =	vst v1;
	v11 =	vunpack.i.u.bf16.f32 v29;
	v8 =	vadd.f32 v8, v6;
	v10 =	vadd.f32 v12, v10  }
0xc8: {  	[tilespmem:s30+$0x4C90] =	vst v1;
	v6 =	vld [tilespmem:s30+$0x4D20];
	v9 =	vadd.f32 v19, v7;
	v19 =	vunpack.i.u.bf16.f32 v22;
	v5 =	vadd.f32 v18, v5  }
0xc9: {  	[tilespmem:s30+$0x4C80] =	vst v1;
	v18 =	vunpack.i.l.bf16.f32 v31;
	v31 =	vunpack.i.u.bf16.f32 v28;
	v8 =	vadd.f32 v32, v8  }
0xca: {  	[tilespmem:s30+$0x4CC0] =	vst v1;
	v7 =	vld [tilespmem:s30+$0x4CD0];
	v10 =	vadd.f32 v34, v10;
	v38 =	vunpack.i.l.bf16.f32 v25;
	v9 =	vadd.f32 v19, v9  }
0xcb: {  	[tilespmem:s30+$0x4D20] =	vst v1;
	v21 =	vunpack.i.l.bf16.f32 v30;
	v18 =	vadd.f32 v18, v5;
	v8 =	vadd.f32 v14, v8  }
0xcc: {  	v12 =	vld [tilespmem:s30+$0x4CF0];
	[tilespmem:s30+$0x4CF0] =	vst v1;
	v22 =	vunpack.i.u.bf16.f32 v25;
	v25 =	vadd.f32 v26, v10;
	v17 =	vadd.f32 v17, v9  }
0xcd: {  	[tilespmem:s30+$0x4CD0] =	vst v1;
	v5 =	vld [tilespmem:s30+$0x4D40];
	v20 =	vadd.f32 v20, v18;
	v18 =	vunpack.i.l.bf16.f32 v6;
	v26 =	vadd.f32 v36, v8  }
0xce: {  	[tilespmem:s30+$0x4D40] =	vst v1;
	v10 =	vld [tilespmem:s30+$0x4D50];
	v8 =	vunpack.i.l.bf16.f32 v35;
	v24 =	vadd.f32 v24, v25;
	v17 =	vadd.f32 v15, v17  }
0xcf: {  	v14 =	vld [tilespmem:s30+$0x4D00];
	[tilespmem:s30+$0x4D00] =	vst v1;
	v25 =	vunpack.i.l.bf16.f32 v28;
	v28 =	vunpack.i.l.bf16.f32 v29;
	v19 =	vunpack.i.u.bf16.f32 v7  }
0xd0: {  	[tilespmem:s30+$0x4D50] =	vst v1;
	v20 =	vadd.f32 v8, v20;
	v8 =	vor.u32 s20, v3;
	v17 =	vadd.f32 v22, v17;
	v22 =	vld [tilespmem:s30+$0x4D30]  }
0xd1: {  	v9 =	vld [tilespmem:s30+$0x4CE0];
	[tilespmem:s30+$0x4CE0] =	vst v1;
	v26 =	vadd.f32 v16, v26;
	v16 =	vunpack.i.u.bf16.f32 v30;
	v23 =	vadd.f32 v23, v24  }
0xd2: {  	v15 =	vld [tilespmem:s30+$0x4D10];
	[tilespmem:s30+$0x4D10] =	vst v1;
	v25 =	vadd.f32 v25, v20;
	v20 =	vunpack.i.l.bf16.f32 v63;
	v17 =	vadd.f32 v27, v17  }
0xd3: {  	[tilespmem:s30+$0x4D30] =	vst v1;
	v27 =	vadd.f32 v38, v26;
	v26 =	vadd.f32 v31, v23;
	v23 =	vunpack.i.l.bf16.f32 v10  }
0xd4: {  	s28 =	simm.s32 $0x1;
	s26 =	sadd.s32 $0x1, s23;
	v24 =	vadd.f32 v16, v17;
	v17 =	vand.u32 v2, v4;
	v16 =	vld [tilespmem:s30+$0x4D70];
	v4 =	vunpack.i.u.bf16.f32 v63;
	[tilespmem:s30+$0x4D70] =	vst v1;
	s30 =	simm.s32 $0x0  }
.LBB2_5:
0xd5: {  	v13 =	vadd.f32 v13, v27;
	v27 =	vunpack.i.u.bf16.f32 v22;
	v22 =	vunpack.i.l.bf16.f32 v22;
	s30 =	sadd.s32 $0x20, s30;
	s31 =	smov.u32 s28;
	s28 =	sadd.s32 $0x1, s28  }
0xd6: {  	v25 =	vadd.f32 v28, v25;
	v7 =	vunpack.i.l.bf16.f32 v7;
	p0 =	sne.s32 s28, $0x20;
	v11 =	vadd.f32 v11, v26  }
0xd7: {  	v26 =	vunpack.i.l.bf16.f32 v15;
	v13 =	vadd.f32 v21, v13;
	v21 =	vunpack.i.l.bf16.f32 v14  }
0xd8: {  	s6 =	sadd.s32 s31, s21;
	v7 =	vadd.f32 v7, v25;
	v11 =	vadd.f32 v19, v11;
	v19 =	vunpack.i.l.bf16.f32 v9  }
0xd9: {  	p1 =	sgt.u32 s6, $0x1F8;
	v9 =	vunpack.i.u.bf16.f32 v9;
	v13 =	vadd.f32 v19, v13;
	v19 =	vunpack.i.l.bf16.f32 v12  }
0xda: {  	s6 =	sadd.s32 @!p1 s31, s21;
	v9 =	vadd.f32 v9, v24;
	v12 =	vunpack.i.u.bf16.f32 v12;
	v7 =	vadd.f32 v19, v7  }
0xdb: {  	s6 =	sadd.s32 @!p1 $0x7, s6;
	v11 =	vadd.f32 v12, v11;
	v12 =	vunpack.i.u.bf16.f32 v14;
	v13 =	vadd.f32 v21, v13  }
0xdc: {  	s7 =	sshrl.u32 @!p1 s6, $0x5;
	s8 =	sand.u32 @!p1 $0x1F, s6;
	s6 =	sand.u32 @!p1 $0x7, s6;
	v9 =	vadd.f32 v12, v9;
	v12 =	vunpack.i.u.bf16.f32 v15;
	v7 =	vadd.f32 v26, v7  }
0xdd: {  	v6 =	vunpack.i.u.bf16.f32 v6;
	s9 =	smul.u32 @!p1 $0xAB, s7;
	v11 =	vadd.f32 v12, v11;
	v12 =	vadd.f32 v18, v13  }
0xde: {  	s6 =	smul.u32 @!p1 $0xA00, s6;
	v6 =	vadd.f32 v6, v9;
	v9 =	vunpack.i.l.bf16.f32 v5;
	v7 =	vadd.f32 v22, v7  }
0xdf: {  	s8 =	smul.u32 @!p1 $0x320, s8;
	s9 =	sshrl.u32 @!p1 s9, $0x9;
	v5 =	vunpack.i.u.bf16.f32 v5;
	v11 =	vadd.f32 v27, v11;
	v9 =	vadd.f32 v9, v12  }
0xe0: {  	s6 =	sshrl.u32 @!p1 s6, $0x2;
	s9 =	sand.u32 @!p1 $0x7F, s9;
	v5 =	vadd.f32 v5, v6;
	v6 =	vunpack.i.u.bf16.f32 v10;
	v7 =	vadd.f32 v23, v7  }
0xe1: {  	s8 =	sshrl.u32 @!p1 s8, $0x2;
	s9 =	smul.u32 @!p1 $0x3, s9;
	v10 =	vunpack.i.l.bf16.f32 v16;
	v6 =	vadd.f32 v6, v11;
	v9 =	vadd.f32 v20, v9  }
0xe2: {  	v11 =	vunpack.i.u.bf16.f32 v16;
	v5 =	vadd.f32 v4, v5;
	v7 =	vadd.f32 v10, v7  }
0xe3: {  	s7 =	ssub.s32 @!p1 s7, s9;
	v4 =	vor.u32 s30, v0;
	v6 =	vadd.f32 v11, v6  }
0xe4: {  	s7 =	sand.u32 @!p1 $0xFF, s7;
	v7 =	vadd.f32 v7, v9  }
0xe5: {  	s7 =	smul.u32 @!p1 $0x6400, s7;
	v5 =	vadd.f32 v6, v5  }
0xe6: {  	[tilespmem:v17+s15+$0x0] =	vst.idx.msk $0xffff, v7  }
0xe7: {  	s7 =	sshrl.u32 @!p1 s7, $0x2;
	[tilespmem:v8+s15+$0x0] =	vst.idx.msk $0xffff, v5  }
0xe8: {  	s6 =	sadd.s32 @!p1 $0x4B00, s6;
	s7 =	sadd.s32 @!p1 s8, s7;
	s8 =	simm.s32 @!p1 $0x28  }
0xe9: {  	[tilespmem:s6], [sflag:$0x1] =	stream.indirect.gather.add.bf16 @!p1 [spmem:s2], $0x10, s7, s8, $0xb8;
	[tilespmem:$0x1E9A0] =	vst v63  }
0xea: {  	s9 =	sadd.s32 @!p1 $0x28, s7;
	s11 =	sadd.s32 @!p1 $0x50, s7;
	s12 =	sadd.s32 @!p1 $0x78, s7  }
0xeb: {  	[tilespmem:s6], [sflag:$0x1] =	stream.indirect.gather.add.bf16 @!p1 [spmem:s2], $0x10, s9, s8, $0xb8;
	[tilespmem:$0x1E9A0] =	vst v63  }
0xec: {  	s7 =	sadd.s32 @!p1 $0xA0, s7  }
0xed: {  	[tilespmem:s6], [sflag:$0x1] =	stream.indirect.gather.add.bf16 @!p1 [spmem:s2], $0x10, s11, s8, $0xb8;
	[tilespmem:$0x1E9A0] =	vst v63  }
0xee: {  	_ = 	snop  }
0xef: {  	[tilespmem:s6], [sflag:$0x1] =	stream.indirect.gather.add.bf16 @!p1 [spmem:s2], $0x10, s12, s8, $0xb8;
	[tilespmem:$0x1E9A0] =	vst v63  }
0xf0: {  	_ = 	snop  }
0xf1: {  	[tilespmem:s6], [sflag:$0x1] =	stream.indirect.gather.add.bf16 @!p1 [spmem:s2], $0x10, s7, s8, $0xb8;
	[tilespmem:$0x1E9A0] =	vst v63  }
0xf2: {  	_ =	swait.ge [sflag:s0], $0x280  }
0xf3: {  	[sflag:s0] =	ssyncset.done $0x0  }
0xf4: {  	[sflag:s0] =	ssyncadd.s32 $0xFFFFFD80  }
0xf5: {  	_ =	swait.ge [sflag:s0], $0x280  }
0xf6: {  	[sflag:s0] =	ssyncset.done $0x0  }
0xf7: {  	[sflag:s0] =	ssyncadd.s32 $0xFFFFFD80  }
0xf8: {  	_ =	swait.ge [sflag:s0], $0x280  }
0xf9: {  	[sflag:s0] =	ssyncset.done $0x0  }
0xfa: {  	[sflag:s0] =	ssyncadd.s32 $0xFFFFFD80  }
0xfb: {  	_ =	swait.ge [sflag:s0], $0x280  }
0xfc: {  	[sflag:s0] =	ssyncset.done $0x0  }
0xfd: {  	s6 =	sand.u32 $0x7, s31;
	[sflag:s0] =	ssyncadd.s32 $0xFFFFFD80  }
0xfe: {  	s6 =	smul.u32 $0xA00, s6;
	_ =	swait.ge [sflag:s0], $0x280  }
0xff: {  	[sflag:s0] =	ssyncset.done $0x0  }
0x100: {  	s31 =	sshrl.u32 s6, $0x2;
	[sflag:s0] =	ssyncadd.s32 $0xFFFFFD80  }
0x101: {  	v5 =	vld [tilespmem:s31+$0x4B50]  }
0x102: {  	v6 =	vld [tilespmem:s31+$0x4B40];
	[tilespmem:s31+$0x4B50] =	vst v1  }
0x103: {  	v7 =	vld [tilespmem:s31+$0x4B20];
	[tilespmem:s31+$0x4B40] =	vst v1  }
0x104: {  	[tilespmem:s31+$0x4B20] =	vst v1;
	v8 =	vld [tilespmem:s31+$0x4B30]  }
0x105: {  	v9 =	vld [tilespmem:s31+$0x4B00];
	[tilespmem:s31+$0x4B30] =	vst v1  }
0x106: {  	[tilespmem:s31+$0x4B00] =	vst v1;
	v10 =	vld [tilespmem:s31+$0x4B10]  }
0x107: {  	[tilespmem:s31+$0x4B10] =	vst v1;
	v11 =	vld [tilespmem:s31+$0x4B60]  }
0x108: {  	[tilespmem:s31+$0x4B60] =	vst v1;
	v12 =	vld [tilespmem:s31+$0x4B70]  }
0x109: {  	v13 =	vunpack.i.l.bf16.f32 v7;
	v14 =	vunpack.i.u.bf16.f32 v8;
	[tilespmem:s31+$0x4B70] =	vst v1;
	v15 =	vld [tilespmem:s31+$0x4B80]  }
0x10a: {  	v17 =	vunpack.i.u.bf16.f32 v6;
	v16 =	vunpack.i.u.bf16.f32 v9;
	v9 =	vunpack.i.l.bf16.f32 v9;
	[tilespmem:s31+$0x4B80] =	vst v1;
	v18 =	vld [tilespmem:s31+$0x4B90]  }
0x10b: {  	v6 =	vunpack.i.l.bf16.f32 v6;
	v7 =	vunpack.i.u.bf16.f32 v7;
	v19 =	vunpack.i.l.bf16.f32 v10;
	[tilespmem:s31+$0x4B90] =	vst v1;
	v20 =	vld [tilespmem:s31+$0x4BB0]  }
0x10c: {  	v21 =	vunpack.i.u.bf16.f32 v5;
	v16 =	vadd.f32 $0.0e+00, v16;
	v19 =	vadd.f32 $0.0e+00, v19;
	v22 =	vld [tilespmem:s31+$0x4BA0];
	[tilespmem:s31+$0x4BB0] =	vst v1  }
0x10d: {  	v8 =	vunpack.i.l.bf16.f32 v8;
	v9 =	vadd.f32 $0.0e+00, v9;
	v23 =	vunpack.i.u.bf16.f32 v12;
	[tilespmem:s31+$0x4BA0] =	vst v1;
	v24 =	vld [tilespmem:s31+$0x4BD0]  }
0x10e: {  	v5 =	vunpack.i.l.bf16.f32 v5;
	v8 =	vadd.f32 v8, v19;
	v19 =	vunpack.i.l.bf16.f32 v15;
	v25 =	vld [tilespmem:s31+$0x4BC0];
	[tilespmem:s31+$0x4BD0] =	vst v1  }
0x10f: {  	v26 =	vunpack.i.l.bf16.f32 v11;
	v12 =	vunpack.i.l.bf16.f32 v12;
	v27 =	vunpack.i.l.bf16.f32 v18;
	[tilespmem:s31+$0x4BC0] =	vst v1;
	v28 =	vld [tilespmem:s31+$0x4BF0]  }
0x110: {  	v7 =	vadd.f32 v7, v16;
	v5 =	vadd.f32 v5, v8;
	v8 =	vunpack.i.u.bf16.f32 v11;
	v11 =	vld [tilespmem:s31+$0x4BE0];
	[tilespmem:s31+$0x4BF0] =	vst v1  }
0x111: {  	v9 =	vadd.f32 v13, v9;
	v16 =	vunpack.i.u.bf16.f32 v18;
	v13 =	vunpack.i.u.bf16.f32 v22;
	[tilespmem:s31+$0x4BE0] =	vst v1;
	v18 =	vld [tilespmem:s31+$0x4C10]  }
0x112: {  	v5 =	vadd.f32 v12, v5;
	v12 =	vunpack.i.u.bf16.f32 v15;
	v29 =	vunpack.i.u.bf16.f32 v24;
	v15 =	vld [tilespmem:s31+$0x4C00];
	[tilespmem:s31+$0x4C10] =	vst v1  }
0x113: {  	v7 =	vadd.f32 v17, v7;
	v17 =	vunpack.i.u.bf16.f32 v20;
	v30 =	vunpack.i.l.bf16.f32 v25;
	[tilespmem:s31+$0x4C00] =	vst v1;
	v31 =	vld [tilespmem:s31+$0x4C30]  }
0x114: {  	v6 =	vadd.f32 v6, v9;
	v9 =	vunpack.i.l.bf16.f32 v22;
	v5 =	vadd.f32 v27, v5;
	v22 =	vld [tilespmem:s31+$0x4C20];
	[tilespmem:s31+$0x4C30] =	vst v1  }
0x115: {  	v10 =	vunpack.i.u.bf16.f32 v10;
	v7 =	vadd.f32 v8, v7;
	v8 =	vunpack.i.l.bf16.f32 v20;
	[tilespmem:s31+$0x4C20] =	vst v1;
	v20 =	vld [tilespmem:s31+$0x4C50]  }
0x116: {  	v10 =	vadd.f32 $0.0e+00, v10;
	v5 =	vadd.f32 v8, v5;
	v8 =	vunpack.i.l.bf16.f32 v11;
	v27 =	vld [tilespmem:s31+$0x4C40];
	[tilespmem:s31+$0x4C50] =	vst v1  }
0x117: {  	v7 =	vadd.f32 v12, v7;
	v32 =	vunpack.i.u.bf16.f32 v28;
	v33 =	vunpack.i.l.bf16.f32 v15;
	[tilespmem:s31+$0x4C40] =	vst v1;
	v34 =	vld [tilespmem:s31+$0x4C70]  }
0x118: {  	v6 =	vadd.f32 v26, v6;
	v12 =	vunpack.i.u.bf16.f32 v25;
	v25 =	vunpack.i.u.bf16.f32 v31;
	v26 =	vld [tilespmem:s31+$0x4C60];
	[tilespmem:s31+$0x4C70] =	vst v1  }
0x119: {  	v10 =	vadd.f32 v14, v10;
	v35 =	vunpack.i.u.bf16.f32 v18;
	v36 =	vunpack.i.l.bf16.f32 v22;
	[tilespmem:s31+$0x4C60] =	vst v1;
	v37 =	vld [tilespmem:s31+$0x4C90]  }
0x11a: {  	v7 =	vadd.f32 v13, v7;
	v13 =	vunpack.i.l.bf16.f32 v24;
	v24 =	vunpack.i.u.bf16.f32 v20;
	v38 =	vld [tilespmem:s31+$0x4C80];
	[tilespmem:s31+$0x4C90] =	vst v1  }
0x11b: {  	v6 =	vadd.f32 v19, v6;
	v11 =	vunpack.i.u.bf16.f32 v11;
	v39 =	vunpack.i.l.bf16.f32 v27;
	[tilespmem:s31+$0x4C80] =	vst v1;
	v40 =	vld [tilespmem:s31+$0x4CA0]  }
0x11c: {  	v10 =	vadd.f32 v21, v10;
	v7 =	vadd.f32 v12, v7;
	v12 =	vunpack.i.u.bf16.f32 v15;
	[tilespmem:s31+$0x4CA0] =	vst v1;
	v41 =	vld [tilespmem:s31+$0x4CB0]  }
0x11d: {  	v6 =	vadd.f32 v9, v6;
	v9 =	vunpack.i.l.bf16.f32 v28;
	v5 =	vadd.f32 v13, v5;
	[tilespmem:s31+$0x4CB0] =	vst v1;
	v28 =	vld [tilespmem:s31+$0x4CC0]  }
0x11e: {  	v10 =	vadd.f32 v23, v10;
	v11 =	vadd.f32 v11, v7;
	v23 =	vunpack.i.l.bf16.f32 v26;
	[tilespmem:s31+$0x4CC0] =	vst v1;
	v7 =	vld [tilespmem:s31+$0x4CD0]  }
0x11f: {  	v15 =	vadd.f32 v30, v6;
	v14 =	vadd.f32 v9, v5;
	v30 =	vunpack.i.u.bf16.f32 v34;
	[tilespmem:s31+$0x4CD0] =	vst v1;
	v9 =	vld [tilespmem:s31+$0x4CE0]  }
0x120: {  	v18 =	vunpack.i.l.bf16.f32 v18;
	v12 =	vadd.f32 v12, v11;
	v13 =	vunpack.i.l.bf16.f32 v40;
	[tilespmem:s31+$0x4CE0] =	vst v1;
	v6 =	vld [tilespmem:s31+$0x4D20]  }
0x121: {  	v10 =	vadd.f32 v16, v10;
	v16 =	vunpack.i.u.bf16.f32 v22;
	v11 =	vunpack.i.u.bf16.f32 v41;
	[tilespmem:s31+$0x4D20] =	vst v1;
	v5 =	vld [tilespmem:s31+$0x4D40]  }
0x122: {  	v16 =	vadd.f32 v16, v12;
	v43 =	vunpack.i.u.bf16.f32 v37;
	v42 =	vunpack.i.l.bf16.f32 v38;
	v12 =	vld [tilespmem:s31+$0x4CF0];
	[tilespmem:s31+$0x4D40] =	vst v1  }
0x123: {  	v10 =	vadd.f32 v17, v10;
	v17 =	vadd.f32 v18, v14;
	v18 =	vunpack.i.u.bf16.f32 v27;
	[tilespmem:s31+$0x4CF0] =	vst v1;
	v14 =	vld [tilespmem:s31+$0x4D00]  }
0x124: {  	v19 =	vunpack.i.l.bf16.f32 v31;
	v8 =	vadd.f32 v8, v15;
	v16 =	vadd.f32 v18, v16;
	[tilespmem:s31+$0x4D00] =	vst v1;
	v15 =	vld [tilespmem:s31+$0x4D10]  }
0x125: {  	v17 =	vadd.f32 v19, v17;
	v18 =	vadd.f32 v29, v10;
	v19 =	vunpack.i.u.bf16.f32 v7;
	[tilespmem:s31+$0x4D10] =	vst v1;
	v22 =	vld [tilespmem:s31+$0x4D30]  }
0x126: {  	v8 =	vadd.f32 v33, v8;
	v21 =	vunpack.i.l.bf16.f32 v28;
	[tilespmem:s31+$0x4D30] =	vst v1;
	v10 =	vld [tilespmem:s31+$0x4D50]  }
0x127: {  	v26 =	vunpack.i.u.bf16.f32 v26;
	v18 =	vadd.f32 v32, v18;
	[tilespmem:s31+$0x4D50] =	vst v1;
	v29 =	vld [tilespmem:s31+$0x4D60]  }
0x128: {  	v20 =	vunpack.i.l.bf16.f32 v20;
	v8 =	vadd.f32 v36, v8;
	v26 =	vadd.f32 v26, v16;
	[tilespmem:s31+$0x4D60] =	vst v1;
	v16 =	vld [tilespmem:s31+$0x4D70]  }
0x129: {  	v27 =	vadd.f32 v35, v18;
	v18 =	vunpack.i.u.bf16.f32 v38;
	[tilespmem:s31+$0x4D70] =	vst v1  }
0x12a: {  	v17 =	vadd.f32 v20, v17;
	v20 =	vadd.f32 v18, v26;
	v18 =	vunpack.i.l.bf16.f32 v6  }
0x12b: {  	v26 =	vadd.f32 v39, v8;
	v8 =	vunpack.i.l.bf16.f32 v34;
	v25 =	vadd.f32 v25, v27  }
0x12c: {  	v17 =	vadd.f32 v8, v17;
	v27 =	vunpack.i.u.bf16.f32 v40;
	v8 =	vor.u32 s30, v3  }
.Ltmp1:
0x12d: {  	v20 =	vadd.f32 v27, v20;
	v24 =	vadd.f32 v24, v25;
	v25 =	vunpack.i.l.bf16.f32 v37;
	(pc) =	sbr.rel @p0 .LBB2_5-.Ltmp1, $4  }
0x12e: {  	v23 =	vadd.f32 v23, v26;
	v25 =	vadd.f32 v25, v17;
	v17 =	vunpack.i.u.bf16.f32 v28  }
0x12f: {  	v26 =	vadd.f32 v30, v24;
	v24 =	vadd.f32 v17, v20;
	v17 =	vand.u32 v2, v4  }
0x130: {  	v27 =	vadd.f32 v42, v23;
	v4 =	vunpack.i.u.bf16.f32 v29;
	v20 =	vunpack.i.l.bf16.f32 v29  }
0x131: {  	v28 =	vunpack.i.l.bf16.f32 v41;
	v26 =	vadd.f32 v43, v26;
	v23 =	vunpack.i.l.bf16.f32 v10  }
0x132: {  	v13 =	vadd.f32 v13, v27;
	v48 =	vunpack.i.l.bf16.f32 v22  }
0x133: {  	v25 =	vadd.f32 v28, v25;
	v7 =	vunpack.i.l.bf16.f32 v7;
	v49 =	vunpack.i.l.bf16.f32 v14  }
0x134: {  	v50 =	vunpack.i.l.bf16.f32 v15;
	v51 =	vunpack.i.l.bf16.f32 v9;
	v11 =	vadd.f32 v11, v26  }
0x135: {  	v52 =	vunpack.i.u.bf16.f32 v9;
	v13 =	vadd.f32 v21, v13;
	v7 =	vadd.f32 v7, v25  }
0x136: {  	v53 =	vunpack.i.l.bf16.f32 v12;
	v54 =	vunpack.i.u.bf16.f32 v12;
	v11 =	vadd.f32 v19, v11  }
0x137: {  	v55 =	vunpack.i.u.bf16.f32 v14;
	v13 =	vadd.f32 v51, v13;
	v7 =	vadd.f32 v53, v7  }
0x138: {  	v56 =	vunpack.i.u.bf16.f32 v15;
	v9 =	vadd.f32 v52, v24;
	v11 =	vadd.f32 v54, v11  }
0x139: {  	v6 =	vunpack.i.u.bf16.f32 v6;
	v13 =	vadd.f32 v49, v13;
	v7 =	vadd.f32 v50, v7  }
0x13a: {  	v58 =	vunpack.i.u.bf16.f32 v22;
	v9 =	vadd.f32 v55, v9;
	v11 =	vadd.f32 v56, v11  }
0x13b: {  	v59 =	vunpack.i.l.bf16.f32 v5;
	v57 =	vadd.f32 v18, v13;
	v7 =	vadd.f32 v48, v7  }
0x13c: {  	v5 =	vunpack.i.u.bf16.f32 v5;
	v6 =	vadd.f32 v6, v9;
	v11 =	vadd.f32 v58, v11  }
0x13d: {  	v10 =	vunpack.i.u.bf16.f32 v10;
	v9 =	vadd.f32 v59, v57;
	v7 =	vadd.f32 v23, v7  }
0x13e: {  	v61 =	vunpack.i.l.bf16.f32 v16;
	v5 =	vadd.f32 v5, v6;
	v60 =	vadd.f32 v10, v11  }
0x13f: {  	v62 =	vunpack.i.u.bf16.f32 v16;
	v9 =	vadd.f32 v20, v9;
	v7 =	vadd.f32 v61, v7  }
0x140: {  	v4 =	vadd.f32 v4, v5;
	v5 =	vadd.f32 v62, v60  }
0x141: {  	v63 =	vadd.f32 v7, v9  }
0x142: {  	v4 =	vadd.f32 v5, v4  }
0x143: {  	s6 =	sshll.u32 s23, $0x7;
	p0 =	sne.s32 s26, $0x10;
	[tilespmem:v17+s15+$0x0] =	vst.idx.msk $0xffff, v63  }
.Ltmp2:
0x144: {  	s6 =	sadd.s32 s6, s10;
	[tilespmem:v8+s15+$0x0] =	vst.idx.msk $0xffff, v4;
	(pc) =	sbr.rel @p0 .LBB2_4-.Ltmp2, $4  }
0x145: {  	[hbm4b:s6+s3] =	stream.linear.scatter [tilespmem:s15], [sflag:$0x3], $0x400, $0x38;
	[tilespmem:$0x1E9A0] =	vst v63  }
0x146: {  	_ =	swait.ge [sflag:s13], $0x400  }
0x147: {  	[sflag:s13] =	ssyncset.done $0x0  }
0x148: {  	s21 =	sadd.s32 $0x20, s21;
	s23 =	smov.u32 s26;
	[sflag:s13] =	ssyncadd.s32 $0xFFFFFC00  }
0x149: {  	s19 =	sadd.s32 $0x1, s19;
	s6 =	rddreg [dreg:$0x8]  }
0x14a: {  	p0 =	sne.s32 s19, s6  }
.Ltmp3:
0x14b: {  	_ = 	snop;
	(pc) =	sbr.rel @p0 .LBB2_1-.Ltmp3, $1  }
0x14c: {  	_ =	sdelay $0x3  }
0x14d: {  	_ =	sfence.sel $0x180000  }
0x14e: {  	[bflag:$0x0] =	sbarrier.arrive $0xFFFF  }
0x14f: {  	_ =	strace $0x90000047  }
0x150: {  	s0 =	stileid.u32;
	[bflag:$0x2] =	sbarrier.arrive $0xFFFF  }
0x151: {  	p0 =	sne.s32 s0, $0x0;
	s0 =	rddreg [dreg:$0x3]  }
0x152: {  	s0 =	sadd.s32 @!p0 $0x100000, s0  }
0x153: {  	[sflag:s0] =	ssyncadd.tile.s32 @!p0 $0x1;
	_ =	shalt  }
.Lfunc_end2:
_tile_overlayer_lowered:
.L_overlay_start_2:
0x154: {  	(tag) =	ssettag $0x2  }
0x155: {  	s0 =	rddreg [dreg:$0x0];
	s2 =	stileid.u32  }
0x156: {  	s1 =	rddreg [dreg:$0x1];
	p0 =	sne.s32 s2, $0x0  }
0x157: {  	s3 =	rddreg [dreg:$0x2];
	[bflag:$0x3] =	sbarrier.arrive $0xFFFF;
	s2 =	simm.s32 @!p0 $0x1C03  }
0x158: {  	[timem:s3], [sflag:s2] =	dma.local @!p0 [hbm:s0], s1  }
0x159: {  	s0 =	simm.s32 @!p0 $0x3  }
0x15a: {  	_ =	swait.ge @!p0 [sflag:s0], s1  }
0x15b: {  	s1 =	ssub.s32 @!p0 $0x0, s1;
	[sflag:s0] =	ssyncset.done @!p0 $0x0  }
0x15c: {  	[sflag:s0] =	ssyncadd.s32 @!p0 s1  }
0x15d: {  	[bflag:$0x3] =	sbarrier.arrive $0xFFFF  }
0x15e: {  	_ =	shalt  }

</sc_bundles>
